<compile_context>
chip_gen: v7x
topology: tpu7x:2x2x1
jax: 0.10.2.dev20260603
libtpu: 0.0.44.dev20260713+nightly
codegen_flags: <defaults>
</compile_context>

<pallas_src>
import jax
import jax.numpy as jnp
from jax import lax
from jax.experimental import pallas as pl
from jax.experimental.pallas import tpu as pltpu
from jax.experimental.pallas import tpu_sc as plsc

B = 1024
SEQ = 200
MLEN = 20
EMB = 64
WPE = 16
OUTD = EMB + WPE
PAD = 128
NC, NS, L = 2, 16, 16
NW = NC * NS
BPW = B // NW
RPW = BPW * SEQ
MPW = BPW * MLEN
SEQ_A = 128
SEQ_B = SEQ - SEQ_A


def _body(words_hbm, ments_hbm, mlen_hbm, pos_hbm, w2_hbm, wpos_hbm,
          out_sent, out_ment, out_pool,
          widx, pidx, midx, mlen_v, comb0, comb1, combo, mrow0, mrow1,
          mbo0, mbo1, wposv, pool_v, w0v, gsem, wsem, msem, osem):
    wid = lax.axis_index("s") * NC + lax.axis_index("c")
    b0 = wid * BPW

    stage = [
        pltpu.async_copy(words_hbm.at[wid], widx, osem),
        pltpu.async_copy(pos_hbm.at[wid], pidx, osem),
        pltpu.async_copy(ments_hbm.at[wid], midx, osem),
        pltpu.async_copy(mlen_hbm.at[pl.ds(b0, BPW)], mlen_v, osem),
        pltpu.async_copy(wpos_hbm, wposv, osem),
        pltpu.async_copy(w2_hbm.at[pl.ds(0, 8)], w0v, osem),
    ]
    for d in stage:
        d.wait()

    mrows = (mrow0, mrow1)

    pltpu.async_copy(w2_hbm.at[widx.at[pl.ds(0, SEQ_A)]],
                     comb0.at[pl.ds(0, SEQ_A)], gsem)
    pltpu.async_copy(w2_hbm.at[widx.at[pl.ds(SEQ_A, SEQ_B)]],
                     comb0.at[pl.ds(SEQ_A, SEQ_B)], gsem)

    def pool_init(bb, _):
        ml = plsc.load_gather(mlen_v, [jnp.full((L,), bb, jnp.int32)])
        rem = (MLEN - jnp.maximum(ml - 2, 0)).astype(jnp.float32)
        for c in range(EMB // L):
            pool_v[bb, pl.ds(c * L, L)] = rem * w0v[0, pl.ds(c * L, L)]
        return _

    lax.fori_loop(0, BPW, pool_init, 0)

    def fire_m(p, buf):
        return pltpu.async_copy(
            w2_hbm.at[midx.at[pl.ds(p * 2 * MLEN, 2 * MLEN)]], buf, msem)

    NPAIR = BPW // 2

    def process_pair(p, buf, mb):
        mls = [plsc.load_gather(mlen_v,
                                [jnp.full((L,), 2 * p + h, jnp.int32)])
               for h in range(2)]

        def jloop(j, _):
            jv = jnp.full((L,), j, jnp.int32)
            for half in range(2):
                row = half * MLEN + j
                w = jnp.where((jv >= 1) & (jv < mls[half] - 1), 1.0, 0.0)
                for c in range(EMB // L):
                    v = buf[row, pl.ds(c * L, L)]
                    mb[half * 24 + j, pl.ds(c * L, L)] = v
                    plsc.addupdate(pool_v.at[2 * p + half, pl.ds(c * L, L)],
                                   v * w)
            return _

        lax.fori_loop(0, MLEN, jloop, 0)

    def ment_iter(p, _):
        even = (p % 2) == 0

        def run(cur, oth, mb):
            pltpu.make_async_copy(w2_hbm.at[pl.ds(0, 2 * MLEN)], cur,
                                  msem).wait()

            @pl.when(p < NPAIR - 1)
            def _fire_next():
                fire_m(p + 1, oth)

            @pl.when(p > 1)
            def _wait_old_write():
                pltpu.make_async_copy(mb.at[pl.ds(0, MLEN)],
                                      out_ment.at[0], osem).wait()
                pltpu.make_async_copy(mb.at[pl.ds(24, MLEN)],
                                      out_ment.at[0], osem).wait()

            process_pair(p, cur, mb)
            pltpu.async_copy(mb.at[pl.ds(0, MLEN)],
                             out_ment.at[b0 + 2 * p], osem)
            pltpu.async_copy(mb.at[pl.ds(24, MLEN)],
                             out_ment.at[b0 + 2 * p + 1], osem)

        @pl.when(even)
        def _even():
            run(mrow0, mrow1, mbo0)

        @pl.when(jnp.logical_not(even))
        def _odd():
            run(mrow1, mrow0, mbo1)

        return _

    fire_m(0, mrows[0])
    lax.fori_loop(0, NPAIR, ment_iter, 0)
    for mb in (mbo0, mbo1):
        pltpu.make_async_copy(mb.at[pl.ds(0, MLEN)],
                              out_ment.at[0], osem).wait()
        pltpu.make_async_copy(mb.at[pl.ds(24, MLEN)],
                              out_ment.at[0], osem).wait()

    def pool_fin(bb, _):
        ml = plsc.load_gather(mlen_v, [jnp.full((L,), bb, jnp.int32)])
        denom = jnp.maximum(ml - 2, 1).astype(jnp.float32)
        for c in range(EMB // L):
            pool_v[bb, pl.ds(c * L, L)] = pool_v[bb, pl.ds(c * L, L)] / denom
        return _

    lax.fori_loop(0, BPW, pool_fin, 0)
    pltpu.sync_copy(pool_v, out_pool.at[pl.ds(b0, BPW)])

    iota = lax.iota(jnp.int32, L)

    def fire_s(bb, buf):
        base = bb * SEQ
        pltpu.async_copy(w2_hbm.at[widx.at[pl.ds(base, SEQ_A)]],
                         buf.at[pl.ds(0, SEQ_A)], gsem)
        pltpu.async_copy(w2_hbm.at[widx.at[pl.ds(base + SEQ_A, SEQ_B)]],
                         buf.at[pl.ds(SEQ_A, SEQ_B)], gsem)

    def wait_s(buf):
        pltpu.make_async_copy(w2_hbm.at[pl.ds(0, SEQ)], buf, gsem).wait()

    def fill_rows(bb, buf):
        @plsc.parallel_loop(0, SEQ // 2, unroll=2)
        def fill2(k):
            r = k * 2
            for u in range(2):
                for c in range(EMB // L):
                    combo[r + u, pl.ds(c * L, L)] = buf[r + u, pl.ds(c * L, L)]
                p = plsc.load_gather(
                    pidx, [jnp.full((L,), bb * SEQ + r + u, jnp.int32)])
                pv = plsc.load_gather(wposv, [(p >> 3),
                                              (p & 7) * WPE + iota])
                combo[r + u, pl.ds(EMB, WPE)] = pv

    def sent_iter(bb, _):
        even = (bb % 2) == 0

        def run(cur, oth):
            wait_s(cur)

            @pl.when(bb < BPW - 1)
            def _fire_next():
                fire_s(bb + 1, oth)

            @pl.when(bb > 0)
            def _wait_prev_write():
                pltpu.make_async_copy(combo, out_sent.at[b0], wsem).wait()

            fill_rows(bb, cur)
            pltpu.async_copy(combo, out_sent.at[b0 + bb], wsem)

        @pl.when(even)
        def _even():
            run(comb0, comb1)

        @pl.when(jnp.logical_not(even))
        def _odd():
            run(comb1, comb0)

        return _

    lax.fori_loop(0, BPW, sent_iter, 0)
    pltpu.make_async_copy(combo, out_sent.at[b0], wsem).wait()


def kernel(input_words, input_mentions, input_mentionlen, input_positions, W_embed, W_pos):
    words2 = input_words.reshape(NW, RPW).astype(jnp.int32)
    pos2 = input_positions.reshape(NW, RPW).astype(jnp.int32)
    ments2 = input_mentions.reshape(NW, MPW).astype(jnp.int32)
    mlen = input_mentionlen.astype(jnp.int32)
    w2 = jnp.pad(W_embed, ((0, 0), (0, PAD - EMB)))
    wposf = jnp.pad(W_pos.reshape(-1), (0, 64 * PAD - 500 * WPE))
    wposf = wposf.reshape(64, PAD)
    mesh = plsc.VectorSubcoreMesh(core_axis_name="c", subcore_axis_name="s")
    out_sent, out_ment, out_pool = pl.kernel(
        _body,
        out_type=[
            jax.ShapeDtypeStruct((B, SEQ, OUTD), jnp.float32),
            jax.ShapeDtypeStruct((B, MLEN, EMB), jnp.float32),
            jax.ShapeDtypeStruct((B, EMB), jnp.float32),
        ],
        mesh=mesh,
        compiler_params=pltpu.CompilerParams(needs_layout_passes=False),
        scratch_types=[
            pltpu.VMEM((RPW,), jnp.int32),
            pltpu.VMEM((RPW,), jnp.int32),
            pltpu.VMEM((MPW,), jnp.int32),
            pltpu.VMEM((BPW,), jnp.int32),
            pltpu.VMEM((SEQ, PAD), jnp.float32),
            pltpu.VMEM((SEQ, PAD), jnp.float32),
            pltpu.VMEM((SEQ, OUTD), jnp.float32),
            pltpu.VMEM((2 * MLEN, PAD), jnp.float32),
            pltpu.VMEM((2 * MLEN, PAD), jnp.float32),
            pltpu.VMEM((48, EMB), jnp.float32),
            pltpu.VMEM((48, EMB), jnp.float32),
            pltpu.VMEM((64, PAD), jnp.float32),
            pltpu.VMEM((BPW, EMB), jnp.float32),
            pltpu.VMEM((8, PAD), jnp.float32),
            pltpu.SemaphoreType.DMA,
            pltpu.SemaphoreType.DMA,
            pltpu.SemaphoreType.DMA,
            pltpu.SemaphoreType.DMA,
        ],
    )(words2, ments2, mlen, pos2, w2, wposf)
    return (out_sent, out_ment, out_pool)

# --- scband reference (transcript-rebuilt; emitter-appended) ---
"""Pipeline reference for scband-nfetc-19009525252704 (READ-ONLY COPY).

The authoritative reference and input builder live on the scoring server;
editing this copy changes nothing except your own understanding.
"""

import jax, jax.numpy as jnp
import numpy as np

B = 1024
SEQ_LEN = 200
MENTION_LEN = 20
VOCAB = 100000
EMB = 64
POS = 500
WPE_DIM = 16


def setup_inputs(seed: int = 0) -> dict:
    key = jax.random.key(seed)
    ks = jax.random.split(key, 6)
    return {
        "input_words": jax.random.randint(ks[0], (B, SEQ_LEN), 0, VOCAB),
        "input_mentions": jax.random.randint(ks[1], (B, MENTION_LEN), 0, VOCAB),
        "input_mentionlen": jax.random.randint(ks[2], (B,), 0, MENTION_LEN),
        "input_positions": jax.random.randint(ks[3], (B, SEQ_LEN), 0, POS),
        "W_embed": jax.random.normal(ks[4], (VOCAB, EMB), dtype=jnp.float32),
        "W_pos": jax.random.normal(ks[5], (POS, WPE_DIM), dtype=jnp.float32),
    }


def reference(input_words, input_mentions, input_mentionlen, input_positions, W_embed, W_pos):
    # mention masking (from add_placeholders)
    interval = jnp.arange(MENTION_LEN).at[0].set(MENTION_LEN)
    interval_row = interval[None, :]
    upper = (input_mentionlen - 1)[:, None]
    mask = interval_row < upper
    mention = jnp.where(mask, input_mentions, jnp.zeros_like(input_mentions))
    mentionlen = jnp.sum(mask.astype(jnp.int32), axis=-1)
    mentionlen = jnp.where(mentionlen != 0, mentionlen, jnp.ones_like(mentionlen))
    mentionlen = mentionlen.astype(jnp.float32)[:, None]

    # add_embedding: word embedding lookups
    embedded_words = jnp.take(W_embed, input_words, axis=0)
    embedded_mentions = jnp.take(W_embed, input_mentions, axis=0)
    mention_embedding = jnp.sum(jnp.take(W_embed, mention, axis=0), axis=1) / mentionlen

    # position embedding lookup
    wpe_chars = jnp.take(W_pos, input_positions, axis=0)

    input_sentences = jnp.concatenate([embedded_words, wpe_chars], axis=2)
    return (input_sentences, embedded_mentions, mention_embedding)

if __name__ == "__main__":
    import jax
    _d = setup_inputs()
    print(jax.jit(kernel)(*tuple(_d.values())))

</pallas_src>

<mosaic_0001>
#map = affine_map<(d0, d1) -> (0, 0)>
#map1 = affine_map<(d0, d1) -> (0)>
#map2 = affine_map<(d0, d1) -> (0, 0, 0)>
module attributes {stable_mosaic.version = 14 : i64} {
  func.func @_body(%arg0: i32, %arg1: i32, %arg2: memref<32x6400xi32, #tpu.memory_space<hbm>>, %arg3: memref<32x640xi32, #tpu.memory_space<hbm>>, %arg4: memref<1024xi32, #tpu.memory_space<hbm>>, %arg5: memref<32x6400xi32, #tpu.memory_space<hbm>>, %arg6: memref<100000x128xf32, #tpu.memory_space<hbm>>, %arg7: memref<64x128xf32, #tpu.memory_space<hbm>>, %arg8: memref<1024x200x80xf32, #tpu.memory_space<hbm>>, %arg9: memref<1024x20x64xf32, #tpu.memory_space<hbm>>, %arg10: memref<1024x64xf32, #tpu.memory_space<hbm>>, %arg11: memref<6400xi32, #tpu.memory_space<vmem>>, %arg12: memref<6400xi32, #tpu.memory_space<vmem>>, %arg13: memref<640xi32, #tpu.memory_space<vmem>>, %arg14: memref<32xi32, #tpu.memory_space<vmem>>, %arg15: memref<200x128xf32, #tpu.memory_space<vmem>>, %arg16: memref<200x128xf32, #tpu.memory_space<vmem>>, %arg17: memref<200x80xf32, #tpu.memory_space<vmem>>, %arg18: memref<40x128xf32, #tpu.memory_space<vmem>>, %arg19: memref<40x128xf32, #tpu.memory_space<vmem>>, %arg20: memref<48x64xf32, #tpu.memory_space<vmem>>, %arg21: memref<48x64xf32, #tpu.memory_space<vmem>>, %arg22: memref<64x128xf32, #tpu.memory_space<vmem>>, %arg23: memref<32x64xf32, #tpu.memory_space<vmem>>, %arg24: memref<8x128xf32, #tpu.memory_space<vmem>>, %arg25: memref<!tpu.dma_semaphore, #tpu.memory_space<semaphore_mem>>, %arg26: memref<!tpu.dma_semaphore, #tpu.memory_space<semaphore_mem>>, %arg27: memref<!tpu.dma_semaphore, #tpu.memory_space<semaphore_mem>>, %arg28: memref<!tpu.dma_semaphore, #tpu.memory_space<semaphore_mem>>) attributes {dimension_semantics = [#tpu.dimension_semantics<core_parallel>, #tpu.dimension_semantics<subcore_parallel>], iteration_bounds = array<i64: 2, 16>, scalar_prefetch = 0 : i64, scratch_operands = 18 : i64, tpu.core_type = #tpu.core_type<sc_vector_subcore>, window_params = [{transform_indices = #map}, {transform_indices = #map}, {transform_indices = #map1}, {transform_indices = #map}, {transform_indices = #map}, {transform_indices = #map}, {transform_indices = #map2}, {transform_indices = #map2}, {transform_indices = #map}]} {
    %mul3A = arith.constant 2 : i32
    %mul3A_0 = arith.muli %arg1, %mul3A : i32
    %add3A = arith.addi %mul3A_0, %arg0 : i32
    %mul3A_1 = arith.constant 32 : i32
    %mul3A_2 = arith.muli %add3A, %mul3A_1 : i32
    %dma_start3A = arith.constant 0 : i32
    %dma_start3A_3 = tpu.memref_slice %arg2[%add3A, %dma_start3A] : memref<32x6400xi32, #tpu.memory_space<hbm>> -> memref<1x6400xi32, #tpu.memory_space<hbm>>
    %dma_start3A_4 = tpu.memref_squeeze %dma_start3A_3 : memref<1x6400xi32, #tpu.memory_space<hbm>> -> memref<6400xi32, #tpu.memory_space<hbm>>
    %dma_start3A_5 = arith.constant 0 : i32
    %dma_start3A_6 = tpu.memref_slice %arg2[%add3A, %dma_start3A_5] : memref<32x6400xi32, #tpu.memory_space<hbm>> -> memref<1x6400xi32, #tpu.memory_space<hbm>>
    %dma_start3A_7 = tpu.memref_squeeze %dma_start3A_6 : memref<1x6400xi32, #tpu.memory_space<hbm>> -> memref<6400xi32, #tpu.memory_space<hbm>>
    tpu.enqueue_dma source(%dma_start3A_7 : memref<6400xi32, #tpu.memory_space<hbm>>) target(%arg11 : memref<6400xi32, #tpu.memory_space<vmem>>) target_semaphore(%arg28 : memref<!tpu.dma_semaphore, #tpu.memory_space<semaphore_mem>>)
    %dma_start3A_8 = arith.constant 0 : i32
    %dma_start3A_9 = tpu.memref_slice %arg5[%add3A, %dma_start3A_8] : memref<32x6400xi32, #tpu.memory_space<hbm>> -> memref<1x6400xi32, #tpu.memory_space<hbm>>
    %dma_start3A_10 = tpu.memref_squeeze %dma_start3A_9 : memref<1x6400xi32, #tpu.memory_space<hbm>> -> memref<6400xi32, #tpu.memory_space<hbm>>
    %dma_start3A_11 = arith.constant 0 : i32
    %dma_start3A_12 = tpu.memref_slice %arg5[%add3A, %dma_start3A_11] : memref<32x6400xi32, #tpu.memory_space<hbm>> -> memref<1x6400xi32, #tpu.memory_space<hbm>>
    %dma_start3A_13 = tpu.memref_squeeze %dma_start3A_12 : memref<1x6400xi32, #tpu.memory_space<hbm>> -> memref<6400xi32, #tpu.memory_space<hbm>>
    tpu.enqueue_dma source(%dma_start3A_13 : memref<6400xi32, #tpu.memory_space<hbm>>) target(%arg12 : memref<6400xi32, #tpu.memory_space<vmem>>) target_semaphore(%arg28 : memref<!tpu.dma_semaphore, #tpu.memory_space<semaphore_mem>>)
    %dma_start3A_14 = arith.constant 0 : i32
    %dma_start3A_15 = tpu.memref_slice %arg3[%add3A, %dma_start3A_14] : memref<32x640xi32, #tpu.memory_space<hbm>> -> memref<1x640xi32, #tpu.memory_space<hbm>>
    %dma_start3A_16 = tpu.memref_squeeze %dma_start3A_15 : memref<1x640xi32, #tpu.memory_space<hbm>> -> memref<640xi32, #tpu.memory_space<hbm>>
    %dma_start3A_17 = arith.constant 0 : i32
    %dma_start3A_18 = tpu.memref_slice %arg3[%add3A, %dma_start3A_17] : memref<32x640xi32, #tpu.memory_space<hbm>> -> memref<1x640xi32, #tpu.memory_space<hbm>>
    %dma_start3A_19 = tpu.memref_squeeze %dma_start3A_18 : memref<1x640xi32, #tpu.memory_space<hbm>> -> memref<640xi32, #tpu.memory_space<hbm>>
    tpu.enqueue_dma source(%dma_start3A_19 : memref<640xi32, #tpu.memory_space<hbm>>) target(%arg13 : memref<640xi32, #tpu.memory_space<vmem>>) target_semaphore(%arg28 : memref<!tpu.dma_semaphore, #tpu.memory_space<semaphore_mem>>)
    %dma_start3A_20 = tpu.memref_slice %arg4[%mul3A_2] : memref<1024xi32, #tpu.memory_space<hbm>> -> memref<32xi32, #tpu.memory_space<hbm>>
    %dma_start3A_21 = tpu.memref_slice %arg4[%mul3A_2] : memref<1024xi32, #tpu.memory_space<hbm>> -> memref<32xi32, #tpu.memory_space<hbm>>
    tpu.enqueue_dma source(%dma_start3A_21 : memref<32xi32, #tpu.memory_space<hbm>>) target(%arg14 : memref<32xi32, #tpu.memory_space<vmem>>) target_semaphore(%arg28 : memref<!tpu.dma_semaphore, #tpu.memory_space<semaphore_mem>>)
    tpu.enqueue_dma source(%arg7 : memref<64x128xf32, #tpu.memory_space<hbm>>) target(%arg22 : memref<64x128xf32, #tpu.memory_space<vmem>>) target_semaphore(%arg28 : memref<!tpu.dma_semaphore, #tpu.memory_space<semaphore_mem>>)
    %dma_start3A_22 = arith.constant 0 : i32
    %dma_start3A_23 = arith.constant 0 : i32
    %dma_start3A_24 = tpu.memref_slice %arg6[%dma_start3A_22, %dma_start3A_23] : memref<100000x128xf32, #tpu.memory_space<hbm>> -> memref<8x128xf32, #tpu.memory_space<hbm>>
    %dma_start3A_25 = arith.constant 0 : i32
    %dma_start3A_26 = arith.constant 0 : i32
    %dma_start3A_27 = tpu.memref_slice %arg6[%dma_start3A_25, %dma_start3A_26] : memref<100000x128xf32, #tpu.memory_space<hbm>> -> memref<8x128xf32, #tpu.memory_space<hbm>>
    tpu.enqueue_dma source(%dma_start3A_27 : memref<8x128xf32, #tpu.memory_space<hbm>>) target(%arg24 : memref<8x128xf32, #tpu.memory_space<vmem>>) target_semaphore(%arg28 : memref<!tpu.dma_semaphore, #tpu.memory_space<semaphore_mem>>)
    %dma_wait3A = arith.constant 0 : i32
    %dma_wait3A_28 = tpu.memref_slice %arg2[%add3A, %dma_wait3A] : memref<32x6400xi32, #tpu.memory_space<hbm>> -> memref<1x6400xi32, #tpu.memory_space<hbm>>
    %dma_wait3A_29 = tpu.memref_squeeze %dma_wait3A_28 : memref<1x6400xi32, #tpu.memory_space<hbm>> -> memref<6400xi32, #tpu.memory_space<hbm>>
    %dma_wait3A_30 = arith.constant 0 : i32
    %dma_wait3A_31 = tpu.memref_slice %arg2[%add3A, %dma_wait3A_30] : memref<32x6400xi32, #tpu.memory_space<hbm>> -> memref<1x6400xi32, #tpu.memory_space<hbm>>
    %dma_wait3A_32 = tpu.memref_squeeze %dma_wait3A_31 : memref<1x6400xi32, #tpu.memory_space<hbm>> -> memref<6400xi32, #tpu.memory_space<hbm>>
    tpu.wait_dma2 semaphore(%arg28 : memref<!tpu.dma_semaphore, #tpu.memory_space<semaphore_mem>>) src(%dma_wait3A_32 : memref<6400xi32, #tpu.memory_space<hbm>>) dst(%arg11 : memref<6400xi32, #tpu.memory_space<vmem>>)
    %dma_wait3A_33 = arith.constant 0 : i32
    %dma_wait3A_34 = tpu.memref_slice %arg5[%add3A, %dma_wait3A_33] : memref<32x6400xi32, #tpu.memory_space<hbm>> -> memref<1x6400xi32, #tpu.memory_space<hbm>>
    %dma_wait3A_35 = tpu.memref_squeeze %dma_wait3A_34 : memref<1x6400xi32, #tpu.memory_space<hbm>> -> memref<6400xi32, #tpu.memory_space<hbm>>
    %dma_wait3A_36 = arith.constant 0 : i32
    %dma_wait3A_37 = tpu.memref_slice %arg5[%add3A, %dma_wait3A_36] : memref<32x6400xi32, #tpu.memory_space<hbm>> -> memref<1x6400xi32, #tpu.memory_space<hbm>>
    %dma_wait3A_38 = tpu.memref_squeeze %dma_wait3A_37 : memref<1x6400xi32, #tpu.memory_space<hbm>> -> memref<6400xi32, #tpu.memory_space<hbm>>
    tpu.wait_dma2 semaphore(%arg28 : memref<!tpu.dma_semaphore, #tpu.memory_space<semaphore_mem>>) src(%dma_wait3A_38 : memref<6400xi32, #tpu.memory_space<hbm>>) dst(%arg12 : memref<6400xi32, #tpu.memory_space<vmem>>)
    %dma_wait3A_39 = arith.constant 0 : i32
    %dma_wait3A_40 = tpu.memref_slice %arg3[%add3A, %dma_wait3A_39] : memref<32x640xi32, #tpu.memory_space<hbm>> -> memref<1x640xi32, #tpu.memory_space<hbm>>
    %dma_wait3A_41 = tpu.memref_squeeze %dma_wait3A_40 : memref<1x640xi32, #tpu.memory_space<hbm>> -> memref<640xi32, #tpu.memory_space<hbm>>
    %dma_wait3A_42 = arith.constant 0 : i32
    %dma_wait3A_43 = tpu.memref_slice %arg3[%add3A, %dma_wait3A_42] : memref<32x640xi32, #tpu.memory_space<hbm>> -> memref<1x640xi32, #tpu.memory_space<hbm>>
    %dma_wait3A_44 = tpu.memref_squeeze %dma_wait3A_43 : memref<1x640xi32, #tpu.memory_space<hbm>> -> memref<640xi32, #tpu.memory_space<hbm>>
    tpu.wait_dma2 semaphore(%arg28 : memref<!tpu.dma_semaphore, #tpu.memory_space<semaphore_mem>>) src(%dma_wait3A_44 : memref<640xi32, #tpu.memory_space<hbm>>) dst(%arg13 : memref<640xi32, #tpu.memory_space<vmem>>)
    %dma_wait3A_45 = tpu.memref_slice %arg4[%mul3A_2] : memref<1024xi32, #tpu.memory_space<hbm>> -> memref<32xi32, #tpu.memory_space<hbm>>
    %dma_wait3A_46 = tpu.memref_slice %arg4[%mul3A_2] : memref<1024xi32, #tpu.memory_space<hbm>> -> memref<32xi32, #tpu.memory_space<hbm>>
    tpu.wait_dma2 semaphore(%arg28 : memref<!tpu.dma_semaphore, #tpu.memory_space<semaphore_mem>>) src(%dma_wait3A_46 : memref<32xi32, #tpu.memory_space<hbm>>) dst(%arg14 : memref<32xi32, #tpu.memory_space<vmem>>)
    tpu.wait_dma2 semaphore(%arg28 : memref<!tpu.dma_semaphore, #tpu.memory_space<semaphore_mem>>) src(%arg7 : memref<64x128xf32, #tpu.memory_space<hbm>>) dst(%arg22 : memref<64x128xf32, #tpu.memory_space<vmem>>)
    %dma_wait3A_47 = arith.constant 0 : i32
    %dma_wait3A_48 = arith.constant 0 : i32
    %dma_wait3A_49 = tpu.memref_slice %arg6[%dma_wait3A_47, %dma_wait3A_48] : memref<100000x128xf32, #tpu.memory_space<hbm>> -> memref<8x128xf32, #tpu.memory_space<hbm>>
    %dma_wait3A_50 = arith.constant 0 : i32
    %dma_wait3A_51 = arith.constant 0 : i32
    %dma_wait3A_52 = tpu.memref_slice %arg6[%dma_wait3A_50, %dma_wait3A_51] : memref<100000x128xf32, #tpu.memory_space<hbm>> -> memref<8x128xf32, #tpu.memory_space<hbm>>
    tpu.wait_dma2 semaphore(%arg28 : memref<!tpu.dma_semaphore, #tpu.memory_space<semaphore_mem>>) src(%dma_wait3A_52 : memref<8x128xf32, #tpu.memory_space<hbm>>) dst(%arg24 : memref<8x128xf32, #tpu.memory_space<vmem>>)
    %dma_start3A_53 = arith.constant 0 : i32
    %dma_start3A_54 = arith.constant 0 : i32
    %dma_start3A_55 = tpu.memref_slice %arg15[%dma_start3A_53, %dma_start3A_54] : memref<200x128xf32, #tpu.memory_space<vmem>> -> memref<128x128xf32, #tpu.memory_space<vmem>>
    %dma_start3A_56 = arith.constant 0 : i32
    %dma_start3A_57 = tpu.memref_slice %arg11[%dma_start3A_56] : memref<6400xi32, #tpu.memory_space<vmem>> -> memref<128xi32, #tpu.memory_space<vmem>>
    %dma_start3A_58 = arith.constant 0 : i32
    %dma_start3A_59 = arith.constant 0 : i32
    %dma_start3A_60 = tpu.memref_slice %arg6[%dma_start3A_58, %dma_start3A_59] : memref<100000x128xf32, #tpu.memory_space<hbm>> -> memref<100000x128xf32, #tpu.memory_space<hbm>>
    tpu.enqueue_indirect_dma source(%dma_start3A_60 : memref<100000x128xf32, #tpu.memory_space<hbm>>) target(%dma_start3A_55 : memref<128x128xf32, #tpu.memory_space<vmem>>) offsets(%dma_start3A_57 : memref<128xi32, #tpu.memory_space<vmem>>) semaphore(%arg25 : memref<!tpu.dma_semaphore, #tpu.memory_space<semaphore_mem>>)
    %dma_start3A_61 = arith.constant 128 : i32
    %dma_start3A_62 = arith.constant 0 : i32
    %dma_start3A_63 = tpu.memref_slice %arg15[%dma_start3A_61, %dma_start3A_62] : memref<200x128xf32, #tpu.memory_space<vmem>> -> memref<72x128xf32, #tpu.memory_space<vmem>>
    %dma_start3A_64 = arith.constant 128 : i32
    %dma_start3A_65 = tpu.memref_slice %arg11[%dma_start3A_64] : memref<6400xi32, #tpu.memory_space<vmem>> -> memref<72xi32, #tpu.memory_space<vmem>>
    %dma_start3A_66 = arith.constant 0 : i32
    %dma_start3A_67 = arith.constant 0 : i32
    %dma_start3A_68 = tpu.memref_slice %arg6[%dma_start3A_66, %dma_start3A_67] : memref<100000x128xf32, #tpu.memory_space<hbm>> -> memref<100000x128xf32, #tpu.memory_space<hbm>>
    tpu.enqueue_indirect_dma source(%dma_start3A_68 : memref<100000x128xf32, #tpu.memory_space<hbm>>) target(%dma_start3A_63 : memref<72x128xf32, #tpu.memory_space<vmem>>) offsets(%dma_start3A_65 : memref<72xi32, #tpu.memory_space<vmem>>) semaphore(%arg25 : memref<!tpu.dma_semaphore, #tpu.memory_space<semaphore_mem>>)
    %scan3A = arith.constant 0 : i32
    %scan3A_69 = arith.constant 0 : i32
    %scan3A_70 = arith.constant 32 : i32
    %scan3A_71 = arith.addi %scan3A_69, %scan3A_70 : i32
    %scan3A_72 = arith.constant 1 : i32
    scf.for %scan3A_165 = %scan3A_69 to %scan3A_71 step %scan3A_72  : i32 {
      %broadcast_in_dim3A = vector.broadcast %scan3A_165 : i32 to vector<16xi32>
      %gather3A = tpu.vector_load_idx %arg14[%broadcast_in_dim3A] : memref<32xi32, #tpu.memory_space<vmem>>[vector<16xi32>], vector<16xi32>,
      %sub3A = arith.constant 2 : i32
      %sub3A_166 = vector.broadcast %sub3A : i32 to vector<16xi32>
      %sub3A_167 = arith.subi %gather3A, %sub3A_166 : vector<16xi32>
      %max3A = arith.constant 0 : i32
      %max3A_168 = vector.broadcast %max3A : i32 to vector<16xi32>
      %max3A_169 = arith.maxsi %sub3A_167, %max3A_168 : vector<16xi32>
      %sub3A_170 = arith.constant 20 : i32
      %sub3A_171 = vector.broadcast %sub3A_170 : i32 to vector<16xi32>
      %sub3A_172 = arith.subi %sub3A_171, %max3A_169 : vector<16xi32>
      %convert_element_type3A = arith.sitofp %sub3A_172 : vector<16xi32> to vector<16xf32>
      %get3A = arith.constant 0 : i32
      %get3A_173 = arith.index_cast %get3A : i32 to index
      %get3A_174 = arith.constant 0 : index
      %get3A_175 = tpu.vector_load %arg24[%get3A_173, %get3A_174] {strides = array<i32>} : memref<8x128xf32, #tpu.memory_space<vmem>>, vector<16xf32>,
      %mul3A_176 = arith.mulf %convert_element_type3A, %get3A_175 : vector<16xf32>
      %swap3A = arith.index_cast %scan3A_165 : i32 to index
      %swap3A_177 = arith.constant 0 : index
      %swap3A_178 = tpu.vector_load %arg23[%swap3A, %swap3A_177] {strides = array<i32>} : memref<32x64xf32, #tpu.memory_space<vmem>>, vector<16xf32>,
      tpu.vector_store %arg23[%swap3A, %swap3A_177], %mul3A_176 {strides = array<i32>} : memref<32x64xf32, #tpu.memory_space<vmem>>, vector<16xf32>,
      %get3A_179 = arith.constant 0 : i32
      %get3A_180 = arith.index_cast %get3A_179 : i32 to index
      %get3A_181 = arith.constant 16 : index
      %get3A_182 = tpu.vector_load %arg24[%get3A_180, %get3A_181] {strides = array<i32>} : memref<8x128xf32, #tpu.memory_space<vmem>>, vector<16xf32>,
      %mul3A_183 = arith.mulf %convert_element_type3A, %get3A_182 : vector<16xf32>
      %swap3A_184 = arith.index_cast %scan3A_165 : i32 to index
      %swap3A_185 = arith.constant 16 : index
      %swap3A_186 = tpu.vector_load %arg23[%swap3A_184, %swap3A_185] {strides = array<i32>} : memref<32x64xf32, #tpu.memory_space<vmem>>, vector<16xf32>,
      tpu.vector_store %arg23[%swap3A_184, %swap3A_185], %mul3A_183 {strides = array<i32>} : memref<32x64xf32, #tpu.memory_space<vmem>>, vector<16xf32>,
      %get3A_187 = arith.constant 0 : i32
      %get3A_188 = arith.index_cast %get3A_187 : i32 to index
      %get3A_189 = arith.constant 32 : index
      %get3A_190 = tpu.vector_load %arg24[%get3A_188, %get3A_189] {strides = array<i32>} : memref<8x128xf32, #tpu.memory_space<vmem>>, vector<16xf32>,
      %mul3A_191 = arith.mulf %convert_element_type3A, %get3A_190 : vector<16xf32>
      %swap3A_192 = arith.index_cast %scan3A_165 : i32 to index
      %swap3A_193 = arith.constant 32 : index
      %swap3A_194 = tpu.vector_load %arg23[%swap3A_192, %swap3A_193] {strides = array<i32>} : memref<32x64xf32, #tpu.memory_space<vmem>>, vector<16xf32>,
      tpu.vector_store %arg23[%swap3A_192, %swap3A_193], %mul3A_191 {strides = array<i32>} : memref<32x64xf32, #tpu.memory_space<vmem>>, vector<16xf32>,
      %get3A_195 = arith.constant 0 : i32
      %get3A_196 = arith.index_cast %get3A_195 : i32 to index
      %get3A_197 = arith.constant 48 : index
      %get3A_198 = tpu.vector_load %arg24[%get3A_196, %get3A_197] {strides = array<i32>} : memref<8x128xf32, #tpu.memory_space<vmem>>, vector<16xf32>,
      %mul3A_199 = arith.mulf %convert_element_type3A, %get3A_198 : vector<16xf32>
      %swap3A_200 = arith.index_cast %scan3A_165 : i32 to index
      %swap3A_201 = arith.constant 48 : index
      %swap3A_202 = tpu.vector_load %arg23[%swap3A_200, %swap3A_201] {strides = array<i32>} : memref<32x64xf32, #tpu.memory_space<vmem>>, vector<16xf32>,
      tpu.vector_store %arg23[%swap3A_200, %swap3A_201], %mul3A_199 {strides = array<i32>} : memref<32x64xf32, #tpu.memory_space<vmem>>, vector<16xf32>,
    }
    %scan3A_73 = arith.constant 32 : i32
    %dma_start3A_74 = arith.constant 0 : i32
    %dma_start3A_75 = tpu.memref_slice %arg13[%dma_start3A_74] : memref<640xi32, #tpu.memory_space<vmem>> -> memref<40xi32, #tpu.memory_space<vmem>>
    %dma_start3A_76 = arith.constant 0 : i32
    %dma_start3A_77 = arith.constant 0 : i32
    %dma_start3A_78 = tpu.memref_slice %arg6[%dma_start3A_76, %dma_start3A_77] : memref<100000x128xf32, #tpu.memory_space<hbm>> -> memref<100000x128xf32, #tpu.memory_space<hbm>>
    tpu.enqueue_indirect_dma source(%dma_start3A_78 : memref<100000x128xf32, #tpu.memory_space<hbm>>) target(%arg18 : memref<40x128xf32, #tpu.memory_space<vmem>>) offsets(%dma_start3A_75 : memref<40xi32, #tpu.memory_space<vmem>>) semaphore(%arg27 : memref<!tpu.dma_semaphore, #tpu.memory_space<semaphore_mem>>)
    %scan3A_79 = arith.constant 0 : i32
    %scan3A_80 = arith.constant 0 : i32
    %scan3A_81 = arith.constant 16 : i32
    %scan3A_82 = arith.addi %scan3A_80, %scan3A_81 : i32
    %scan3A_83 = arith.constant 1 : i32
    scf.for %scan3A_165 = %scan3A_80 to %scan3A_82 step %scan3A_83  : i32 {
      %jit3A = arith.constant 2 : i32
      %eq3A = arith.constant 0 : i32
      %eq3A_166 = arith.cmpi eq, %jit3A, %eq3A : i32
      %jit3A_167 = arith.constant 1 : i32
      %select_n3A = arith.select %eq3A_166, %jit3A_167, %jit3A : i32
      %rem3A = arith.remsi %scan3A_165, %select_n3A : i32
      %ne3A = arith.constant 0 : i32
      %ne3A_168 = arith.cmpi ne, %rem3A, %ne3A : i32
      %lt3A = arith.constant 0 : i32
      %lt3A_169 = arith.cmpi slt, %rem3A, %lt3A : i32
      %lt3A_170 = arith.constant 0 : i32
      %lt3A_171 = arith.cmpi slt, %select_n3A, %lt3A_170 : i32
      %ne3A_172 = arith.xori %lt3A_169, %lt3A_171 : i1
      %and3A = arith.andi %ne3A_172, %ne3A_168 : i1
      %add3A_173 = arith.addi %rem3A, %select_n3A : i32
      %select_n3A_174 = arith.select %and3A, %add3A_173, %rem3A : i32
      %eq3A_175 = arith.constant 0 : i32
      %eq3A_176 = arith.cmpi eq, %select_n3A_174, %eq3A_175 : i32
      %convert_element_type3A = arith.extui %eq3A_176 : i1 to i32
      %cond3A = arith.constant 0 : i32
      %cond3A_177 = arith.cmpi ne, %convert_element_type3A, %cond3A : i32
      scf.if %cond3A_177 {
        %dma_wait3A_182 = arith.constant 0 : i32
        %dma_wait3A_183 = arith.constant 0 : i32
        %dma_wait3A_184 = tpu.memref_slice %arg6[%dma_wait3A_182, %dma_wait3A_183] : memref<100000x128xf32, #tpu.memory_space<hbm>> -> memref<40x128xf32, #tpu.memory_space<hbm>>
        %dma_wait3A_185 = arith.constant 0 : i32
        %dma_wait3A_186 = arith.constant 0 : i32
        %dma_wait3A_187 = tpu.memref_slice %arg6[%dma_wait3A_185, %dma_wait3A_186] : memref<100000x128xf32, #tpu.memory_space<hbm>> -> memref<40x128xf32, #tpu.memory_space<hbm>>
        tpu.wait_dma2 semaphore(%arg27 : memref<!tpu.dma_semaphore, #tpu.memory_space<semaphore_mem>>) src(%dma_wait3A_187 : memref<40x128xf32, #tpu.memory_space<hbm>>) dst(%arg18 : memref<40x128xf32, #tpu.memory_space<vmem>>)
        %lt3A_188 = arith.constant 15 : i32
        %lt3A_189 = arith.cmpi slt, %scan3A_165, %lt3A_188 : i32
        %convert_element_type3A_190 = arith.extui %lt3A_189 : i1 to i32
        %cond3A_191 = arith.constant 0 : i32
        %cond3A_192 = arith.cmpi ne, %convert_element_type3A_190, %cond3A_191 : i32
        scf.if %cond3A_192 {
          %add3A_249 = arith.constant 1 : i32
          %add3A_250 = arith.addi %scan3A_165, %add3A_249 : i32
          %mul3A_251 = arith.constant 2 : i32
          %mul3A_252 = arith.muli %add3A_250, %mul3A_251 : i32
          %mul3A_253 = arith.constant 20 : i32
          %mul3A_254 = arith.muli %mul3A_252, %mul3A_253 : i32
          %dma_start3A_255 = tpu.memref_slice %arg13[%mul3A_254] : memref<640xi32, #tpu.memory_space<vmem>> -> memref<40xi32, #tpu.memory_space<vmem>>
          %dma_start3A_256 = arith.constant 0 : i32
          %dma_start3A_257 = arith.constant 0 : i32
          %dma_start3A_258 = tpu.memref_slice %arg6[%dma_start3A_256, %dma_start3A_257] : memref<100000x128xf32, #tpu.memory_space<hbm>> -> memref<100000x128xf32, #tpu.memory_space<hbm>>
          tpu.enqueue_indirect_dma source(%dma_start3A_258 : memref<100000x128xf32, #tpu.memory_space<hbm>>) target(%arg19 : memref<40x128xf32, #tpu.memory_space<vmem>>) offsets(%dma_start3A_255 : memref<40xi32, #tpu.memory_space<vmem>>) semaphore(%arg27 : memref<!tpu.dma_semaphore, #tpu.memory_space<semaphore_mem>>)
        } else {
        }
        %gt3A = arith.constant 1 : i32
        %gt3A_193 = arith.cmpi sgt, %scan3A_165, %gt3A : i32
        %convert_element_type3A_194 = arith.extui %gt3A_193 : i1 to i32
        %cond3A_195 = arith.constant 0 : i32
        %cond3A_196 = arith.cmpi ne, %convert_element_type3A_194, %cond3A_195 : i32
        scf.if %cond3A_196 {
          %dma_wait3A_249 = arith.constant 0 : i32
          %dma_wait3A_250 = arith.constant 0 : i32
          %dma_wait3A_251 = arith.constant 0 : i32
          %dma_wait3A_252 = tpu.memref_slice %arg20[%dma_wait3A_250, %dma_wait3A_251] : memref<48x64xf32, #tpu.memory_space<vmem>> -> memref<20x64xf32, #tpu.memory_space<vmem>>
          %dma_wait3A_253 = arith.constant 0 : i32
          %dma_wait3A_254 = arith.constant 0 : i32
          %dma_wait3A_255 = tpu.memref_slice %arg9[%dma_wait3A_249, %dma_wait3A_253, %dma_wait3A_254] : memref<1024x20x64xf32, #tpu.memory_space<hbm>> -> memref<1x20x64xf32, #tpu.memory_space<hbm>>
          %dma_wait3A_256 = tpu.memref_squeeze %dma_wait3A_255 : memref<1x20x64xf32, #tpu.memory_space<hbm>> -> memref<20x64xf32, #tpu.memory_space<hbm>>
          %dma_wait3A_257 = arith.constant 0 : i32
          %dma_wait3A_258 = arith.constant 0 : i32
          %dma_wait3A_259 = tpu.memref_slice %arg9[%dma_wait3A_249, %dma_wait3A_257, %dma_wait3A_258] : memref<1024x20x64xf32, #tpu.memory_space<hbm>> -> memref<1x20x64xf32, #tpu.memory_space<hbm>>
          %dma_wait3A_260 = tpu.memref_squeeze %dma_wait3A_259 : memref<1x20x64xf32, #tpu.memory_space<hbm>> -> memref<20x64xf32, #tpu.memory_space<hbm>>
          %dma_wait3A_261 = arith.constant 0 : i32
          %dma_wait3A_262 = arith.constant 0 : i32
          %dma_wait3A_263 = tpu.memref_slice %arg20[%dma_wait3A_261, %dma_wait3A_262] : memref<48x64xf32, #tpu.memory_space<vmem>> -> memref<20x64xf32, #tpu.memory_space<vmem>>
          tpu.wait_dma2 semaphore(%arg28 : memref<!tpu.dma_semaphore, #tpu.memory_space<semaphore_mem>>) src(%dma_wait3A_263 : memref<20x64xf32, #tpu.memory_space<vmem>>) dst(%dma_wait3A_260 : memref<20x64xf32, #tpu.memory_space<hbm>>)
          %dma_wait3A_264 = arith.constant 0 : i32
          %dma_wait3A_265 = arith.constant 24 : i32
          %dma_wait3A_266 = arith.constant 0 : i32
          %dma_wait3A_267 = tpu.memref_slice %arg20[%dma_wait3A_265, %dma_wait3A_266] : memref<48x64xf32, #tpu.memory_space<vmem>> -> memref<20x64xf32, #tpu.memory_space<vmem>>
          %dma_wait3A_268 = arith.constant 0 : i32
          %dma_wait3A_269 = arith.constant 0 : i32
          %dma_wait3A_270 = tpu.memref_slice %arg9[%dma_wait3A_264, %dma_wait3A_268, %dma_wait3A_269] : memref<1024x20x64xf32, #tpu.memory_space<hbm>> -> memref<1x20x64xf32, #tpu.memory_space<hbm>>
          %dma_wait3A_271 = tpu.memref_squeeze %dma_wait3A_270 : memref<1x20x64xf32, #tpu.memory_space<hbm>> -> memref<20x64xf32, #tpu.memory_space<hbm>>
          %dma_wait3A_272 = arith.constant 0 : i32
          %dma_wait3A_273 = arith.constant 0 : i32
          %dma_wait3A_274 = tpu.memref_slice %arg9[%dma_wait3A_264, %dma_wait3A_272, %dma_wait3A_273] : memref<1024x20x64xf32, #tpu.memory_space<hbm>> -> memref<1x20x64xf32, #tpu.memory_space<hbm>>
          %dma_wait3A_275 = tpu.memref_squeeze %dma_wait3A_274 : memref<1x20x64xf32, #tpu.memory_space<hbm>> -> memref<20x64xf32, #tpu.memory_space<hbm>>
          %dma_wait3A_276 = arith.constant 24 : i32
          %dma_wait3A_277 = arith.constant 0 : i32
          %dma_wait3A_278 = tpu.memref_slice %arg20[%dma_wait3A_276, %dma_wait3A_277] : memref<48x64xf32, #tpu.memory_space<vmem>> -> memref<20x64xf32, #tpu.memory_space<vmem>>
          tpu.wait_dma2 semaphore(%arg28 : memref<!tpu.dma_semaphore, #tpu.memory_space<semaphore_mem>>) src(%dma_wait3A_278 : memref<20x64xf32, #tpu.memory_space<vmem>>) dst(%dma_wait3A_275 : memref<20x64xf32, #tpu.memory_space<hbm>>)
        } else {
        }
        %mul3A_197 = arith.constant 2 : i32
        %mul3A_198 = arith.muli %mul3A_197, %scan3A_165 : i32
        %add3A_199 = arith.constant 0 : i32
        %add3A_200 = arith.addi %mul3A_198, %add3A_199 : i32
        %broadcast_in_dim3A = vector.broadcast %add3A_200 : i32 to vector<16xi32>
        %gather3A = tpu.vector_load_idx %arg14[%broadcast_in_dim3A] : memref<32xi32, #tpu.memory_space<vmem>>[vector<16xi32>], vector<16xi32>,
        %mul3A_201 = arith.constant 2 : i32
        %mul3A_202 = arith.muli %mul3A_201, %scan3A_165 : i32
        %add3A_203 = arith.constant 1 : i32
        %add3A_204 = arith.addi %mul3A_202, %add3A_203 : i32
        %broadcast_in_dim3A_205 = vector.broadcast %add3A_204 : i32 to vector<16xi32>
        %gather3A_206 = tpu.vector_load_idx %arg14[%broadcast_in_dim3A_205] : memref<32xi32, #tpu.memory_space<vmem>>[vector<16xi32>], vector<16xi32>,
        %scan3A_207 = arith.constant 0 : i32
        %scan3A_208 = arith.constant 0 : i32
        %scan3A_209 = arith.constant 20 : i32
        %scan3A_210 = arith.addi %scan3A_208, %scan3A_209 : i32
        %scan3A_211 = arith.constant 1 : i32
        scf.for %scan3A_249 = %scan3A_208 to %scan3A_210 step %scan3A_211  : i32 {
          %broadcast_in_dim3A_250 = vector.broadcast %scan3A_249 : i32 to vector<16xi32>
          %add3A_251 = arith.constant 0 : i32
          %add3A_252 = arith.addi %add3A_251, %scan3A_249 : i32
          %ge3A = arith.constant 1 : i32
          %ge3A_253 = vector.broadcast %ge3A : i32 to vector<16xi32>
          %ge3A_254 = arith.cmpi sge, %broadcast_in_dim3A_250, %ge3A_253 : vector<16xi32>
          %sub3A = arith.constant 1 : i32
          %sub3A_255 = vector.broadcast %sub3A : i32 to vector<16xi32>
          %sub3A_256 = arith.subi %gather3A, %sub3A_255 : vector<16xi32>
          %lt3A_257 = arith.cmpi slt, %broadcast_in_dim3A_250, %sub3A_256 : vector<16xi32>
          %and3A_258 = arith.andi %ge3A_254, %lt3A_257 : vector<16xi1>
          %jit3A_259 = arith.constant 1.000000e+00 : f32
          %jit3A_260 = arith.constant 0.000000e+00 : f32
          %broadcast_in_dim3A_261 = vector.broadcast %jit3A_259 : f32 to vector<16xf32>
          %broadcast_in_dim3A_262 = vector.broadcast %jit3A_260 : f32 to vector<16xf32>
          %select_n3A_263 = arith.select %and3A_258, %broadcast_in_dim3A_261, %broadcast_in_dim3A_262 : vector<16xi1>, vector<16xf32>
          %get3A = arith.index_cast %add3A_252 : i32 to index
          %get3A_264 = arith.constant 0 : index
          %get3A_265 = tpu.vector_load %arg18[%get3A, %get3A_264] {strides = array<i32>} : memref<40x128xf32, #tpu.memory_space<vmem>>, vector<16xf32>,
          %add3A_266 = arith.constant 0 : i32
          %add3A_267 = arith.addi %add3A_266, %scan3A_249 : i32
          %swap3A = arith.index_cast %add3A_267 : i32 to index
          %swap3A_268 = arith.constant 0 : index
          %swap3A_269 = tpu.vector_load %arg20[%swap3A, %swap3A_268] {strides = array<i32>} : memref<48x64xf32, #tpu.memory_space<vmem>>, vector<16xf32>,
          tpu.vector_store %arg20[%swap3A, %swap3A_268], %get3A_265 {strides = array<i32>} : memref<48x64xf32, #tpu.memory_space<vmem>>, vector<16xf32>,
          %mul3A_270 = arith.constant 2 : i32
          %mul3A_271 = arith.muli %mul3A_270, %scan3A_165 : i32
          %add3A_272 = arith.constant 0 : i32
          %add3A_273 = arith.addi %mul3A_271, %add3A_272 : i32
          %mul3A_274 = arith.mulf %get3A_265, %select_n3A_263 : vector<16xf32>
          %swap3A_275 = arith.index_cast %add3A_273 : i32 to index
          %swap3A_276 = arith.constant 0 : index
          %swap3A_277 = tpu.vector_load %arg23[%swap3A_275, %swap3A_276] {strides = array<i32>} : memref<32x64xf32, #tpu.memory_space<vmem>>, vector<16xf32>,
          tpu.vector_store %arg23[%swap3A_275, %swap3A_276], %mul3A_274 {add = true, strides = array<i32>} : memref<32x64xf32, #tpu.memory_space<vmem>>, vector<16xf32>,
          %get3A_278 = arith.index_cast %add3A_252 : i32 to index
          %get3A_279 = arith.constant 16 : index
          %get3A_280 = tpu.vector_load %arg18[%get3A_278, %get3A_279] {strides = array<i32>} : memref<40x128xf32, #tpu.memory_space<vmem>>, vector<16xf32>,
          %add3A_281 = arith.constant 0 : i32
          %add3A_282 = arith.addi %add3A_281, %scan3A_249 : i32
          %swap3A_283 = arith.index_cast %add3A_282 : i32 to index
          %swap3A_284 = arith.constant 16 : index
          %swap3A_285 = tpu.vector_load %arg20[%swap3A_283, %swap3A_284] {strides = array<i32>} : memref<48x64xf32, #tpu.memory_space<vmem>>, vector<16xf32>,
          tpu.vector_store %arg20[%swap3A_283, %swap3A_284], %get3A_280 {strides = array<i32>} : memref<48x64xf32, #tpu.memory_space<vmem>>, vector<16xf32>,
          %mul3A_286 = arith.constant 2 : i32
          %mul3A_287 = arith.muli %mul3A_286, %scan3A_165 : i32
          %add3A_288 = arith.constant 0 : i32
          %add3A_289 = arith.addi %mul3A_287, %add3A_288 : i32
          %mul3A_290 = arith.mulf %get3A_280, %select_n3A_263 : vector<16xf32>
          %swap3A_291 = arith.index_cast %add3A_289 : i32 to index
          %swap3A_292 = arith.constant 16 : index
          %swap3A_293 = tpu.vector_load %arg23[%swap3A_291, %swap3A_292] {strides = array<i32>} : memref<32x64xf32, #tpu.memory_space<vmem>>, vector<16xf32>,
          tpu.vector_store %arg23[%swap3A_291, %swap3A_292], %mul3A_290 {add = true, strides = array<i32>} : memref<32x64xf32, #tpu.memory_space<vmem>>, vector<16xf32>,
          %get3A_294 = arith.index_cast %add3A_252 : i32 to index
          %get3A_295 = arith.constant 32 : index
          %get3A_296 = tpu.vector_load %arg18[%get3A_294, %get3A_295] {strides = array<i32>} : memref<40x128xf32, #tpu.memory_space<vmem>>, vector<16xf32>,
          %add3A_297 = arith.constant 0 : i32
          %add3A_298 = arith.addi %add3A_297, %scan3A_249 : i32
          %swap3A_299 = arith.index_cast %add3A_298 : i32 to index
          %swap3A_300 = arith.constant 32 : index
          %swap3A_301 = tpu.vector_load %arg20[%swap3A_299, %swap3A_300] {strides = array<i32>} : memref<48x64xf32, #tpu.memory_space<vmem>>, vector<16xf32>,
          tpu.vector_store %arg20[%swap3A_299, %swap3A_300], %get3A_296 {strides = array<i32>} : memref<48x64xf32, #tpu.memory_space<vmem>>, vector<16xf32>,
          %mul3A_302 = arith.constant 2 : i32
          %mul3A_303 = arith.muli %mul3A_302, %scan3A_165 : i32
          %add3A_304 = arith.constant 0 : i32
          %add3A_305 = arith.addi %mul3A_303, %add3A_304 : i32
          %mul3A_306 = arith.mulf %get3A_296, %select_n3A_263 : vector<16xf32>
          %swap3A_307 = arith.index_cast %add3A_305 : i32 to index
          %swap3A_308 = arith.constant 32 : index
          %swap3A_309 = tpu.vector_load %arg23[%swap3A_307, %swap3A_308] {strides = array<i32>} : memref<32x64xf32, #tpu.memory_space<vmem>>, vector<16xf32>,
          tpu.vector_store %arg23[%swap3A_307, %swap3A_308], %mul3A_306 {add = true, strides = array<i32>} : memref<32x64xf32, #tpu.memory_space<vmem>>, vector<16xf32>,
          %get3A_310 = arith.index_cast %add3A_252 : i32 to index
          %get3A_311 = arith.constant 48 : index
          %get3A_312 = tpu.vector_load %arg18[%get3A_310, %get3A_311] {strides = array<i32>} : memref<40x128xf32, #tpu.memory_space<vmem>>, vector<16xf32>,
          %add3A_313 = arith.constant 0 : i32
          %add3A_314 = arith.addi %add3A_313, %scan3A_249 : i32
          %swap3A_315 = arith.index_cast %add3A_314 : i32 to index
          %swap3A_316 = arith.constant 48 : index
          %swap3A_317 = tpu.vector_load %arg20[%swap3A_315, %swap3A_316] {strides = array<i32>} : memref<48x64xf32, #tpu.memory_space<vmem>>, vector<16xf32>,
          tpu.vector_store %arg20[%swap3A_315, %swap3A_316], %get3A_312 {strides = array<i32>} : memref<48x64xf32, #tpu.memory_space<vmem>>, vector<16xf32>,
          %mul3A_318 = arith.constant 2 : i32
          %mul3A_319 = arith.muli %mul3A_318, %scan3A_165 : i32
          %add3A_320 = arith.constant 0 : i32
          %add3A_321 = arith.addi %mul3A_319, %add3A_320 : i32
          %mul3A_322 = arith.mulf %get3A_312, %select_n3A_263 : vector<16xf32>
          %swap3A_323 = arith.index_cast %add3A_321 : i32 to index
          %swap3A_324 = arith.constant 48 : index
          %swap3A_325 = tpu.vector_load %arg23[%swap3A_323, %swap3A_324] {strides = array<i32>} : memref<32x64xf32, #tpu.memory_space<vmem>>, vector<16xf32>,
          tpu.vector_store %arg23[%swap3A_323, %swap3A_324], %mul3A_322 {add = true, strides = array<i32>} : memref<32x64xf32, #tpu.memory_space<vmem>>, vector<16xf32>,
          %add3A_326 = arith.constant 20 : i32
          %add3A_327 = arith.addi %add3A_326, %scan3A_249 : i32
          %ge3A_328 = arith.constant 1 : i32
          %ge3A_329 = vector.broadcast %ge3A_328 : i32 to vector<16xi32>
          %ge3A_330 = arith.cmpi sge, %broadcast_in_dim3A_250, %ge3A_329 : vector<16xi32>
          %sub3A_331 = arith.constant 1 : i32
          %sub3A_332 = vector.broadcast %sub3A_331 : i32 to vector<16xi32>
          %sub3A_333 = arith.subi %gather3A_206, %sub3A_332 : vector<16xi32>
          %lt3A_334 = arith.cmpi slt, %broadcast_in_dim3A_250, %sub3A_333 : vector<16xi32>
          %and3A_335 = arith.andi %ge3A_330, %lt3A_334 : vector<16xi1>
          %jit3A_336 = arith.constant 1.000000e+00 : f32
          %jit3A_337 = arith.constant 0.000000e+00 : f32
          %broadcast_in_dim3A_338 = vector.broadcast %jit3A_336 : f32 to vector<16xf32>
          %broadcast_in_dim3A_339 = vector.broadcast %jit3A_337 : f32 to vector<16xf32>
          %select_n3A_340 = arith.select %and3A_335, %broadcast_in_dim3A_338, %broadcast_in_dim3A_339 : vector<16xi1>, vector<16xf32>
          %get3A_341 = arith.index_cast %add3A_327 : i32 to index
          %get3A_342 = arith.constant 0 : index
          %get3A_343 = tpu.vector_load %arg18[%get3A_341, %get3A_342] {strides = array<i32>} : memref<40x128xf32, #tpu.memory_space<vmem>>, vector<16xf32>,
          %add3A_344 = arith.constant 24 : i32
          %add3A_345 = arith.addi %add3A_344, %scan3A_249 : i32
          %swap3A_346 = arith.index_cast %add3A_345 : i32 to index
          %swap3A_347 = arith.constant 0 : index
          %swap3A_348 = tpu.vector_load %arg20[%swap3A_346, %swap3A_347] {strides = array<i32>} : memref<48x64xf32, #tpu.memory_space<vmem>>, vector<16xf32>,
          tpu.vector_store %arg20[%swap3A_346, %swap3A_347], %get3A_343 {strides = array<i32>} : memref<48x64xf32, #tpu.memory_space<vmem>>, vector<16xf32>,
          %mul3A_349 = arith.constant 2 : i32
          %mul3A_350 = arith.muli %mul3A_349, %scan3A_165 : i32
          %add3A_351 = arith.constant 1 : i32
          %add3A_352 = arith.addi %mul3A_350, %add3A_351 : i32
          %mul3A_353 = arith.mulf %get3A_343, %select_n3A_340 : vector<16xf32>
          %swap3A_354 = arith.index_cast %add3A_352 : i32 to index
          %swap3A_355 = arith.constant 0 : index
          %swap3A_356 = tpu.vector_load %arg23[%swap3A_354, %swap3A_355] {strides = array<i32>} : memref<32x64xf32, #tpu.memory_space<vmem>>, vector<16xf32>,
          tpu.vector_store %arg23[%swap3A_354, %swap3A_355], %mul3A_353 {add = true, strides = array<i32>} : memref<32x64xf32, #tpu.memory_space<vmem>>, vector<16xf32>,
          %get3A_357 = arith.index_cast %add3A_327 : i32 to index
          %get3A_358 = arith.constant 16 : index
          %get3A_359 = tpu.vector_load %arg18[%get3A_357, %get3A_358] {strides = array<i32>} : memref<40x128xf32, #tpu.memory_space<vmem>>, vector<16xf32>,
          %add3A_360 = arith.constant 24 : i32
          %add3A_361 = arith.addi %add3A_360, %scan3A_249 : i32
          %swap3A_362 = arith.index_cast %add3A_361 : i32 to index
          %swap3A_363 = arith.constant 16 : index
          %swap3A_364 = tpu.vector_load %arg20[%swap3A_362, %swap3A_363] {strides = array<i32>} : memref<48x64xf32, #tpu.memory_space<vmem>>, vector<16xf32>,
          tpu.vector_store %arg20[%swap3A_362, %swap3A_363], %get3A_359 {strides = array<i32>} : memref<48x64xf32, #tpu.memory_space<vmem>>, vector<16xf32>,
          %mul3A_365 = arith.constant 2 : i32
          %mul3A_366 = arith.muli %mul3A_365, %scan3A_165 : i32
          %add3A_367 = arith.constant 1 : i32
          %add3A_368 = arith.addi %mul3A_366, %add3A_367 : i32
          %mul3A_369 = arith.mulf %get3A_359, %select_n3A_340 : vector<16xf32>
          %swap3A_370 = arith.index_cast %add3A_368 : i32 to index
          %swap3A_371 = arith.constant 16 : index
          %swap3A_372 = tpu.vector_load %arg23[%swap3A_370, %swap3A_371] {strides = array<i32>} : memref<32x64xf32, #tpu.memory_space<vmem>>, vector<16xf32>,
          tpu.vector_store %arg23[%swap3A_370, %swap3A_371], %mul3A_369 {add = true, strides = array<i32>} : memref<32x64xf32, #tpu.memory_space<vmem>>, vector<16xf32>,
          %get3A_373 = arith.index_cast %add3A_327 : i32 to index
          %get3A_374 = arith.constant 32 : index
          %get3A_375 = tpu.vector_load %arg18[%get3A_373, %get3A_374] {strides = array<i32>} : memref<40x128xf32, #tpu.memory_space<vmem>>, vector<16xf32>,
          %add3A_376 = arith.constant 24 : i32
          %add3A_377 = arith.addi %add3A_376, %scan3A_249 : i32
          %swap3A_378 = arith.index_cast %add3A_377 : i32 to index
          %swap3A_379 = arith.constant 32 : index
          %swap3A_380 = tpu.vector_load %arg20[%swap3A_378, %swap3A_379] {strides = array<i32>} : memref<48x64xf32, #tpu.memory_space<vmem>>, vector<16xf32>,
          tpu.vector_store %arg20[%swap3A_378, %swap3A_379], %get3A_375 {strides = array<i32>} : memref<48x64xf32, #tpu.memory_space<vmem>>, vector<16xf32>,
          %mul3A_381 = arith.constant 2 : i32
          %mul3A_382 = arith.muli %mul3A_381, %scan3A_165 : i32
          %add3A_383 = arith.constant 1 : i32
          %add3A_384 = arith.addi %mul3A_382, %add3A_383 : i32
          %mul3A_385 = arith.mulf %get3A_375, %select_n3A_340 : vector<16xf32>
          %swap3A_386 = arith.index_cast %add3A_384 : i32 to index
          %swap3A_387 = arith.constant 32 : index
          %swap3A_388 = tpu.vector_load %arg23[%swap3A_386, %swap3A_387] {strides = array<i32>} : memref<32x64xf32, #tpu.memory_space<vmem>>, vector<16xf32>,
          tpu.vector_store %arg23[%swap3A_386, %swap3A_387], %mul3A_385 {add = true, strides = array<i32>} : memref<32x64xf32, #tpu.memory_space<vmem>>, vector<16xf32>,
          %get3A_389 = arith.index_cast %add3A_327 : i32 to index
          %get3A_390 = arith.constant 48 : index
          %get3A_391 = tpu.vector_load %arg18[%get3A_389, %get3A_390] {strides = array<i32>} : memref<40x128xf32, #tpu.memory_space<vmem>>, vector<16xf32>,
          %add3A_392 = arith.constant 24 : i32
          %add3A_393 = arith.addi %add3A_392, %scan3A_249 : i32
          %swap3A_394 = arith.index_cast %add3A_393 : i32 to index
          %swap3A_395 = arith.constant 48 : index
          %swap3A_396 = tpu.vector_load %arg20[%swap3A_394, %swap3A_395] {strides = array<i32>} : memref<48x64xf32, #tpu.memory_space<vmem>>, vector<16xf32>,
          tpu.vector_store %arg20[%swap3A_394, %swap3A_395], %get3A_391 {strides = array<i32>} : memref<48x64xf32, #tpu.memory_space<vmem>>, vector<16xf32>,
          %mul3A_397 = arith.constant 2 : i32
          %mul3A_398 = arith.muli %mul3A_397, %scan3A_165 : i32
          %add3A_399 = arith.constant 1 : i32
          %add3A_400 = arith.addi %mul3A_398, %add3A_399 : i32
          %mul3A_401 = arith.mulf %get3A_391, %select_n3A_340 : vector<16xf32>
          %swap3A_402 = arith.index_cast %add3A_400 : i32 to index
          %swap3A_403 = arith.constant 48 : index
          %swap3A_404 = tpu.vector_load %arg23[%swap3A_402, %swap3A_403] {strides = array<i32>} : memref<32x64xf32, #tpu.memory_space<vmem>>, vector<16xf32>,
          tpu.vector_store %arg23[%swap3A_402, %swap3A_403], %mul3A_401 {add = true, strides = array<i32>} : memref<32x64xf32, #tpu.memory_space<vmem>>, vector<16xf32>,
        }
        %scan3A_212 = arith.constant 20 : i32
        %mul3A_213 = arith.constant 2 : i32
        %mul3A_214 = arith.muli %mul3A_213, %scan3A_165 : i32
        %add3A_215 = arith.addi %mul3A_2, %mul3A_214 : i32
        %dma_start3A_216 = arith.constant 0 : i32
        %dma_start3A_217 = arith.constant 0 : i32
        %dma_start3A_218 = tpu.memref_slice %arg20[%dma_start3A_216, %dma_start3A_217] : memref<48x64xf32, #tpu.memory_space<vmem>> -> memref<20x64xf32, #tpu.memory_space<vmem>>
        %dma_start3A_219 = arith.constant 0 : i32
        %dma_start3A_220 = arith.constant 0 : i32
        %dma_start3A_221 = tpu.memref_slice %arg9[%add3A_215, %dma_start3A_219, %dma_start3A_220] : memref<1024x20x64xf32, #tpu.memory_space<hbm>> -> memref<1x20x64xf32, #tpu.memory_space<hbm>>
        %dma_start3A_222 = tpu.memref_squeeze %dma_start3A_221 : memref<1x20x64xf32, #tpu.memory_space<hbm>> -> memref<20x64xf32, #tpu.memory_space<hbm>>
        %dma_start3A_223 = arith.constant 0 : i32
        %dma_start3A_224 = arith.constant 0 : i32
        %dma_start3A_225 = tpu.memref_slice %arg9[%add3A_215, %dma_start3A_223, %dma_start3A_224] : memref<1024x20x64xf32, #tpu.memory_space<hbm>> -> memref<1x20x64xf32, #tpu.memory_space<hbm>>
        %dma_start3A_226 = tpu.memref_squeeze %dma_start3A_225 : memref<1x20x64xf32, #tpu.memory_space<hbm>> -> memref<20x64xf32, #tpu.memory_space<hbm>>
        %dma_start3A_227 = arith.constant 0 : i32
        %dma_start3A_228 = arith.constant 0 : i32
        %dma_start3A_229 = tpu.memref_slice %arg20[%dma_start3A_227, %dma_start3A_228] : memref<48x64xf32, #tpu.memory_space<vmem>> -> memref<20x64xf32, #tpu.memory_space<vmem>>
        tpu.enqueue_dma source(%dma_start3A_229 : memref<20x64xf32, #tpu.memory_space<vmem>>) target(%dma_start3A_226 : memref<20x64xf32, #tpu.memory_space<hbm>>) target_semaphore(%arg28 : memref<!tpu.dma_semaphore, #tpu.memory_space<semaphore_mem>>)
        %mul3A_230 = arith.constant 2 : i32
        %mul3A_231 = arith.muli %mul3A_230, %scan3A_165 : i32
        %add3A_232 = arith.addi %mul3A_2, %mul3A_231 : i32
        %add3A_233 = arith.constant 1 : i32
        %add3A_234 = arith.addi %add3A_232, %add3A_233 : i32
        %dma_start3A_235 = arith.constant 24 : i32
        %dma_start3A_236 = arith.constant 0 : i32
        %dma_start3A_237 = tpu.memref_slice %arg20[%dma_start3A_235, %dma_start3A_236] : memref<48x64xf32, #tpu.memory_space<vmem>> -> memref<20x64xf32, #tpu.memory_space<vmem>>
        %dma_start3A_238 = arith.constant 0 : i32
        %dma_start3A_239 = arith.constant 0 : i32
        %dma_start3A_240 = tpu.memref_slice %arg9[%add3A_234, %dma_start3A_238, %dma_start3A_239] : memref<1024x20x64xf32, #tpu.memory_space<hbm>> -> memref<1x20x64xf32, #tpu.memory_space<hbm>>
        %dma_start3A_241 = tpu.memref_squeeze %dma_start3A_240 : memref<1x20x64xf32, #tpu.memory_space<hbm>> -> memref<20x64xf32, #tpu.memory_space<hbm>>
        %dma_start3A_242 = arith.constant 0 : i32
        %dma_start3A_243 = arith.constant 0 : i32
        %dma_start3A_244 = tpu.memref_slice %arg9[%add3A_234, %dma_start3A_242, %dma_start3A_243] : memref<1024x20x64xf32, #tpu.memory_space<hbm>> -> memref<1x20x64xf32, #tpu.memory_space<hbm>>
        %dma_start3A_245 = tpu.memref_squeeze %dma_start3A_244 : memref<1x20x64xf32, #tpu.memory_space<hbm>> -> memref<20x64xf32, #tpu.memory_space<hbm>>
        %dma_start3A_246 = arith.constant 24 : i32
        %dma_start3A_247 = arith.constant 0 : i32
        %dma_start3A_248 = tpu.memref_slice %arg20[%dma_start3A_246, %dma_start3A_247] : memref<48x64xf32, #tpu.memory_space<vmem>> -> memref<20x64xf32, #tpu.memory_space<vmem>>
        tpu.enqueue_dma source(%dma_start3A_248 : memref<20x64xf32, #tpu.memory_space<vmem>>) target(%dma_start3A_245 : memref<20x64xf32, #tpu.memory_space<hbm>>) target_semaphore(%arg28 : memref<!tpu.dma_semaphore, #tpu.memory_space<semaphore_mem>>)
      } else {
      }
      %not3A = arith.constant true
      %not3A_178 = arith.xori %eq3A_176, %not3A : i1
      %convert_element_type3A_179 = arith.extui %not3A_178 : i1 to i32
      %cond3A_180 = arith.constant 0 : i32
      %cond3A_181 = arith.cmpi ne, %convert_element_type3A_179, %cond3A_180 : i32
      scf.if %cond3A_181 {
        %dma_wait3A_182 = arith.constant 0 : i32
        %dma_wait3A_183 = arith.constant 0 : i32
        %dma_wait3A_184 = tpu.memref_slice %arg6[%dma_wait3A_182, %dma_wait3A_183] : memref<100000x128xf32, #tpu.memory_space<hbm>> -> memref<40x128xf32, #tpu.memory_space<hbm>>
        %dma_wait3A_185 = arith.constant 0 : i32
        %dma_wait3A_186 = arith.constant 0 : i32
        %dma_wait3A_187 = tpu.memref_slice %arg6[%dma_wait3A_185, %dma_wait3A_186] : memref<100000x128xf32, #tpu.memory_space<hbm>> -> memref<40x128xf32, #tpu.memory_space<hbm>>
        tpu.wait_dma2 semaphore(%arg27 : memref<!tpu.dma_semaphore, #tpu.memory_space<semaphore_mem>>) src(%dma_wait3A_187 : memref<40x128xf32, #tpu.memory_space<hbm>>) dst(%arg19 : memref<40x128xf32, #tpu.memory_space<vmem>>)
        %lt3A_188 = arith.constant 15 : i32
        %lt3A_189 = arith.cmpi slt, %scan3A_165, %lt3A_188 : i32
        %convert_element_type3A_190 = arith.extui %lt3A_189 : i1 to i32
        %cond3A_191 = arith.constant 0 : i32
        %cond3A_192 = arith.cmpi ne, %convert_element_type3A_190, %cond3A_191 : i32
        scf.if %cond3A_192 {
          %add3A_249 = arith.constant 1 : i32
          %add3A_250 = arith.addi %scan3A_165, %add3A_249 : i32
          %mul3A_251 = arith.constant 2 : i32
          %mul3A_252 = arith.muli %add3A_250, %mul3A_251 : i32
          %mul3A_253 = arith.constant 20 : i32
          %mul3A_254 = arith.muli %mul3A_252, %mul3A_253 : i32
          %dma_start3A_255 = tpu.memref_slice %arg13[%mul3A_254] : memref<640xi32, #tpu.memory_space<vmem>> -> memref<40xi32, #tpu.memory_space<vmem>>
          %dma_start3A_256 = arith.constant 0 : i32
          %dma_start3A_257 = arith.constant 0 : i32
          %dma_start3A_258 = tpu.memref_slice %arg6[%dma_start3A_256, %dma_start3A_257] : memref<100000x128xf32, #tpu.memory_space<hbm>> -> memref<100000x128xf32, #tpu.memory_space<hbm>>
          tpu.enqueue_indirect_dma source(%dma_start3A_258 : memref<100000x128xf32, #tpu.memory_space<hbm>>) target(%arg18 : memref<40x128xf32, #tpu.memory_space<vmem>>) offsets(%dma_start3A_255 : memref<40xi32, #tpu.memory_space<vmem>>) semaphore(%arg27 : memref<!tpu.dma_semaphore, #tpu.memory_space<semaphore_mem>>)
        } else {
        }
        %gt3A = arith.constant 1 : i32
        %gt3A_193 = arith.cmpi sgt, %scan3A_165, %gt3A : i32
        %convert_element_type3A_194 = arith.extui %gt3A_193 : i1 to i32
        %cond3A_195 = arith.constant 0 : i32
        %cond3A_196 = arith.cmpi ne, %convert_element_type3A_194, %cond3A_195 : i32
        scf.if %cond3A_196 {
          %dma_wait3A_249 = arith.constant 0 : i32
          %dma_wait3A_250 = arith.constant 0 : i32
          %dma_wait3A_251 = arith.constant 0 : i32
          %dma_wait3A_252 = tpu.memref_slice %arg21[%dma_wait3A_250, %dma_wait3A_251] : memref<48x64xf32, #tpu.memory_space<vmem>> -> memref<20x64xf32, #tpu.memory_space<vmem>>
          %dma_wait3A_253 = arith.constant 0 : i32
          %dma_wait3A_254 = arith.constant 0 : i32
          %dma_wait3A_255 = tpu.memref_slice %arg9[%dma_wait3A_249, %dma_wait3A_253, %dma_wait3A_254] : memref<1024x20x64xf32, #tpu.memory_space<hbm>> -> memref<1x20x64xf32, #tpu.memory_space<hbm>>
          %dma_wait3A_256 = tpu.memref_squeeze %dma_wait3A_255 : memref<1x20x64xf32, #tpu.memory_space<hbm>> -> memref<20x64xf32, #tpu.memory_space<hbm>>
          %dma_wait3A_257 = arith.constant 0 : i32
          %dma_wait3A_258 = arith.constant 0 : i32
          %dma_wait3A_259 = tpu.memref_slice %arg9[%dma_wait3A_249, %dma_wait3A_257, %dma_wait3A_258] : memref<1024x20x64xf32, #tpu.memory_space<hbm>> -> memref<1x20x64xf32, #tpu.memory_space<hbm>>
          %dma_wait3A_260 = tpu.memref_squeeze %dma_wait3A_259 : memref<1x20x64xf32, #tpu.memory_space<hbm>> -> memref<20x64xf32, #tpu.memory_space<hbm>>
          %dma_wait3A_261 = arith.constant 0 : i32
          %dma_wait3A_262 = arith.constant 0 : i32
          %dma_wait3A_263 = tpu.memref_slice %arg21[%dma_wait3A_261, %dma_wait3A_262] : memref<48x64xf32, #tpu.memory_space<vmem>> -> memref<20x64xf32, #tpu.memory_space<vmem>>
          tpu.wait_dma2 semaphore(%arg28 : memref<!tpu.dma_semaphore, #tpu.memory_space<semaphore_mem>>) src(%dma_wait3A_263 : memref<20x64xf32, #tpu.memory_space<vmem>>) dst(%dma_wait3A_260 : memref<20x64xf32, #tpu.memory_space<hbm>>)
          %dma_wait3A_264 = arith.constant 0 : i32
          %dma_wait3A_265 = arith.constant 24 : i32
          %dma_wait3A_266 = arith.constant 0 : i32
          %dma_wait3A_267 = tpu.memref_slice %arg21[%dma_wait3A_265, %dma_wait3A_266] : memref<48x64xf32, #tpu.memory_space<vmem>> -> memref<20x64xf32, #tpu.memory_space<vmem>>
          %dma_wait3A_268 = arith.constant 0 : i32
          %dma_wait3A_269 = arith.constant 0 : i32
          %dma_wait3A_270 = tpu.memref_slice %arg9[%dma_wait3A_264, %dma_wait3A_268, %dma_wait3A_269] : memref<1024x20x64xf32, #tpu.memory_space<hbm>> -> memref<1x20x64xf32, #tpu.memory_space<hbm>>
          %dma_wait3A_271 = tpu.memref_squeeze %dma_wait3A_270 : memref<1x20x64xf32, #tpu.memory_space<hbm>> -> memref<20x64xf32, #tpu.memory_space<hbm>>
          %dma_wait3A_272 = arith.constant 0 : i32
          %dma_wait3A_273 = arith.constant 0 : i32
          %dma_wait3A_274 = tpu.memref_slice %arg9[%dma_wait3A_264, %dma_wait3A_272, %dma_wait3A_273] : memref<1024x20x64xf32, #tpu.memory_space<hbm>> -> memref<1x20x64xf32, #tpu.memory_space<hbm>>
          %dma_wait3A_275 = tpu.memref_squeeze %dma_wait3A_274 : memref<1x20x64xf32, #tpu.memory_space<hbm>> -> memref<20x64xf32, #tpu.memory_space<hbm>>
          %dma_wait3A_276 = arith.constant 24 : i32
          %dma_wait3A_277 = arith.constant 0 : i32
          %dma_wait3A_278 = tpu.memref_slice %arg21[%dma_wait3A_276, %dma_wait3A_277] : memref<48x64xf32, #tpu.memory_space<vmem>> -> memref<20x64xf32, #tpu.memory_space<vmem>>
          tpu.wait_dma2 semaphore(%arg28 : memref<!tpu.dma_semaphore, #tpu.memory_space<semaphore_mem>>) src(%dma_wait3A_278 : memref<20x64xf32, #tpu.memory_space<vmem>>) dst(%dma_wait3A_275 : memref<20x64xf32, #tpu.memory_space<hbm>>)
        } else {
        }
        %mul3A_197 = arith.constant 2 : i32
        %mul3A_198 = arith.muli %mul3A_197, %scan3A_165 : i32
        %add3A_199 = arith.constant 0 : i32
        %add3A_200 = arith.addi %mul3A_198, %add3A_199 : i32
        %broadcast_in_dim3A = vector.broadcast %add3A_200 : i32 to vector<16xi32>
        %gather3A = tpu.vector_load_idx %arg14[%broadcast_in_dim3A] : memref<32xi32, #tpu.memory_space<vmem>>[vector<16xi32>], vector<16xi32>,
        %mul3A_201 = arith.constant 2 : i32
        %mul3A_202 = arith.muli %mul3A_201, %scan3A_165 : i32
        %add3A_203 = arith.constant 1 : i32
        %add3A_204 = arith.addi %mul3A_202, %add3A_203 : i32
        %broadcast_in_dim3A_205 = vector.broadcast %add3A_204 : i32 to vector<16xi32>
        %gather3A_206 = tpu.vector_load_idx %arg14[%broadcast_in_dim3A_205] : memref<32xi32, #tpu.memory_space<vmem>>[vector<16xi32>], vector<16xi32>,
        %scan3A_207 = arith.constant 0 : i32
        %scan3A_208 = arith.constant 0 : i32
        %scan3A_209 = arith.constant 20 : i32
        %scan3A_210 = arith.addi %scan3A_208, %scan3A_209 : i32
        %scan3A_211 = arith.constant 1 : i32
        scf.for %scan3A_249 = %scan3A_208 to %scan3A_210 step %scan3A_211  : i32 {
          %broadcast_in_dim3A_250 = vector.broadcast %scan3A_249 : i32 to vector<16xi32>
          %add3A_251 = arith.constant 0 : i32
          %add3A_252 = arith.addi %add3A_251, %scan3A_249 : i32
          %ge3A = arith.constant 1 : i32
          %ge3A_253 = vector.broadcast %ge3A : i32 to vector<16xi32>
          %ge3A_254 = arith.cmpi sge, %broadcast_in_dim3A_250, %ge3A_253 : vector<16xi32>
          %sub3A = arith.constant 1 : i32
          %sub3A_255 = vector.broadcast %sub3A : i32 to vector<16xi32>
          %sub3A_256 = arith.subi %gather3A, %sub3A_255 : vector<16xi32>
          %lt3A_257 = arith.cmpi slt, %broadcast_in_dim3A_250, %sub3A_256 : vector<16xi32>
          %and3A_258 = arith.andi %ge3A_254, %lt3A_257 : vector<16xi1>
          %jit3A_259 = arith.constant 1.000000e+00 : f32
          %jit3A_260 = arith.constant 0.000000e+00 : f32
          %broadcast_in_dim3A_261 = vector.broadcast %jit3A_259 : f32 to vector<16xf32>
          %broadcast_in_dim3A_262 = vector.broadcast %jit3A_260 : f32 to vector<16xf32>
          %select_n3A_263 = arith.select %and3A_258, %broadcast_in_dim3A_261, %broadcast_in_dim3A_262 : vector<16xi1>, vector<16xf32>
          %get3A = arith.index_cast %add3A_252 : i32 to index
          %get3A_264 = arith.constant 0 : index
          %get3A_265 = tpu.vector_load %arg19[%get3A, %get3A_264] {strides = array<i32>} : memref<40x128xf32, #tpu.memory_space<vmem>>, vector<16xf32>,
          %add3A_266 = arith.constant 0 : i32
          %add3A_267 = arith.addi %add3A_266, %scan3A_249 : i32
          %swap3A = arith.index_cast %add3A_267 : i32 to index
          %swap3A_268 = arith.constant 0 : index
          %swap3A_269 = tpu.vector_load %arg21[%swap3A, %swap3A_268] {strides = array<i32>} : memref<48x64xf32, #tpu.memory_space<vmem>>, vector<16xf32>,
          tpu.vector_store %arg21[%swap3A, %swap3A_268], %get3A_265 {strides = array<i32>} : memref<48x64xf32, #tpu.memory_space<vmem>>, vector<16xf32>,
          %mul3A_270 = arith.constant 2 : i32
          %mul3A_271 = arith.muli %mul3A_270, %scan3A_165 : i32
          %add3A_272 = arith.constant 0 : i32
          %add3A_273 = arith.addi %mul3A_271, %add3A_272 : i32
          %mul3A_274 = arith.mulf %get3A_265, %select_n3A_263 : vector<16xf32>
          %swap3A_275 = arith.index_cast %add3A_273 : i32 to index
          %swap3A_276 = arith.constant 0 : index
          %swap3A_277 = tpu.vector_load %arg23[%swap3A_275, %swap3A_276] {strides = array<i32>} : memref<32x64xf32, #tpu.memory_space<vmem>>, vector<16xf32>,
          tpu.vector_store %arg23[%swap3A_275, %swap3A_276], %mul3A_274 {add = true, strides = array<i32>} : memref<32x64xf32, #tpu.memory_space<vmem>>, vector<16xf32>,
          %get3A_278 = arith.index_cast %add3A_252 : i32 to index
          %get3A_279 = arith.constant 16 : index
          %get3A_280 = tpu.vector_load %arg19[%get3A_278, %get3A_279] {strides = array<i32>} : memref<40x128xf32, #tpu.memory_space<vmem>>, vector<16xf32>,
          %add3A_281 = arith.constant 0 : i32
          %add3A_282 = arith.addi %add3A_281, %scan3A_249 : i32
          %swap3A_283 = arith.index_cast %add3A_282 : i32 to index
          %swap3A_284 = arith.constant 16 : index
          %swap3A_285 = tpu.vector_load %arg21[%swap3A_283, %swap3A_284] {strides = array<i32>} : memref<48x64xf32, #tpu.memory_space<vmem>>, vector<16xf32>,
          tpu.vector_store %arg21[%swap3A_283, %swap3A_284], %get3A_280 {strides = array<i32>} : memref<48x64xf32, #tpu.memory_space<vmem>>, vector<16xf32>,
          %mul3A_286 = arith.constant 2 : i32
          %mul3A_287 = arith.muli %mul3A_286, %scan3A_165 : i32
          %add3A_288 = arith.constant 0 : i32
          %add3A_289 = arith.addi %mul3A_287, %add3A_288 : i32
          %mul3A_290 = arith.mulf %get3A_280, %select_n3A_263 : vector<16xf32>
          %swap3A_291 = arith.index_cast %add3A_289 : i32 to index
          %swap3A_292 = arith.constant 16 : index
          %swap3A_293 = tpu.vector_load %arg23[%swap3A_291, %swap3A_292] {strides = array<i32>} : memref<32x64xf32, #tpu.memory_space<vmem>>, vector<16xf32>,
          tpu.vector_store %arg23[%swap3A_291, %swap3A_292], %mul3A_290 {add = true, strides = array<i32>} : memref<32x64xf32, #tpu.memory_space<vmem>>, vector<16xf32>,
          %get3A_294 = arith.index_cast %add3A_252 : i32 to index
          %get3A_295 = arith.constant 32 : index
          %get3A_296 = tpu.vector_load %arg19[%get3A_294, %get3A_295] {strides = array<i32>} : memref<40x128xf32, #tpu.memory_space<vmem>>, vector<16xf32>,
          %add3A_297 = arith.constant 0 : i32
          %add3A_298 = arith.addi %add3A_297, %scan3A_249 : i32
          %swap3A_299 = arith.index_cast %add3A_298 : i32 to index
          %swap3A_300 = arith.constant 32 : index
          %swap3A_301 = tpu.vector_load %arg21[%swap3A_299, %swap3A_300] {strides = array<i32>} : memref<48x64xf32, #tpu.memory_space<vmem>>, vector<16xf32>,
          tpu.vector_store %arg21[%swap3A_299, %swap3A_300], %get3A_296 {strides = array<i32>} : memref<48x64xf32, #tpu.memory_space<vmem>>, vector<16xf32>,
          %mul3A_302 = arith.constant 2 : i32
          %mul3A_303 = arith.muli %mul3A_302, %scan3A_165 : i32
          %add3A_304 = arith.constant 0 : i32
          %add3A_305 = arith.addi %mul3A_303, %add3A_304 : i32
          %mul3A_306 = arith.mulf %get3A_296, %select_n3A_263 : vector<16xf32>
          %swap3A_307 = arith.index_cast %add3A_305 : i32 to index
          %swap3A_308 = arith.constant 32 : index
          %swap3A_309 = tpu.vector_load %arg23[%swap3A_307, %swap3A_308] {strides = array<i32>} : memref<32x64xf32, #tpu.memory_space<vmem>>, vector<16xf32>,
          tpu.vector_store %arg23[%swap3A_307, %swap3A_308], %mul3A_306 {add = true, strides = array<i32>} : memref<32x64xf32, #tpu.memory_space<vmem>>, vector<16xf32>,
          %get3A_310 = arith.index_cast %add3A_252 : i32 to index
          %get3A_311 = arith.constant 48 : index
          %get3A_312 = tpu.vector_load %arg19[%get3A_310, %get3A_311] {strides = array<i32>} : memref<40x128xf32, #tpu.memory_space<vmem>>, vector<16xf32>,
          %add3A_313 = arith.constant 0 : i32
          %add3A_314 = arith.addi %add3A_313, %scan3A_249 : i32
          %swap3A_315 = arith.index_cast %add3A_314 : i32 to index
          %swap3A_316 = arith.constant 48 : index
          %swap3A_317 = tpu.vector_load %arg21[%swap3A_315, %swap3A_316] {strides = array<i32>} : memref<48x64xf32, #tpu.memory_space<vmem>>, vector<16xf32>,
          tpu.vector_store %arg21[%swap3A_315, %swap3A_316], %get3A_312 {strides = array<i32>} : memref<48x64xf32, #tpu.memory_space<vmem>>, vector<16xf32>,
          %mul3A_318 = arith.constant 2 : i32
          %mul3A_319 = arith.muli %mul3A_318, %scan3A_165 : i32
          %add3A_320 = arith.constant 0 : i32
          %add3A_321 = arith.addi %mul3A_319, %add3A_320 : i32
          %mul3A_322 = arith.mulf %get3A_312, %select_n3A_263 : vector<16xf32>
          %swap3A_323 = arith.index_cast %add3A_321 : i32 to index
          %swap3A_324 = arith.constant 48 : index
          %swap3A_325 = tpu.vector_load %arg23[%swap3A_323, %swap3A_324] {strides = array<i32>} : memref<32x64xf32, #tpu.memory_space<vmem>>, vector<16xf32>,
          tpu.vector_store %arg23[%swap3A_323, %swap3A_324], %mul3A_322 {add = true, strides = array<i32>} : memref<32x64xf32, #tpu.memory_space<vmem>>, vector<16xf32>,
          %add3A_326 = arith.constant 20 : i32
          %add3A_327 = arith.addi %add3A_326, %scan3A_249 : i32
          %ge3A_328 = arith.constant 1 : i32
          %ge3A_329 = vector.broadcast %ge3A_328 : i32 to vector<16xi32>
          %ge3A_330 = arith.cmpi sge, %broadcast_in_dim3A_250, %ge3A_329 : vector<16xi32>
          %sub3A_331 = arith.constant 1 : i32
          %sub3A_332 = vector.broadcast %sub3A_331 : i32 to vector<16xi32>
          %sub3A_333 = arith.subi %gather3A_206, %sub3A_332 : vector<16xi32>
          %lt3A_334 = arith.cmpi slt, %broadcast_in_dim3A_250, %sub3A_333 : vector<16xi32>
          %and3A_335 = arith.andi %ge3A_330, %lt3A_334 : vector<16xi1>
          %jit3A_336 = arith.constant 1.000000e+00 : f32
          %jit3A_337 = arith.constant 0.000000e+00 : f32
          %broadcast_in_dim3A_338 = vector.broadcast %jit3A_336 : f32 to vector<16xf32>
          %broadcast_in_dim3A_339 = vector.broadcast %jit3A_337 : f32 to vector<16xf32>
          %select_n3A_340 = arith.select %and3A_335, %broadcast_in_dim3A_338, %broadcast_in_dim3A_339 : vector<16xi1>, vector<16xf32>
          %get3A_341 = arith.index_cast %add3A_327 : i32 to index
          %get3A_342 = arith.constant 0 : index
          %get3A_343 = tpu.vector_load %arg19[%get3A_341, %get3A_342] {strides = array<i32>} : memref<40x128xf32, #tpu.memory_space<vmem>>, vector<16xf32>,
          %add3A_344 = arith.constant 24 : i32
          %add3A_345 = arith.addi %add3A_344, %scan3A_249 : i32
          %swap3A_346 = arith.index_cast %add3A_345 : i32 to index
          %swap3A_347 = arith.constant 0 : index
          %swap3A_348 = tpu.vector_load %arg21[%swap3A_346, %swap3A_347] {strides = array<i32>} : memref<48x64xf32, #tpu.memory_space<vmem>>, vector<16xf32>,
          tpu.vector_store %arg21[%swap3A_346, %swap3A_347], %get3A_343 {strides = array<i32>} : memref<48x64xf32, #tpu.memory_space<vmem>>, vector<16xf32>,
          %mul3A_349 = arith.constant 2 : i32
          %mul3A_350 = arith.muli %mul3A_349, %scan3A_165 : i32
          %add3A_351 = arith.constant 1 : i32
          %add3A_352 = arith.addi %mul3A_350, %add3A_351 : i32
          %mul3A_353 = arith.mulf %get3A_343, %select_n3A_340 : vector<16xf32>
          %swap3A_354 = arith.index_cast %add3A_352 : i32 to index
          %swap3A_355 = arith.constant 0 : index
          %swap3A_356 = tpu.vector_load %arg23[%swap3A_354, %swap3A_355] {strides = array<i32>} : memref<32x64xf32, #tpu.memory_space<vmem>>, vector<16xf32>,
          tpu.vector_store %arg23[%swap3A_354, %swap3A_355], %mul3A_353 {add = true, strides = array<i32>} : memref<32x64xf32, #tpu.memory_space<vmem>>, vector<16xf32>,
          %get3A_357 = arith.index_cast %add3A_327 : i32 to index
          %get3A_358 = arith.constant 16 : index
          %get3A_359 = tpu.vector_load %arg19[%get3A_357, %get3A_358] {strides = array<i32>} : memref<40x128xf32, #tpu.memory_space<vmem>>, vector<16xf32>,
          %add3A_360 = arith.constant 24 : i32
          %add3A_361 = arith.addi %add3A_360, %scan3A_249 : i32
          %swap3A_362 = arith.index_cast %add3A_361 : i32 to index
          %swap3A_363 = arith.constant 16 : index
          %swap3A_364 = tpu.vector_load %arg21[%swap3A_362, %swap3A_363] {strides = array<i32>} : memref<48x64xf32, #tpu.memory_space<vmem>>, vector<16xf32>,
          tpu.vector_store %arg21[%swap3A_362, %swap3A_363], %get3A_359 {strides = array<i32>} : memref<48x64xf32, #tpu.memory_space<vmem>>, vector<16xf32>,
          %mul3A_365 = arith.constant 2 : i32
          %mul3A_366 = arith.muli %mul3A_365, %scan3A_165 : i32
          %add3A_367 = arith.constant 1 : i32
          %add3A_368 = arith.addi %mul3A_366, %add3A_367 : i32
          %mul3A_369 = arith.mulf %get3A_359, %select_n3A_340 : vector<16xf32>
          %swap3A_370 = arith.index_cast %add3A_368 : i32 to index
          %swap3A_371 = arith.constant 16 : index
          %swap3A_372 = tpu.vector_load %arg23[%swap3A_370, %swap3A_371] {strides = array<i32>} : memref<32x64xf32, #tpu.memory_space<vmem>>, vector<16xf32>,
          tpu.vector_store %arg23[%swap3A_370, %swap3A_371], %mul3A_369 {add = true, strides = array<i32>} : memref<32x64xf32, #tpu.memory_space<vmem>>, vector<16xf32>,
          %get3A_373 = arith.index_cast %add3A_327 : i32 to index
          %get3A_374 = arith.constant 32 : index
          %get3A_375 = tpu.vector_load %arg19[%get3A_373, %get3A_374] {strides = array<i32>} : memref<40x128xf32, #tpu.memory_space<vmem>>, vector<16xf32>,
          %add3A_376 = arith.constant 24 : i32
          %add3A_377 = arith.addi %add3A_376, %scan3A_249 : i32
          %swap3A_378 = arith.index_cast %add3A_377 : i32 to index
          %swap3A_379 = arith.constant 32 : index
          %swap3A_380 = tpu.vector_load %arg21[%swap3A_378, %swap3A_379] {strides = array<i32>} : memref<48x64xf32, #tpu.memory_space<vmem>>, vector<16xf32>,
          tpu.vector_store %arg21[%swap3A_378, %swap3A_379], %get3A_375 {strides = array<i32>} : memref<48x64xf32, #tpu.memory_space<vmem>>, vector<16xf32>,
          %mul3A_381 = arith.constant 2 : i32
          %mul3A_382 = arith.muli %mul3A_381, %scan3A_165 : i32
          %add3A_383 = arith.constant 1 : i32
          %add3A_384 = arith.addi %mul3A_382, %add3A_383 : i32
          %mul3A_385 = arith.mulf %get3A_375, %select_n3A_340 : vector<16xf32>
          %swap3A_386 = arith.index_cast %add3A_384 : i32 to index
          %swap3A_387 = arith.constant 32 : index
          %swap3A_388 = tpu.vector_load %arg23[%swap3A_386, %swap3A_387] {strides = array<i32>} : memref<32x64xf32, #tpu.memory_space<vmem>>, vector<16xf32>,
          tpu.vector_store %arg23[%swap3A_386, %swap3A_387], %mul3A_385 {add = true, strides = array<i32>} : memref<32x64xf32, #tpu.memory_space<vmem>>, vector<16xf32>,
          %get3A_389 = arith.index_cast %add3A_327 : i32 to index
          %get3A_390 = arith.constant 48 : index
          %get3A_391 = tpu.vector_load %arg19[%get3A_389, %get3A_390] {strides = array<i32>} : memref<40x128xf32, #tpu.memory_space<vmem>>, vector<16xf32>,
          %add3A_392 = arith.constant 24 : i32
          %add3A_393 = arith.addi %add3A_392, %scan3A_249 : i32
          %swap3A_394 = arith.index_cast %add3A_393 : i32 to index
          %swap3A_395 = arith.constant 48 : index
          %swap3A_396 = tpu.vector_load %arg21[%swap3A_394, %swap3A_395] {strides = array<i32>} : memref<48x64xf32, #tpu.memory_space<vmem>>, vector<16xf32>,
          tpu.vector_store %arg21[%swap3A_394, %swap3A_395], %get3A_391 {strides = array<i32>} : memref<48x64xf32, #tpu.memory_space<vmem>>, vector<16xf32>,
          %mul3A_397 = arith.constant 2 : i32
          %mul3A_398 = arith.muli %mul3A_397, %scan3A_165 : i32
          %add3A_399 = arith.constant 1 : i32
          %add3A_400 = arith.addi %mul3A_398, %add3A_399 : i32
          %mul3A_401 = arith.mulf %get3A_391, %select_n3A_340 : vector<16xf32>
          %swap3A_402 = arith.index_cast %add3A_400 : i32 to index
          %swap3A_403 = arith.constant 48 : index
          %swap3A_404 = tpu.vector_load %arg23[%swap3A_402, %swap3A_403] {strides = array<i32>} : memref<32x64xf32, #tpu.memory_space<vmem>>, vector<16xf32>,
          tpu.vector_store %arg23[%swap3A_402, %swap3A_403], %mul3A_401 {add = true, strides = array<i32>} : memref<32x64xf32, #tpu.memory_space<vmem>>, vector<16xf32>,
        }
        %scan3A_212 = arith.constant 20 : i32
        %mul3A_213 = arith.constant 2 : i32
        %mul3A_214 = arith.muli %mul3A_213, %scan3A_165 : i32
        %add3A_215 = arith.addi %mul3A_2, %mul3A_214 : i32
        %dma_start3A_216 = arith.constant 0 : i32
        %dma_start3A_217 = arith.constant 0 : i32
        %dma_start3A_218 = tpu.memref_slice %arg21[%dma_start3A_216, %dma_start3A_217] : memref<48x64xf32, #tpu.memory_space<vmem>> -> memref<20x64xf32, #tpu.memory_space<vmem>>
        %dma_start3A_219 = arith.constant 0 : i32
        %dma_start3A_220 = arith.constant 0 : i32
        %dma_start3A_221 = tpu.memref_slice %arg9[%add3A_215, %dma_start3A_219, %dma_start3A_220] : memref<1024x20x64xf32, #tpu.memory_space<hbm>> -> memref<1x20x64xf32, #tpu.memory_space<hbm>>
        %dma_start3A_222 = tpu.memref_squeeze %dma_start3A_221 : memref<1x20x64xf32, #tpu.memory_space<hbm>> -> memref<20x64xf32, #tpu.memory_space<hbm>>
        %dma_start3A_223 = arith.constant 0 : i32
        %dma_start3A_224 = arith.constant 0 : i32
        %dma_start3A_225 = tpu.memref_slice %arg9[%add3A_215, %dma_start3A_223, %dma_start3A_224] : memref<1024x20x64xf32, #tpu.memory_space<hbm>> -> memref<1x20x64xf32, #tpu.memory_space<hbm>>
        %dma_start3A_226 = tpu.memref_squeeze %dma_start3A_225 : memref<1x20x64xf32, #tpu.memory_space<hbm>> -> memref<20x64xf32, #tpu.memory_space<hbm>>
        %dma_start3A_227 = arith.constant 0 : i32
        %dma_start3A_228 = arith.constant 0 : i32
        %dma_start3A_229 = tpu.memref_slice %arg21[%dma_start3A_227, %dma_start3A_228] : memref<48x64xf32, #tpu.memory_space<vmem>> -> memref<20x64xf32, #tpu.memory_space<vmem>>
        tpu.enqueue_dma source(%dma_start3A_229 : memref<20x64xf32, #tpu.memory_space<vmem>>) target(%dma_start3A_226 : memref<20x64xf32, #tpu.memory_space<hbm>>) target_semaphore(%arg28 : memref<!tpu.dma_semaphore, #tpu.memory_space<semaphore_mem>>)
        %mul3A_230 = arith.constant 2 : i32
        %mul3A_231 = arith.muli %mul3A_230, %scan3A_165 : i32
        %add3A_232 = arith.addi %mul3A_2, %mul3A_231 : i32
        %add3A_233 = arith.constant 1 : i32
        %add3A_234 = arith.addi %add3A_232, %add3A_233 : i32
        %dma_start3A_235 = arith.constant 24 : i32
        %dma_start3A_236 = arith.constant 0 : i32
        %dma_start3A_237 = tpu.memref_slice %arg21[%dma_start3A_235, %dma_start3A_236] : memref<48x64xf32, #tpu.memory_space<vmem>> -> memref<20x64xf32, #tpu.memory_space<vmem>>
        %dma_start3A_238 = arith.constant 0 : i32
        %dma_start3A_239 = arith.constant 0 : i32
        %dma_start3A_240 = tpu.memref_slice %arg9[%add3A_234, %dma_start3A_238, %dma_start3A_239] : memref<1024x20x64xf32, #tpu.memory_space<hbm>> -> memref<1x20x64xf32, #tpu.memory_space<hbm>>
        %dma_start3A_241 = tpu.memref_squeeze %dma_start3A_240 : memref<1x20x64xf32, #tpu.memory_space<hbm>> -> memref<20x64xf32, #tpu.memory_space<hbm>>
        %dma_start3A_242 = arith.constant 0 : i32
        %dma_start3A_243 = arith.constant 0 : i32
        %dma_start3A_244 = tpu.memref_slice %arg9[%add3A_234, %dma_start3A_242, %dma_start3A_243] : memref<1024x20x64xf32, #tpu.memory_space<hbm>> -> memref<1x20x64xf32, #tpu.memory_space<hbm>>
        %dma_start3A_245 = tpu.memref_squeeze %dma_start3A_244 : memref<1x20x64xf32, #tpu.memory_space<hbm>> -> memref<20x64xf32, #tpu.memory_space<hbm>>
        %dma_start3A_246 = arith.constant 24 : i32
        %dma_start3A_247 = arith.constant 0 : i32
        %dma_start3A_248 = tpu.memref_slice %arg21[%dma_start3A_246, %dma_start3A_247] : memref<48x64xf32, #tpu.memory_space<vmem>> -> memref<20x64xf32, #tpu.memory_space<vmem>>
        tpu.enqueue_dma source(%dma_start3A_248 : memref<20x64xf32, #tpu.memory_space<vmem>>) target(%dma_start3A_245 : memref<20x64xf32, #tpu.memory_space<hbm>>) target_semaphore(%arg28 : memref<!tpu.dma_semaphore, #tpu.memory_space<semaphore_mem>>)
      } else {
      }
    }
    %scan3A_84 = arith.constant 16 : i32
    %dma_wait3A_85 = arith.constant 0 : i32
    %dma_wait3A_86 = arith.constant 0 : i32
    %dma_wait3A_87 = arith.constant 0 : i32
    %dma_wait3A_88 = tpu.memref_slice %arg20[%dma_wait3A_86, %dma_wait3A_87] : memref<48x64xf32, #tpu.memory_space<vmem>> -> memref<20x64xf32, #tpu.memory_space<vmem>>
    %dma_wait3A_89 = arith.constant 0 : i32
    %dma_wait3A_90 = arith.constant 0 : i32
    %dma_wait3A_91 = tpu.memref_slice %arg9[%dma_wait3A_85, %dma_wait3A_89, %dma_wait3A_90] : memref<1024x20x64xf32, #tpu.memory_space<hbm>> -> memref<1x20x64xf32, #tpu.memory_space<hbm>>
    %dma_wait3A_92 = tpu.memref_squeeze %dma_wait3A_91 : memref<1x20x64xf32, #tpu.memory_space<hbm>> -> memref<20x64xf32, #tpu.memory_space<hbm>>
    %dma_wait3A_93 = arith.constant 0 : i32
    %dma_wait3A_94 = arith.constant 0 : i32
    %dma_wait3A_95 = tpu.memref_slice %arg9[%dma_wait3A_85, %dma_wait3A_93, %dma_wait3A_94] : memref<1024x20x64xf32, #tpu.memory_space<hbm>> -> memref<1x20x64xf32, #tpu.memory_space<hbm>>
    %dma_wait3A_96 = tpu.memref_squeeze %dma_wait3A_95 : memref<1x20x64xf32, #tpu.memory_space<hbm>> -> memref<20x64xf32, #tpu.memory_space<hbm>>
    %dma_wait3A_97 = arith.constant 0 : i32
    %dma_wait3A_98 = arith.constant 0 : i32
    %dma_wait3A_99 = tpu.memref_slice %arg20[%dma_wait3A_97, %dma_wait3A_98] : memref<48x64xf32, #tpu.memory_space<vmem>> -> memref<20x64xf32, #tpu.memory_space<vmem>>
    tpu.wait_dma2 semaphore(%arg28 : memref<!tpu.dma_semaphore, #tpu.memory_space<semaphore_mem>>) src(%dma_wait3A_99 : memref<20x64xf32, #tpu.memory_space<vmem>>) dst(%dma_wait3A_96 : memref<20x64xf32, #tpu.memory_space<hbm>>)
    %dma_wait3A_100 = arith.constant 0 : i32
    %dma_wait3A_101 = arith.constant 24 : i32
    %dma_wait3A_102 = arith.constant 0 : i32
    %dma_wait3A_103 = tpu.memref_slice %arg20[%dma_wait3A_101, %dma_wait3A_102] : memref<48x64xf32, #tpu.memory_space<vmem>> -> memref<20x64xf32, #tpu.memory_space<vmem>>
    %dma_wait3A_104 = arith.constant 0 : i32
    %dma_wait3A_105 = arith.constant 0 : i32
    %dma_wait3A_106 = tpu.memref_slice %arg9[%dma_wait3A_100, %dma_wait3A_104, %dma_wait3A_105] : memref<1024x20x64xf32, #tpu.memory_space<hbm>> -> memref<1x20x64xf32, #tpu.memory_space<hbm>>
    %dma_wait3A_107 = tpu.memref_squeeze %dma_wait3A_106 : memref<1x20x64xf32, #tpu.memory_space<hbm>> -> memref<20x64xf32, #tpu.memory_space<hbm>>
    %dma_wait3A_108 = arith.constant 0 : i32
    %dma_wait3A_109 = arith.constant 0 : i32
    %dma_wait3A_110 = tpu.memref_slice %arg9[%dma_wait3A_100, %dma_wait3A_108, %dma_wait3A_109] : memref<1024x20x64xf32, #tpu.memory_space<hbm>> -> memref<1x20x64xf32, #tpu.memory_space<hbm>>
    %dma_wait3A_111 = tpu.memref_squeeze %dma_wait3A_110 : memref<1x20x64xf32, #tpu.memory_space<hbm>> -> memref<20x64xf32, #tpu.memory_space<hbm>>
    %dma_wait3A_112 = arith.constant 24 : i32
    %dma_wait3A_113 = arith.constant 0 : i32
    %dma_wait3A_114 = tpu.memref_slice %arg20[%dma_wait3A_112, %dma_wait3A_113] : memref<48x64xf32, #tpu.memory_space<vmem>> -> memref<20x64xf32, #tpu.memory_space<vmem>>
    tpu.wait_dma2 semaphore(%arg28 : memref<!tpu.dma_semaphore, #tpu.memory_space<semaphore_mem>>) src(%dma_wait3A_114 : memref<20x64xf32, #tpu.memory_space<vmem>>) dst(%dma_wait3A_111 : memref<20x64xf32, #tpu.memory_space<hbm>>)
    %dma_wait3A_115 = arith.constant 0 : i32
    %dma_wait3A_116 = arith.constant 0 : i32
    %dma_wait3A_117 = arith.constant 0 : i32
    %dma_wait3A_118 = tpu.memref_slice %arg21[%dma_wait3A_116, %dma_wait3A_117] : memref<48x64xf32, #tpu.memory_space<vmem>> -> memref<20x64xf32, #tpu.memory_space<vmem>>
    %dma_wait3A_119 = arith.constant 0 : i32
    %dma_wait3A_120 = arith.constant 0 : i32
    %dma_wait3A_121 = tpu.memref_slice %arg9[%dma_wait3A_115, %dma_wait3A_119, %dma_wait3A_120] : memref<1024x20x64xf32, #tpu.memory_space<hbm>> -> memref<1x20x64xf32, #tpu.memory_space<hbm>>
    %dma_wait3A_122 = tpu.memref_squeeze %dma_wait3A_121 : memref<1x20x64xf32, #tpu.memory_space<hbm>> -> memref<20x64xf32, #tpu.memory_space<hbm>>
    %dma_wait3A_123 = arith.constant 0 : i32
    %dma_wait3A_124 = arith.constant 0 : i32
    %dma_wait3A_125 = tpu.memref_slice %arg9[%dma_wait3A_115, %dma_wait3A_123, %dma_wait3A_124] : memref<1024x20x64xf32, #tpu.memory_space<hbm>> -> memref<1x20x64xf32, #tpu.memory_space<hbm>>
    %dma_wait3A_126 = tpu.memref_squeeze %dma_wait3A_125 : memref<1x20x64xf32, #tpu.memory_space<hbm>> -> memref<20x64xf32, #tpu.memory_space<hbm>>
    %dma_wait3A_127 = arith.constant 0 : i32
    %dma_wait3A_128 = arith.constant 0 : i32
    %dma_wait3A_129 = tpu.memref_slice %arg21[%dma_wait3A_127, %dma_wait3A_128] : memref<48x64xf32, #tpu.memory_space<vmem>> -> memref<20x64xf32, #tpu.memory_space<vmem>>
    tpu.wait_dma2 semaphore(%arg28 : memref<!tpu.dma_semaphore, #tpu.memory_space<semaphore_mem>>) src(%dma_wait3A_129 : memref<20x64xf32, #tpu.memory_space<vmem>>) dst(%dma_wait3A_126 : memref<20x64xf32, #tpu.memory_space<hbm>>)
    %dma_wait3A_130 = arith.constant 0 : i32
    %dma_wait3A_131 = arith.constant 24 : i32
    %dma_wait3A_132 = arith.constant 0 : i32
    %dma_wait3A_133 = tpu.memref_slice %arg21[%dma_wait3A_131, %dma_wait3A_132] : memref<48x64xf32, #tpu.memory_space<vmem>> -> memref<20x64xf32, #tpu.memory_space<vmem>>
    %dma_wait3A_134 = arith.constant 0 : i32
    %dma_wait3A_135 = arith.constant 0 : i32
    %dma_wait3A_136 = tpu.memref_slice %arg9[%dma_wait3A_130, %dma_wait3A_134, %dma_wait3A_135] : memref<1024x20x64xf32, #tpu.memory_space<hbm>> -> memref<1x20x64xf32, #tpu.memory_space<hbm>>
    %dma_wait3A_137 = tpu.memref_squeeze %dma_wait3A_136 : memref<1x20x64xf32, #tpu.memory_space<hbm>> -> memref<20x64xf32, #tpu.memory_space<hbm>>
    %dma_wait3A_138 = arith.constant 0 : i32
    %dma_wait3A_139 = arith.constant 0 : i32
    %dma_wait3A_140 = tpu.memref_slice %arg9[%dma_wait3A_130, %dma_wait3A_138, %dma_wait3A_139] : memref<1024x20x64xf32, #tpu.memory_space<hbm>> -> memref<1x20x64xf32, #tpu.memory_space<hbm>>
    %dma_wait3A_141 = tpu.memref_squeeze %dma_wait3A_140 : memref<1x20x64xf32, #tpu.memory_space<hbm>> -> memref<20x64xf32, #tpu.memory_space<hbm>>
    %dma_wait3A_142 = arith.constant 24 : i32
    %dma_wait3A_143 = arith.constant 0 : i32
    %dma_wait3A_144 = tpu.memref_slice %arg21[%dma_wait3A_142, %dma_wait3A_143] : memref<48x64xf32, #tpu.memory_space<vmem>> -> memref<20x64xf32, #tpu.memory_space<vmem>>
    tpu.wait_dma2 semaphore(%arg28 : memref<!tpu.dma_semaphore, #tpu.memory_space<semaphore_mem>>) src(%dma_wait3A_144 : memref<20x64xf32, #tpu.memory_space<vmem>>) dst(%dma_wait3A_141 : memref<20x64xf32, #tpu.memory_space<hbm>>)
    %scan3A_145 = arith.constant 0 : i32
    %scan3A_146 = arith.constant 0 : i32
    %scan3A_147 = arith.constant 32 : i32
    %scan3A_148 = arith.addi %scan3A_146, %scan3A_147 : i32
    %scan3A_149 = arith.constant 1 : i32
    scf.for %scan3A_165 = %scan3A_146 to %scan3A_148 step %scan3A_149  : i32 {
      %broadcast_in_dim3A = vector.broadcast %scan3A_165 : i32 to vector<16xi32>
      %gather3A = tpu.vector_load_idx %arg14[%broadcast_in_dim3A] : memref<32xi32, #tpu.memory_space<vmem>>[vector<16xi32>], vector<16xi32>,
      %sub3A = arith.constant 2 : i32
      %sub3A_166 = vector.broadcast %sub3A : i32 to vector<16xi32>
      %sub3A_167 = arith.subi %gather3A, %sub3A_166 : vector<16xi32>
      %max3A = arith.constant 1 : i32
      %max3A_168 = vector.broadcast %max3A : i32 to vector<16xi32>
      %max3A_169 = arith.maxsi %sub3A_167, %max3A_168 : vector<16xi32>
      %convert_element_type3A = arith.sitofp %max3A_169 : vector<16xi32> to vector<16xf32>
      %get3A = arith.index_cast %scan3A_165 : i32 to index
      %get3A_170 = arith.constant 0 : index
      %get3A_171 = tpu.vector_load %arg23[%get3A, %get3A_170] {strides = array<i32>} : memref<32x64xf32, #tpu.memory_space<vmem>>, vector<16xf32>,
      %div3A = arith.divf %get3A_171, %convert_element_type3A : vector<16xf32>
      %swap3A = arith.index_cast %scan3A_165 : i32 to index
      %swap3A_172 = arith.constant 0 : index
      %swap3A_173 = tpu.vector_load %arg23[%swap3A, %swap3A_172] {strides = array<i32>} : memref<32x64xf32, #tpu.memory_space<vmem>>, vector<16xf32>,
      tpu.vector_store %arg23[%swap3A, %swap3A_172], %div3A {strides = array<i32>} : memref<32x64xf32, #tpu.memory_space<vmem>>, vector<16xf32>,
      %get3A_174 = arith.index_cast %scan3A_165 : i32 to index
      %get3A_175 = arith.constant 16 : index
      %get3A_176 = tpu.vector_load %arg23[%get3A_174, %get3A_175] {strides = array<i32>} : memref<32x64xf32, #tpu.memory_space<vmem>>, vector<16xf32>,
      %div3A_177 = arith.divf %get3A_176, %convert_element_type3A : vector<16xf32>
      %swap3A_178 = arith.index_cast %scan3A_165 : i32 to index
      %swap3A_179 = arith.constant 16 : index
      %swap3A_180 = tpu.vector_load %arg23[%swap3A_178, %swap3A_179] {strides = array<i32>} : memref<32x64xf32, #tpu.memory_space<vmem>>, vector<16xf32>,
      tpu.vector_store %arg23[%swap3A_178, %swap3A_179], %div3A_177 {strides = array<i32>} : memref<32x64xf32, #tpu.memory_space<vmem>>, vector<16xf32>,
      %get3A_181 = arith.index_cast %scan3A_165 : i32 to index
      %get3A_182 = arith.constant 32 : index
      %get3A_183 = tpu.vector_load %arg23[%get3A_181, %get3A_182] {strides = array<i32>} : memref<32x64xf32, #tpu.memory_space<vmem>>, vector<16xf32>,
      %div3A_184 = arith.divf %get3A_183, %convert_element_type3A : vector<16xf32>
      %swap3A_185 = arith.index_cast %scan3A_165 : i32 to index
      %swap3A_186 = arith.constant 32 : index
      %swap3A_187 = tpu.vector_load %arg23[%swap3A_185, %swap3A_186] {strides = array<i32>} : memref<32x64xf32, #tpu.memory_space<vmem>>, vector<16xf32>,
      tpu.vector_store %arg23[%swap3A_185, %swap3A_186], %div3A_184 {strides = array<i32>} : memref<32x64xf32, #tpu.memory_space<vmem>>, vector<16xf32>,
      %get3A_188 = arith.index_cast %scan3A_165 : i32 to index
      %get3A_189 = arith.constant 48 : index
      %get3A_190 = tpu.vector_load %arg23[%get3A_188, %get3A_189] {strides = array<i32>} : memref<32x64xf32, #tpu.memory_space<vmem>>, vector<16xf32>,
      %div3A_191 = arith.divf %get3A_190, %convert_element_type3A : vector<16xf32>
      %swap3A_192 = arith.index_cast %scan3A_165 : i32 to index
      %swap3A_193 = arith.constant 48 : index
      %swap3A_194 = tpu.vector_load %arg23[%swap3A_192, %swap3A_193] {strides = array<i32>} : memref<32x64xf32, #tpu.memory_space<vmem>>, vector<16xf32>,
      tpu.vector_store %arg23[%swap3A_192, %swap3A_193], %div3A_191 {strides = array<i32>} : memref<32x64xf32, #tpu.memory_space<vmem>>, vector<16xf32>,
    }
    %scan3A_150 = arith.constant 32 : i32
    "tpu.region"() ({
      %run_scoped3A = tpu.sem_alloc : memref<!tpu.dma_semaphore, #tpu.memory_space<semaphore_mem>>
      %dma_start3A_165 = arith.constant 0 : i32
      %dma_start3A_166 = tpu.memref_slice %arg10[%mul3A_2, %dma_start3A_165] : memref<1024x64xf32, #tpu.memory_space<hbm>> -> memref<32x64xf32, #tpu.memory_space<hbm>>
      %dma_start3A_167 = arith.constant 0 : i32
      %dma_start3A_168 = tpu.memref_slice %arg10[%mul3A_2, %dma_start3A_167] : memref<1024x64xf32, #tpu.memory_space<hbm>> -> memref<32x64xf32, #tpu.memory_space<hbm>>
      tpu.enqueue_dma source(%arg23 : memref<32x64xf32, #tpu.memory_space<vmem>>) target(%dma_start3A_168 : memref<32x64xf32, #tpu.memory_space<hbm>>) target_semaphore(%run_scoped3A : memref<!tpu.dma_semaphore, #tpu.memory_space<semaphore_mem>>)
      %dma_wait3A_169 = arith.constant 0 : i32
      %dma_wait3A_170 = tpu.memref_slice %arg10[%mul3A_2, %dma_wait3A_169] : memref<1024x64xf32, #tpu.memory_space<hbm>> -> memref<32x64xf32, #tpu.memory_space<hbm>>
      %dma_wait3A_171 = arith.constant 0 : i32
      %dma_wait3A_172 = tpu.memref_slice %arg10[%mul3A_2, %dma_wait3A_171] : memref<1024x64xf32, #tpu.memory_space<hbm>> -> memref<32x64xf32, #tpu.memory_space<hbm>>
      tpu.wait_dma2 semaphore(%run_scoped3A : memref<!tpu.dma_semaphore, #tpu.memory_space<semaphore_mem>>) src(%arg23 : memref<32x64xf32, #tpu.memory_space<vmem>>) dst(%dma_wait3A_172 : memref<32x64xf32, #tpu.memory_space<hbm>>)
      tpu.yield
    }) : () -> ()
    %iota3A = tpu.iota {dimensions = array<i32: 0>} : vector<16xi32>
    %scan3A_151 = arith.constant 0 : i32
    %scan3A_152 = arith.constant 0 : i32
    %scan3A_153 = arith.constant 32 : i32
    %scan3A_154 = arith.addi %scan3A_152, %scan3A_153 : i32
    %scan3A_155 = arith.constant 1 : i32
    scf.for %scan3A_165 = %scan3A_152 to %scan3A_154 step %scan3A_155  : i32 {
      %jit3A = arith.constant 2 : i32
      %eq3A = arith.constant 0 : i32
      %eq3A_166 = arith.cmpi eq, %jit3A, %eq3A : i32
      %jit3A_167 = arith.constant 1 : i32
      %select_n3A = arith.select %eq3A_166, %jit3A_167, %jit3A : i32
      %rem3A = arith.remsi %scan3A_165, %select_n3A : i32
      %ne3A = arith.constant 0 : i32
      %ne3A_168 = arith.cmpi ne, %rem3A, %ne3A : i32
      %lt3A = arith.constant 0 : i32
      %lt3A_169 = arith.cmpi slt, %rem3A, %lt3A : i32
      %lt3A_170 = arith.constant 0 : i32
      %lt3A_171 = arith.cmpi slt, %select_n3A, %lt3A_170 : i32
      %ne3A_172 = arith.xori %lt3A_169, %lt3A_171 : i1
      %and3A = arith.andi %ne3A_172, %ne3A_168 : i1
      %add3A_173 = arith.addi %rem3A, %select_n3A : i32
      %select_n3A_174 = arith.select %and3A, %add3A_173, %rem3A : i32
      %eq3A_175 = arith.constant 0 : i32
      %eq3A_176 = arith.cmpi eq, %select_n3A_174, %eq3A_175 : i32
      %convert_element_type3A = arith.extui %eq3A_176 : i1 to i32
      %cond3A = arith.constant 0 : i32
      %cond3A_177 = arith.cmpi ne, %convert_element_type3A, %cond3A : i32
      scf.if %cond3A_177 {
        %dma_wait3A_182 = arith.constant 0 : i32
        %dma_wait3A_183 = arith.constant 0 : i32
        %dma_wait3A_184 = tpu.memref_slice %arg6[%dma_wait3A_182, %dma_wait3A_183] : memref<100000x128xf32, #tpu.memory_space<hbm>> -> memref<200x128xf32, #tpu.memory_space<hbm>>
        %dma_wait3A_185 = arith.constant 0 : i32
        %dma_wait3A_186 = arith.constant 0 : i32
        %dma_wait3A_187 = tpu.memref_slice %arg6[%dma_wait3A_185, %dma_wait3A_186] : memref<100000x128xf32, #tpu.memory_space<hbm>> -> memref<200x128xf32, #tpu.memory_space<hbm>>
        tpu.wait_dma2 semaphore(%arg25 : memref<!tpu.dma_semaphore, #tpu.memory_space<semaphore_mem>>) src(%dma_wait3A_187 : memref<200x128xf32, #tpu.memory_space<hbm>>) dst(%arg15 : memref<200x128xf32, #tpu.memory_space<vmem>>)
        %lt3A_188 = arith.constant 31 : i32
        %lt3A_189 = arith.cmpi slt, %scan3A_165, %lt3A_188 : i32
        %convert_element_type3A_190 = arith.extui %lt3A_189 : i1 to i32
        %cond3A_191 = arith.constant 0 : i32
        %cond3A_192 = arith.cmpi ne, %convert_element_type3A_190, %cond3A_191 : i32
        scf.if %cond3A_192 {
          %add3A_208 = arith.constant 1 : i32
          %add3A_209 = arith.addi %scan3A_165, %add3A_208 : i32
          %mul3A_210 = arith.constant 200 : i32
          %mul3A_211 = arith.muli %add3A_209, %mul3A_210 : i32
          %dma_start3A_212 = arith.constant 0 : i32
          %dma_start3A_213 = arith.constant 0 : i32
          %dma_start3A_214 = tpu.memref_slice %arg16[%dma_start3A_212, %dma_start3A_213] : memref<200x128xf32, #tpu.memory_space<vmem>> -> memref<128x128xf32, #tpu.memory_space<vmem>>
          %dma_start3A_215 = tpu.memref_slice %arg11[%mul3A_211] : memref<6400xi32, #tpu.memory_space<vmem>> -> memref<128xi32, #tpu.memory_space<vmem>>
          %dma_start3A_216 = arith.constant 0 : i32
          %dma_start3A_217 = arith.constant 0 : i32
          %dma_start3A_218 = tpu.memref_slice %arg6[%dma_start3A_216, %dma_start3A_217] : memref<100000x128xf32, #tpu.memory_space<hbm>> -> memref<100000x128xf32, #tpu.memory_space<hbm>>
          tpu.enqueue_indirect_dma source(%dma_start3A_218 : memref<100000x128xf32, #tpu.memory_space<hbm>>) target(%dma_start3A_214 : memref<128x128xf32, #tpu.memory_space<vmem>>) offsets(%dma_start3A_215 : memref<128xi32, #tpu.memory_space<vmem>>) semaphore(%arg25 : memref<!tpu.dma_semaphore, #tpu.memory_space<semaphore_mem>>)
          %add3A_219 = arith.constant 128 : i32
          %add3A_220 = arith.addi %mul3A_211, %add3A_219 : i32
          %dma_start3A_221 = arith.constant 128 : i32
          %dma_start3A_222 = arith.constant 0 : i32
          %dma_start3A_223 = tpu.memref_slice %arg16[%dma_start3A_221, %dma_start3A_222] : memref<200x128xf32, #tpu.memory_space<vmem>> -> memref<72x128xf32, #tpu.memory_space<vmem>>
          %dma_start3A_224 = tpu.memref_slice %arg11[%add3A_220] : memref<6400xi32, #tpu.memory_space<vmem>> -> memref<72xi32, #tpu.memory_space<vmem>>
          %dma_start3A_225 = arith.constant 0 : i32
          %dma_start3A_226 = arith.constant 0 : i32
          %dma_start3A_227 = tpu.memref_slice %arg6[%dma_start3A_225, %dma_start3A_226] : memref<100000x128xf32, #tpu.memory_space<hbm>> -> memref<100000x128xf32, #tpu.memory_space<hbm>>
          tpu.enqueue_indirect_dma source(%dma_start3A_227 : memref<100000x128xf32, #tpu.memory_space<hbm>>) target(%dma_start3A_223 : memref<72x128xf32, #tpu.memory_space<vmem>>) offsets(%dma_start3A_224 : memref<72xi32, #tpu.memory_space<vmem>>) semaphore(%arg25 : memref<!tpu.dma_semaphore, #tpu.memory_space<semaphore_mem>>)
        } else {
        }
        %gt3A = arith.constant 0 : i32
        %gt3A_193 = arith.cmpi sgt, %scan3A_165, %gt3A : i32
        %convert_element_type3A_194 = arith.extui %gt3A_193 : i1 to i32
        %cond3A_195 = arith.constant 0 : i32
        %cond3A_196 = arith.cmpi ne, %convert_element_type3A_194, %cond3A_195 : i32
        scf.if %cond3A_196 {
          %dma_wait3A_208 = arith.constant 0 : i32
          %dma_wait3A_209 = arith.constant 0 : i32
          %dma_wait3A_210 = tpu.memref_slice %arg8[%mul3A_2, %dma_wait3A_208, %dma_wait3A_209] : memref<1024x200x80xf32, #tpu.memory_space<hbm>> -> memref<1x200x80xf32, #tpu.memory_space<hbm>>
          %dma_wait3A_211 = tpu.memref_squeeze %dma_wait3A_210 : memref<1x200x80xf32, #tpu.memory_space<hbm>> -> memref<200x80xf32, #tpu.memory_space<hbm>>
          %dma_wait3A_212 = arith.constant 0 : i32
          %dma_wait3A_213 = arith.constant 0 : i32
          %dma_wait3A_214 = tpu.memref_slice %arg8[%mul3A_2, %dma_wait3A_212, %dma_wait3A_213] : memref<1024x200x80xf32, #tpu.memory_space<hbm>> -> memref<1x200x80xf32, #tpu.memory_space<hbm>>
          %dma_wait3A_215 = tpu.memref_squeeze %dma_wait3A_214 : memref<1x200x80xf32, #tpu.memory_space<hbm>> -> memref<200x80xf32, #tpu.memory_space<hbm>>
          tpu.wait_dma2 semaphore(%arg26 : memref<!tpu.dma_semaphore, #tpu.memory_space<semaphore_mem>>) src(%arg17 : memref<200x80xf32, #tpu.memory_space<vmem>>) dst(%dma_wait3A_215 : memref<200x80xf32, #tpu.memory_space<hbm>>)
        } else {
        }
        %parallel_loop3A = arith.constant 0 : i32
        %parallel_loop3A_197 = arith.constant 100 : i32
        %parallel_loop3A_198 = arith.constant 1 : i32
        scf.for %parallel_loop3A_208 = %parallel_loop3A to %parallel_loop3A_197 step %parallel_loop3A_198  : i32 {
          %parallel_loop3A_209 = arith.constant 2 : i32
          %parallel_loop3A_210 = arith.muli %parallel_loop3A_208, %parallel_loop3A_209 : i32
          %parallel_loop3A_211 = arith.constant 0 : i32
          %parallel_loop3A_212 = arith.addi %parallel_loop3A_210, %parallel_loop3A_211 : i32
          %parallel_loop3A_213 = arith.index_cast %parallel_loop3A_212 : i32 to index
          %parallel_loop3A_214 = arith.constant 0 : index
          %parallel_loop3A_215 = tpu.vector_load %arg15[%parallel_loop3A_213, %parallel_loop3A_214] {strides = array<i32>} : memref<200x128xf32, #tpu.memory_space<vmem>>, vector<16xf32>,
          %parallel_loop3A_216 = arith.constant 0 : i32
          %parallel_loop3A_217 = arith.addi %parallel_loop3A_210, %parallel_loop3A_216 : i32
          %parallel_loop3A_218 = arith.index_cast %parallel_loop3A_217 : i32 to index
          %parallel_loop3A_219 = arith.constant 0 : index
          %parallel_loop3A_220 = tpu.vector_load %arg17[%parallel_loop3A_218, %parallel_loop3A_219] {strides = array<i32>} : memref<200x80xf32, #tpu.memory_space<vmem>>, vector<16xf32>,
          tpu.vector_store %arg17[%parallel_loop3A_218, %parallel_loop3A_219], %parallel_loop3A_215 {strides = array<i32>} : memref<200x80xf32, #tpu.memory_space<vmem>>, vector<16xf32>,
          %parallel_loop3A_221 = arith.constant 0 : i32
          %parallel_loop3A_222 = arith.addi %parallel_loop3A_210, %parallel_loop3A_221 : i32
          %parallel_loop3A_223 = arith.index_cast %parallel_loop3A_222 : i32 to index
          %parallel_loop3A_224 = arith.constant 16 : index
          %parallel_loop3A_225 = tpu.vector_load %arg15[%parallel_loop3A_223, %parallel_loop3A_224] {strides = array<i32>} : memref<200x128xf32, #tpu.memory_space<vmem>>, vector<16xf32>,
          %parallel_loop3A_226 = arith.constant 0 : i32
          %parallel_loop3A_227 = arith.addi %parallel_loop3A_210, %parallel_loop3A_226 : i32
          %parallel_loop3A_228 = arith.index_cast %parallel_loop3A_227 : i32 to index
          %parallel_loop3A_229 = arith.constant 16 : index
          %parallel_loop3A_230 = tpu.vector_load %arg17[%parallel_loop3A_228, %parallel_loop3A_229] {strides = array<i32>} : memref<200x80xf32, #tpu.memory_space<vmem>>, vector<16xf32>,
          tpu.vector_store %arg17[%parallel_loop3A_228, %parallel_loop3A_229], %parallel_loop3A_225 {strides = array<i32>} : memref<200x80xf32, #tpu.memory_space<vmem>>, vector<16xf32>,
          %parallel_loop3A_231 = arith.constant 0 : i32
          %parallel_loop3A_232 = arith.addi %parallel_loop3A_210, %parallel_loop3A_231 : i32
          %parallel_loop3A_233 = arith.index_cast %parallel_loop3A_232 : i32 to index
          %parallel_loop3A_234 = arith.constant 32 : index
          %parallel_loop3A_235 = tpu.vector_load %arg15[%parallel_loop3A_233, %parallel_loop3A_234] {strides = array<i32>} : memref<200x128xf32, #tpu.memory_space<vmem>>, vector<16xf32>,
          %parallel_loop3A_236 = arith.constant 0 : i32
          %parallel_loop3A_237 = arith.addi %parallel_loop3A_210, %parallel_loop3A_236 : i32
          %parallel_loop3A_238 = arith.index_cast %parallel_loop3A_237 : i32 to index
          %parallel_loop3A_239 = arith.constant 32 : index
          %parallel_loop3A_240 = tpu.vector_load %arg17[%parallel_loop3A_238, %parallel_loop3A_239] {strides = array<i32>} : memref<200x80xf32, #tpu.memory_space<vmem>>, vector<16xf32>,
          tpu.vector_store %arg17[%parallel_loop3A_238, %parallel_loop3A_239], %parallel_loop3A_235 {strides = array<i32>} : memref<200x80xf32, #tpu.memory_space<vmem>>, vector<16xf32>,
          %parallel_loop3A_241 = arith.constant 0 : i32
          %parallel_loop3A_242 = arith.addi %parallel_loop3A_210, %parallel_loop3A_241 : i32
          %parallel_loop3A_243 = arith.index_cast %parallel_loop3A_242 : i32 to index
          %parallel_loop3A_244 = arith.constant 48 : index
          %parallel_loop3A_245 = tpu.vector_load %arg15[%parallel_loop3A_243, %parallel_loop3A_244] {strides = array<i32>} : memref<200x128xf32, #tpu.memory_space<vmem>>, vector<16xf32>,
          %parallel_loop3A_246 = arith.constant 0 : i32
          %parallel_loop3A_247 = arith.addi %parallel_loop3A_210, %parallel_loop3A_246 : i32
          %parallel_loop3A_248 = arith.index_cast %parallel_loop3A_247 : i32 to index
          %parallel_loop3A_249 = arith.constant 48 : index
          %parallel_loop3A_250 = tpu.vector_load %arg17[%parallel_loop3A_248, %parallel_loop3A_249] {strides = array<i32>} : memref<200x80xf32, #tpu.memory_space<vmem>>, vector<16xf32>,
          tpu.vector_store %arg17[%parallel_loop3A_248, %parallel_loop3A_249], %parallel_loop3A_245 {strides = array<i32>} : memref<200x80xf32, #tpu.memory_space<vmem>>, vector<16xf32>,
          %parallel_loop3A_251 = arith.constant 200 : i32
          %parallel_loop3A_252 = arith.muli %scan3A_165, %parallel_loop3A_251 : i32
          %parallel_loop3A_253 = arith.addi %parallel_loop3A_252, %parallel_loop3A_210 : i32
          %parallel_loop3A_254 = arith.constant 0 : i32
          %parallel_loop3A_255 = arith.addi %parallel_loop3A_253, %parallel_loop3A_254 : i32
          %parallel_loop3A_256 = vector.broadcast %parallel_loop3A_255 : i32 to vector<16xi32>
          %parallel_loop3A_257 = tpu.vector_load_idx %arg12[%parallel_loop3A_256] : memref<6400xi32, #tpu.memory_space<vmem>>[vector<16xi32>], vector<16xi32>,
          %parallel_loop3A_258 = arith.constant 3 : i32
          %parallel_loop3A_259 = vector.broadcast %parallel_loop3A_258 : i32 to vector<16xi32>
          %parallel_loop3A_260 = arith.shrsi %parallel_loop3A_257, %parallel_loop3A_259 : vector<16xi32>
          %parallel_loop3A_261 = arith.constant 7 : i32
          %parallel_loop3A_262 = vector.broadcast %parallel_loop3A_261 : i32 to vector<16xi32>
          %parallel_loop3A_263 = arith.andi %parallel_loop3A_257, %parallel_loop3A_262 : vector<16xi32>
          %parallel_loop3A_264 = arith.constant 16 : i32
          %parallel_loop3A_265 = vector.broadcast %parallel_loop3A_264 : i32 to vector<16xi32>
          %parallel_loop3A_266 = arith.muli %parallel_loop3A_263, %parallel_loop3A_265 : vector<16xi32>
          %parallel_loop3A_267 = arith.addi %parallel_loop3A_266, %iota3A : vector<16xi32>
          %parallel_loop3A_268 = tpu.vector_load_idx %arg22[%parallel_loop3A_260, %parallel_loop3A_267] : memref<64x128xf32, #tpu.memory_space<vmem>>[vector<16xi32>, vector<16xi32>], vector<16xf32>,
          %parallel_loop3A_269 = arith.constant 0 : i32
          %parallel_loop3A_270 = arith.addi %parallel_loop3A_210, %parallel_loop3A_269 : i32
          %parallel_loop3A_271 = arith.index_cast %parallel_loop3A_270 : i32 to index
          %parallel_loop3A_272 = arith.constant 64 : index
          %parallel_loop3A_273 = tpu.vector_load %arg17[%parallel_loop3A_271, %parallel_loop3A_272] {strides = array<i32>} : memref<200x80xf32, #tpu.memory_space<vmem>>, vector<16xf32>,
          tpu.vector_store %arg17[%parallel_loop3A_271, %parallel_loop3A_272], %parallel_loop3A_268 {strides = array<i32>} : memref<200x80xf32, #tpu.memory_space<vmem>>, vector<16xf32>,
          %parallel_loop3A_274 = arith.constant 1 : i32
          %parallel_loop3A_275 = arith.addi %parallel_loop3A_210, %parallel_loop3A_274 : i32
          %parallel_loop3A_276 = arith.index_cast %parallel_loop3A_275 : i32 to index
          %parallel_loop3A_277 = arith.constant 0 : index
          %parallel_loop3A_278 = tpu.vector_load %arg15[%parallel_loop3A_276, %parallel_loop3A_277] {strides = array<i32>} : memref<200x128xf32, #tpu.memory_space<vmem>>, vector<16xf32>,
          %parallel_loop3A_279 = arith.constant 1 : i32
          %parallel_loop3A_280 = arith.addi %parallel_loop3A_210, %parallel_loop3A_279 : i32
          %parallel_loop3A_281 = arith.index_cast %parallel_loop3A_280 : i32 to index
          %parallel_loop3A_282 = arith.constant 0 : index
          %parallel_loop3A_283 = tpu.vector_load %arg17[%parallel_loop3A_281, %parallel_loop3A_282] {strides = array<i32>} : memref<200x80xf32, #tpu.memory_space<vmem>>, vector<16xf32>,
          tpu.vector_store %arg17[%parallel_loop3A_281, %parallel_loop3A_282], %parallel_loop3A_278 {strides = array<i32>} : memref<200x80xf32, #tpu.memory_space<vmem>>, vector<16xf32>,
          %parallel_loop3A_284 = arith.constant 1 : i32
          %parallel_loop3A_285 = arith.addi %parallel_loop3A_210, %parallel_loop3A_284 : i32
          %parallel_loop3A_286 = arith.index_cast %parallel_loop3A_285 : i32 to index
          %parallel_loop3A_287 = arith.constant 16 : index
          %parallel_loop3A_288 = tpu.vector_load %arg15[%parallel_loop3A_286, %parallel_loop3A_287] {strides = array<i32>} : memref<200x128xf32, #tpu.memory_space<vmem>>, vector<16xf32>,
          %parallel_loop3A_289 = arith.constant 1 : i32
          %parallel_loop3A_290 = arith.addi %parallel_loop3A_210, %parallel_loop3A_289 : i32
          %parallel_loop3A_291 = arith.index_cast %parallel_loop3A_290 : i32 to index
          %parallel_loop3A_292 = arith.constant 16 : index
          %parallel_loop3A_293 = tpu.vector_load %arg17[%parallel_loop3A_291, %parallel_loop3A_292] {strides = array<i32>} : memref<200x80xf32, #tpu.memory_space<vmem>>, vector<16xf32>,
          tpu.vector_store %arg17[%parallel_loop3A_291, %parallel_loop3A_292], %parallel_loop3A_288 {strides = array<i32>} : memref<200x80xf32, #tpu.memory_space<vmem>>, vector<16xf32>,
          %parallel_loop3A_294 = arith.constant 1 : i32
          %parallel_loop3A_295 = arith.addi %parallel_loop3A_210, %parallel_loop3A_294 : i32
          %parallel_loop3A_296 = arith.index_cast %parallel_loop3A_295 : i32 to index
          %parallel_loop3A_297 = arith.constant 32 : index
          %parallel_loop3A_298 = tpu.vector_load %arg15[%parallel_loop3A_296, %parallel_loop3A_297] {strides = array<i32>} : memref<200x128xf32, #tpu.memory_space<vmem>>, vector<16xf32>,
          %parallel_loop3A_299 = arith.constant 1 : i32
          %parallel_loop3A_300 = arith.addi %parallel_loop3A_210, %parallel_loop3A_299 : i32
          %parallel_loop3A_301 = arith.index_cast %parallel_loop3A_300 : i32 to index
          %parallel_loop3A_302 = arith.constant 32 : index
          %parallel_loop3A_303 = tpu.vector_load %arg17[%parallel_loop3A_301, %parallel_loop3A_302] {strides = array<i32>} : memref<200x80xf32, #tpu.memory_space<vmem>>, vector<16xf32>,
          tpu.vector_store %arg17[%parallel_loop3A_301, %parallel_loop3A_302], %parallel_loop3A_298 {strides = array<i32>} : memref<200x80xf32, #tpu.memory_space<vmem>>, vector<16xf32>,
          %parallel_loop3A_304 = arith.constant 1 : i32
          %parallel_loop3A_305 = arith.addi %parallel_loop3A_210, %parallel_loop3A_304 : i32
          %parallel_loop3A_306 = arith.index_cast %parallel_loop3A_305 : i32 to index
          %parallel_loop3A_307 = arith.constant 48 : index
          %parallel_loop3A_308 = tpu.vector_load %arg15[%parallel_loop3A_306, %parallel_loop3A_307] {strides = array<i32>} : memref<200x128xf32, #tpu.memory_space<vmem>>, vector<16xf32>,
          %parallel_loop3A_309 = arith.constant 1 : i32
          %parallel_loop3A_310 = arith.addi %parallel_loop3A_210, %parallel_loop3A_309 : i32
          %parallel_loop3A_311 = arith.index_cast %parallel_loop3A_310 : i32 to index
          %parallel_loop3A_312 = arith.constant 48 : index
          %parallel_loop3A_313 = tpu.vector_load %arg17[%parallel_loop3A_311, %parallel_loop3A_312] {strides = array<i32>} : memref<200x80xf32, #tpu.memory_space<vmem>>, vector<16xf32>,
          tpu.vector_store %arg17[%parallel_loop3A_311, %parallel_loop3A_312], %parallel_loop3A_308 {strides = array<i32>} : memref<200x80xf32, #tpu.memory_space<vmem>>, vector<16xf32>,
          %parallel_loop3A_314 = arith.constant 200 : i32
          %parallel_loop3A_315 = arith.muli %scan3A_165, %parallel_loop3A_314 : i32
          %parallel_loop3A_316 = arith.addi %parallel_loop3A_315, %parallel_loop3A_210 : i32
          %parallel_loop3A_317 = arith.constant 1 : i32
          %parallel_loop3A_318 = arith.addi %parallel_loop3A_316, %parallel_loop3A_317 : i32
          %parallel_loop3A_319 = vector.broadcast %parallel_loop3A_318 : i32 to vector<16xi32>
          %parallel_loop3A_320 = tpu.vector_load_idx %arg12[%parallel_loop3A_319] : memref<6400xi32, #tpu.memory_space<vmem>>[vector<16xi32>], vector<16xi32>,
          %parallel_loop3A_321 = arith.constant 3 : i32
          %parallel_loop3A_322 = vector.broadcast %parallel_loop3A_321 : i32 to vector<16xi32>
          %parallel_loop3A_323 = arith.shrsi %parallel_loop3A_320, %parallel_loop3A_322 : vector<16xi32>
          %parallel_loop3A_324 = arith.constant 7 : i32
          %parallel_loop3A_325 = vector.broadcast %parallel_loop3A_324 : i32 to vector<16xi32>
          %parallel_loop3A_326 = arith.andi %parallel_loop3A_320, %parallel_loop3A_325 : vector<16xi32>
          %parallel_loop3A_327 = arith.constant 16 : i32
          %parallel_loop3A_328 = vector.broadcast %parallel_loop3A_327 : i32 to vector<16xi32>
          %parallel_loop3A_329 = arith.muli %parallel_loop3A_326, %parallel_loop3A_328 : vector<16xi32>
          %parallel_loop3A_330 = arith.addi %parallel_loop3A_329, %iota3A : vector<16xi32>
          %parallel_loop3A_331 = tpu.vector_load_idx %arg22[%parallel_loop3A_323, %parallel_loop3A_330] : memref<64x128xf32, #tpu.memory_space<vmem>>[vector<16xi32>, vector<16xi32>], vector<16xf32>,
          %parallel_loop3A_332 = arith.constant 1 : i32
          %parallel_loop3A_333 = arith.addi %parallel_loop3A_210, %parallel_loop3A_332 : i32
          %parallel_loop3A_334 = arith.index_cast %parallel_loop3A_333 : i32 to index
          %parallel_loop3A_335 = arith.constant 64 : index
          %parallel_loop3A_336 = tpu.vector_load %arg17[%parallel_loop3A_334, %parallel_loop3A_335] {strides = array<i32>} : memref<200x80xf32, #tpu.memory_space<vmem>>, vector<16xf32>,
          tpu.vector_store %arg17[%parallel_loop3A_334, %parallel_loop3A_335], %parallel_loop3A_331 {strides = array<i32>} : memref<200x80xf32, #tpu.memory_space<vmem>>, vector<16xf32>,
        } {sc.loop_unroll_factor = 2 : i64, sc.parallel_access}
        %add3A_199 = arith.addi %mul3A_2, %scan3A_165 : i32
        %dma_start3A_200 = arith.constant 0 : i32
        %dma_start3A_201 = arith.constant 0 : i32
        %dma_start3A_202 = tpu.memref_slice %arg8[%add3A_199, %dma_start3A_200, %dma_start3A_201] : memref<1024x200x80xf32, #tpu.memory_space<hbm>> -> memref<1x200x80xf32, #tpu.memory_space<hbm>>
        %dma_start3A_203 = tpu.memref_squeeze %dma_start3A_202 : memref<1x200x80xf32, #tpu.memory_space<hbm>> -> memref<200x80xf32, #tpu.memory_space<hbm>>
        %dma_start3A_204 = arith.constant 0 : i32
        %dma_start3A_205 = arith.constant 0 : i32
        %dma_start3A_206 = tpu.memref_slice %arg8[%add3A_199, %dma_start3A_204, %dma_start3A_205] : memref<1024x200x80xf32, #tpu.memory_space<hbm>> -> memref<1x200x80xf32, #tpu.memory_space<hbm>>
        %dma_start3A_207 = tpu.memref_squeeze %dma_start3A_206 : memref<1x200x80xf32, #tpu.memory_space<hbm>> -> memref<200x80xf32, #tpu.memory_space<hbm>>
        tpu.enqueue_dma source(%arg17 : memref<200x80xf32, #tpu.memory_space<vmem>>) target(%dma_start3A_207 : memref<200x80xf32, #tpu.memory_space<hbm>>) target_semaphore(%arg26 : memref<!tpu.dma_semaphore, #tpu.memory_space<semaphore_mem>>)
      } else {
      }
      %not3A = arith.constant true
      %not3A_178 = arith.xori %eq3A_176, %not3A : i1
      %convert_element_type3A_179 = arith.extui %not3A_178 : i1 to i32
      %cond3A_180 = arith.constant 0 : i32
      %cond3A_181 = arith.cmpi ne, %convert_element_type3A_179, %cond3A_180 : i32
      scf.if %cond3A_181 {
        %dma_wait3A_182 = arith.constant 0 : i32
        %dma_wait3A_183 = arith.constant 0 : i32
        %dma_wait3A_184 = tpu.memref_slice %arg6[%dma_wait3A_182, %dma_wait3A_183] : memref<100000x128xf32, #tpu.memory_space<hbm>> -> memref<200x128xf32, #tpu.memory_space<hbm>>
        %dma_wait3A_185 = arith.constant 0 : i32
        %dma_wait3A_186 = arith.constant 0 : i32
        %dma_wait3A_187 = tpu.memref_slice %arg6[%dma_wait3A_185, %dma_wait3A_186] : memref<100000x128xf32, #tpu.memory_space<hbm>> -> memref<200x128xf32, #tpu.memory_space<hbm>>
        tpu.wait_dma2 semaphore(%arg25 : memref<!tpu.dma_semaphore, #tpu.memory_space<semaphore_mem>>) src(%dma_wait3A_187 : memref<200x128xf32, #tpu.memory_space<hbm>>) dst(%arg16 : memref<200x128xf32, #tpu.memory_space<vmem>>)
        %lt3A_188 = arith.constant 31 : i32
        %lt3A_189 = arith.cmpi slt, %scan3A_165, %lt3A_188 : i32
        %convert_element_type3A_190 = arith.extui %lt3A_189 : i1 to i32
        %cond3A_191 = arith.constant 0 : i32
        %cond3A_192 = arith.cmpi ne, %convert_element_type3A_190, %cond3A_191 : i32
        scf.if %cond3A_192 {
          %add3A_208 = arith.constant 1 : i32
          %add3A_209 = arith.addi %scan3A_165, %add3A_208 : i32
          %mul3A_210 = arith.constant 200 : i32
          %mul3A_211 = arith.muli %add3A_209, %mul3A_210 : i32
          %dma_start3A_212 = arith.constant 0 : i32
          %dma_start3A_213 = arith.constant 0 : i32
          %dma_start3A_214 = tpu.memref_slice %arg15[%dma_start3A_212, %dma_start3A_213] : memref<200x128xf32, #tpu.memory_space<vmem>> -> memref<128x128xf32, #tpu.memory_space<vmem>>
          %dma_start3A_215 = tpu.memref_slice %arg11[%mul3A_211] : memref<6400xi32, #tpu.memory_space<vmem>> -> memref<128xi32, #tpu.memory_space<vmem>>
          %dma_start3A_216 = arith.constant 0 : i32
          %dma_start3A_217 = arith.constant 0 : i32
          %dma_start3A_218 = tpu.memref_slice %arg6[%dma_start3A_216, %dma_start3A_217] : memref<100000x128xf32, #tpu.memory_space<hbm>> -> memref<100000x128xf32, #tpu.memory_space<hbm>>
          tpu.enqueue_indirect_dma source(%dma_start3A_218 : memref<100000x128xf32, #tpu.memory_space<hbm>>) target(%dma_start3A_214 : memref<128x128xf32, #tpu.memory_space<vmem>>) offsets(%dma_start3A_215 : memref<128xi32, #tpu.memory_space<vmem>>) semaphore(%arg25 : memref<!tpu.dma_semaphore, #tpu.memory_space<semaphore_mem>>)
          %add3A_219 = arith.constant 128 : i32
          %add3A_220 = arith.addi %mul3A_211, %add3A_219 : i32
          %dma_start3A_221 = arith.constant 128 : i32
          %dma_start3A_222 = arith.constant 0 : i32
          %dma_start3A_223 = tpu.memref_slice %arg15[%dma_start3A_221, %dma_start3A_222] : memref<200x128xf32, #tpu.memory_space<vmem>> -> memref<72x128xf32, #tpu.memory_space<vmem>>
          %dma_start3A_224 = tpu.memref_slice %arg11[%add3A_220] : memref<6400xi32, #tpu.memory_space<vmem>> -> memref<72xi32, #tpu.memory_space<vmem>>
          %dma_start3A_225 = arith.constant 0 : i32
          %dma_start3A_226 = arith.constant 0 : i32
          %dma_start3A_227 = tpu.memref_slice %arg6[%dma_start3A_225, %dma_start3A_226] : memref<100000x128xf32, #tpu.memory_space<hbm>> -> memref<100000x128xf32, #tpu.memory_space<hbm>>
          tpu.enqueue_indirect_dma source(%dma_start3A_227 : memref<100000x128xf32, #tpu.memory_space<hbm>>) target(%dma_start3A_223 : memref<72x128xf32, #tpu.memory_space<vmem>>) offsets(%dma_start3A_224 : memref<72xi32, #tpu.memory_space<vmem>>) semaphore(%arg25 : memref<!tpu.dma_semaphore, #tpu.memory_space<semaphore_mem>>)
        } else {
        }
        %gt3A = arith.constant 0 : i32
        %gt3A_193 = arith.cmpi sgt, %scan3A_165, %gt3A : i32
        %convert_element_type3A_194 = arith.extui %gt3A_193 : i1 to i32
        %cond3A_195 = arith.constant 0 : i32
        %cond3A_196 = arith.cmpi ne, %convert_element_type3A_194, %cond3A_195 : i32
        scf.if %cond3A_196 {
          %dma_wait3A_208 = arith.constant 0 : i32
          %dma_wait3A_209 = arith.constant 0 : i32
          %dma_wait3A_210 = tpu.memref_slice %arg8[%mul3A_2, %dma_wait3A_208, %dma_wait3A_209] : memref<1024x200x80xf32, #tpu.memory_space<hbm>> -> memref<1x200x80xf32, #tpu.memory_space<hbm>>
          %dma_wait3A_211 = tpu.memref_squeeze %dma_wait3A_210 : memref<1x200x80xf32, #tpu.memory_space<hbm>> -> memref<200x80xf32, #tpu.memory_space<hbm>>
          %dma_wait3A_212 = arith.constant 0 : i32
          %dma_wait3A_213 = arith.constant 0 : i32
          %dma_wait3A_214 = tpu.memref_slice %arg8[%mul3A_2, %dma_wait3A_212, %dma_wait3A_213] : memref<1024x200x80xf32, #tpu.memory_space<hbm>> -> memref<1x200x80xf32, #tpu.memory_space<hbm>>
          %dma_wait3A_215 = tpu.memref_squeeze %dma_wait3A_214 : memref<1x200x80xf32, #tpu.memory_space<hbm>> -> memref<200x80xf32, #tpu.memory_space<hbm>>
          tpu.wait_dma2 semaphore(%arg26 : memref<!tpu.dma_semaphore, #tpu.memory_space<semaphore_mem>>) src(%arg17 : memref<200x80xf32, #tpu.memory_space<vmem>>) dst(%dma_wait3A_215 : memref<200x80xf32, #tpu.memory_space<hbm>>)
        } else {
        }
        %parallel_loop3A = arith.constant 0 : i32
        %parallel_loop3A_197 = arith.constant 100 : i32
        %parallel_loop3A_198 = arith.constant 1 : i32
        scf.for %parallel_loop3A_208 = %parallel_loop3A to %parallel_loop3A_197 step %parallel_loop3A_198  : i32 {
          %parallel_loop3A_209 = arith.constant 2 : i32
          %parallel_loop3A_210 = arith.muli %parallel_loop3A_208, %parallel_loop3A_209 : i32
          %parallel_loop3A_211 = arith.constant 0 : i32
          %parallel_loop3A_212 = arith.addi %parallel_loop3A_210, %parallel_loop3A_211 : i32
          %parallel_loop3A_213 = arith.index_cast %parallel_loop3A_212 : i32 to index
          %parallel_loop3A_214 = arith.constant 0 : index
          %parallel_loop3A_215 = tpu.vector_load %arg16[%parallel_loop3A_213, %parallel_loop3A_214] {strides = array<i32>} : memref<200x128xf32, #tpu.memory_space<vmem>>, vector<16xf32>,
          %parallel_loop3A_216 = arith.constant 0 : i32
          %parallel_loop3A_217 = arith.addi %parallel_loop3A_210, %parallel_loop3A_216 : i32
          %parallel_loop3A_218 = arith.index_cast %parallel_loop3A_217 : i32 to index
          %parallel_loop3A_219 = arith.constant 0 : index
          %parallel_loop3A_220 = tpu.vector_load %arg17[%parallel_loop3A_218, %parallel_loop3A_219] {strides = array<i32>} : memref<200x80xf32, #tpu.memory_space<vmem>>, vector<16xf32>,
          tpu.vector_store %arg17[%parallel_loop3A_218, %parallel_loop3A_219], %parallel_loop3A_215 {strides = array<i32>} : memref<200x80xf32, #tpu.memory_space<vmem>>, vector<16xf32>,
          %parallel_loop3A_221 = arith.constant 0 : i32
          %parallel_loop3A_222 = arith.addi %parallel_loop3A_210, %parallel_loop3A_221 : i32
          %parallel_loop3A_223 = arith.index_cast %parallel_loop3A_222 : i32 to index
          %parallel_loop3A_224 = arith.constant 16 : index
          %parallel_loop3A_225 = tpu.vector_load %arg16[%parallel_loop3A_223, %parallel_loop3A_224] {strides = array<i32>} : memref<200x128xf32, #tpu.memory_space<vmem>>, vector<16xf32>,
          %parallel_loop3A_226 = arith.constant 0 : i32
          %parallel_loop3A_227 = arith.addi %parallel_loop3A_210, %parallel_loop3A_226 : i32
          %parallel_loop3A_228 = arith.index_cast %parallel_loop3A_227 : i32 to index
          %parallel_loop3A_229 = arith.constant 16 : index
          %parallel_loop3A_230 = tpu.vector_load %arg17[%parallel_loop3A_228, %parallel_loop3A_229] {strides = array<i32>} : memref<200x80xf32, #tpu.memory_space<vmem>>, vector<16xf32>,
          tpu.vector_store %arg17[%parallel_loop3A_228, %parallel_loop3A_229], %parallel_loop3A_225 {strides = array<i32>} : memref<200x80xf32, #tpu.memory_space<vmem>>, vector<16xf32>,
          %parallel_loop3A_231 = arith.constant 0 : i32
          %parallel_loop3A_232 = arith.addi %parallel_loop3A_210, %parallel_loop3A_231 : i32
          %parallel_loop3A_233 = arith.index_cast %parallel_loop3A_232 : i32 to index
          %parallel_loop3A_234 = arith.constant 32 : index
          %parallel_loop3A_235 = tpu.vector_load %arg16[%parallel_loop3A_233, %parallel_loop3A_234] {strides = array<i32>} : memref<200x128xf32, #tpu.memory_space<vmem>>, vector<16xf32>,
          %parallel_loop3A_236 = arith.constant 0 : i32
          %parallel_loop3A_237 = arith.addi %parallel_loop3A_210, %parallel_loop3A_236 : i32
          %parallel_loop3A_238 = arith.index_cast %parallel_loop3A_237 : i32 to index
          %parallel_loop3A_239 = arith.constant 32 : index
          %parallel_loop3A_240 = tpu.vector_load %arg17[%parallel_loop3A_238, %parallel_loop3A_239] {strides = array<i32>} : memref<200x80xf32, #tpu.memory_space<vmem>>, vector<16xf32>,
          tpu.vector_store %arg17[%parallel_loop3A_238, %parallel_loop3A_239], %parallel_loop3A_235 {strides = array<i32>} : memref<200x80xf32, #tpu.memory_space<vmem>>, vector<16xf32>,
          %parallel_loop3A_241 = arith.constant 0 : i32
          %parallel_loop3A_242 = arith.addi %parallel_loop3A_210, %parallel_loop3A_241 : i32
          %parallel_loop3A_243 = arith.index_cast %parallel_loop3A_242 : i32 to index
          %parallel_loop3A_244 = arith.constant 48 : index
          %parallel_loop3A_245 = tpu.vector_load %arg16[%parallel_loop3A_243, %parallel_loop3A_244] {strides = array<i32>} : memref<200x128xf32, #tpu.memory_space<vmem>>, vector<16xf32>,
          %parallel_loop3A_246 = arith.constant 0 : i32
          %parallel_loop3A_247 = arith.addi %parallel_loop3A_210, %parallel_loop3A_246 : i32
          %parallel_loop3A_248 = arith.index_cast %parallel_loop3A_247 : i32 to index
          %parallel_loop3A_249 = arith.constant 48 : index
          %parallel_loop3A_250 = tpu.vector_load %arg17[%parallel_loop3A_248, %parallel_loop3A_249] {strides = array<i32>} : memref<200x80xf32, #tpu.memory_space<vmem>>, vector<16xf32>,
          tpu.vector_store %arg17[%parallel_loop3A_248, %parallel_loop3A_249], %parallel_loop3A_245 {strides = array<i32>} : memref<200x80xf32, #tpu.memory_space<vmem>>, vector<16xf32>,
          %parallel_loop3A_251 = arith.constant 200 : i32
          %parallel_loop3A_252 = arith.muli %scan3A_165, %parallel_loop3A_251 : i32
          %parallel_loop3A_253 = arith.addi %parallel_loop3A_252, %parallel_loop3A_210 : i32
          %parallel_loop3A_254 = arith.constant 0 : i32
          %parallel_loop3A_255 = arith.addi %parallel_loop3A_253, %parallel_loop3A_254 : i32
          %parallel_loop3A_256 = vector.broadcast %parallel_loop3A_255 : i32 to vector<16xi32>
          %parallel_loop3A_257 = tpu.vector_load_idx %arg12[%parallel_loop3A_256] : memref<6400xi32, #tpu.memory_space<vmem>>[vector<16xi32>], vector<16xi32>,
          %parallel_loop3A_258 = arith.constant 3 : i32
          %parallel_loop3A_259 = vector.broadcast %parallel_loop3A_258 : i32 to vector<16xi32>
          %parallel_loop3A_260 = arith.shrsi %parallel_loop3A_257, %parallel_loop3A_259 : vector<16xi32>
          %parallel_loop3A_261 = arith.constant 7 : i32
          %parallel_loop3A_262 = vector.broadcast %parallel_loop3A_261 : i32 to vector<16xi32>
          %parallel_loop3A_263 = arith.andi %parallel_loop3A_257, %parallel_loop3A_262 : vector<16xi32>
          %parallel_loop3A_264 = arith.constant 16 : i32
          %parallel_loop3A_265 = vector.broadcast %parallel_loop3A_264 : i32 to vector<16xi32>
          %parallel_loop3A_266 = arith.muli %parallel_loop3A_263, %parallel_loop3A_265 : vector<16xi32>
          %parallel_loop3A_267 = arith.addi %parallel_loop3A_266, %iota3A : vector<16xi32>
          %parallel_loop3A_268 = tpu.vector_load_idx %arg22[%parallel_loop3A_260, %parallel_loop3A_267] : memref<64x128xf32, #tpu.memory_space<vmem>>[vector<16xi32>, vector<16xi32>], vector<16xf32>,
          %parallel_loop3A_269 = arith.constant 0 : i32
          %parallel_loop3A_270 = arith.addi %parallel_loop3A_210, %parallel_loop3A_269 : i32
          %parallel_loop3A_271 = arith.index_cast %parallel_loop3A_270 : i32 to index
          %parallel_loop3A_272 = arith.constant 64 : index
          %parallel_loop3A_273 = tpu.vector_load %arg17[%parallel_loop3A_271, %parallel_loop3A_272] {strides = array<i32>} : memref<200x80xf32, #tpu.memory_space<vmem>>, vector<16xf32>,
          tpu.vector_store %arg17[%parallel_loop3A_271, %parallel_loop3A_272], %parallel_loop3A_268 {strides = array<i32>} : memref<200x80xf32, #tpu.memory_space<vmem>>, vector<16xf32>,
          %parallel_loop3A_274 = arith.constant 1 : i32
          %parallel_loop3A_275 = arith.addi %parallel_loop3A_210, %parallel_loop3A_274 : i32
          %parallel_loop3A_276 = arith.index_cast %parallel_loop3A_275 : i32 to index
          %parallel_loop3A_277 = arith.constant 0 : index
          %parallel_loop3A_278 = tpu.vector_load %arg16[%parallel_loop3A_276, %parallel_loop3A_277] {strides = array<i32>} : memref<200x128xf32, #tpu.memory_space<vmem>>, vector<16xf32>,
          %parallel_loop3A_279 = arith.constant 1 : i32
          %parallel_loop3A_280 = arith.addi %parallel_loop3A_210, %parallel_loop3A_279 : i32
          %parallel_loop3A_281 = arith.index_cast %parallel_loop3A_280 : i32 to index
          %parallel_loop3A_282 = arith.constant 0 : index
          %parallel_loop3A_283 = tpu.vector_load %arg17[%parallel_loop3A_281, %parallel_loop3A_282] {strides = array<i32>} : memref<200x80xf32, #tpu.memory_space<vmem>>, vector<16xf32>,
          tpu.vector_store %arg17[%parallel_loop3A_281, %parallel_loop3A_282], %parallel_loop3A_278 {strides = array<i32>} : memref<200x80xf32, #tpu.memory_space<vmem>>, vector<16xf32>,
          %parallel_loop3A_284 = arith.constant 1 : i32
          %parallel_loop3A_285 = arith.addi %parallel_loop3A_210, %parallel_loop3A_284 : i32
          %parallel_loop3A_286 = arith.index_cast %parallel_loop3A_285 : i32 to index
          %parallel_loop3A_287 = arith.constant 16 : index
          %parallel_loop3A_288 = tpu.vector_load %arg16[%parallel_loop3A_286, %parallel_loop3A_287] {strides = array<i32>} : memref<200x128xf32, #tpu.memory_space<vmem>>, vector<16xf32>,
          %parallel_loop3A_289 = arith.constant 1 : i32
          %parallel_loop3A_290 = arith.addi %parallel_loop3A_210, %parallel_loop3A_289 : i32
          %parallel_loop3A_291 = arith.index_cast %parallel_loop3A_290 : i32 to index
          %parallel_loop3A_292 = arith.constant 16 : index
          %parallel_loop3A_293 = tpu.vector_load %arg17[%parallel_loop3A_291, %parallel_loop3A_292] {strides = array<i32>} : memref<200x80xf32, #tpu.memory_space<vmem>>, vector<16xf32>,
          tpu.vector_store %arg17[%parallel_loop3A_291, %parallel_loop3A_292], %parallel_loop3A_288 {strides = array<i32>} : memref<200x80xf32, #tpu.memory_space<vmem>>, vector<16xf32>,
          %parallel_loop3A_294 = arith.constant 1 : i32
          %parallel_loop3A_295 = arith.addi %parallel_loop3A_210, %parallel_loop3A_294 : i32
          %parallel_loop3A_296 = arith.index_cast %parallel_loop3A_295 : i32 to index
          %parallel_loop3A_297 = arith.constant 32 : index
          %parallel_loop3A_298 = tpu.vector_load %arg16[%parallel_loop3A_296, %parallel_loop3A_297] {strides = array<i32>} : memref<200x128xf32, #tpu.memory_space<vmem>>, vector<16xf32>,
          %parallel_loop3A_299 = arith.constant 1 : i32
          %parallel_loop3A_300 = arith.addi %parallel_loop3A_210, %parallel_loop3A_299 : i32
          %parallel_loop3A_301 = arith.index_cast %parallel_loop3A_300 : i32 to index
          %parallel_loop3A_302 = arith.constant 32 : index
          %parallel_loop3A_303 = tpu.vector_load %arg17[%parallel_loop3A_301, %parallel_loop3A_302] {strides = array<i32>} : memref<200x80xf32, #tpu.memory_space<vmem>>, vector<16xf32>,
          tpu.vector_store %arg17[%parallel_loop3A_301, %parallel_loop3A_302], %parallel_loop3A_298 {strides = array<i32>} : memref<200x80xf32, #tpu.memory_space<vmem>>, vector<16xf32>,
          %parallel_loop3A_304 = arith.constant 1 : i32
          %parallel_loop3A_305 = arith.addi %parallel_loop3A_210, %parallel_loop3A_304 : i32
          %parallel_loop3A_306 = arith.index_cast %parallel_loop3A_305 : i32 to index
          %parallel_loop3A_307 = arith.constant 48 : index
          %parallel_loop3A_308 = tpu.vector_load %arg16[%parallel_loop3A_306, %parallel_loop3A_307] {strides = array<i32>} : memref<200x128xf32, #tpu.memory_space<vmem>>, vector<16xf32>,
          %parallel_loop3A_309 = arith.constant 1 : i32
          %parallel_loop3A_310 = arith.addi %parallel_loop3A_210, %parallel_loop3A_309 : i32
          %parallel_loop3A_311 = arith.index_cast %parallel_loop3A_310 : i32 to index
          %parallel_loop3A_312 = arith.constant 48 : index
          %parallel_loop3A_313 = tpu.vector_load %arg17[%parallel_loop3A_311, %parallel_loop3A_312] {strides = array<i32>} : memref<200x80xf32, #tpu.memory_space<vmem>>, vector<16xf32>,
          tpu.vector_store %arg17[%parallel_loop3A_311, %parallel_loop3A_312], %parallel_loop3A_308 {strides = array<i32>} : memref<200x80xf32, #tpu.memory_space<vmem>>, vector<16xf32>,
          %parallel_loop3A_314 = arith.constant 200 : i32
          %parallel_loop3A_315 = arith.muli %scan3A_165, %parallel_loop3A_314 : i32
          %parallel_loop3A_316 = arith.addi %parallel_loop3A_315, %parallel_loop3A_210 : i32
          %parallel_loop3A_317 = arith.constant 1 : i32
          %parallel_loop3A_318 = arith.addi %parallel_loop3A_316, %parallel_loop3A_317 : i32
          %parallel_loop3A_319 = vector.broadcast %parallel_loop3A_318 : i32 to vector<16xi32>
          %parallel_loop3A_320 = tpu.vector_load_idx %arg12[%parallel_loop3A_319] : memref<6400xi32, #tpu.memory_space<vmem>>[vector<16xi32>], vector<16xi32>,
          %parallel_loop3A_321 = arith.constant 3 : i32
          %parallel_loop3A_322 = vector.broadcast %parallel_loop3A_321 : i32 to vector<16xi32>
          %parallel_loop3A_323 = arith.shrsi %parallel_loop3A_320, %parallel_loop3A_322 : vector<16xi32>
          %parallel_loop3A_324 = arith.constant 7 : i32
          %parallel_loop3A_325 = vector.broadcast %parallel_loop3A_324 : i32 to vector<16xi32>
          %parallel_loop3A_326 = arith.andi %parallel_loop3A_320, %parallel_loop3A_325 : vector<16xi32>
          %parallel_loop3A_327 = arith.constant 16 : i32
          %parallel_loop3A_328 = vector.broadcast %parallel_loop3A_327 : i32 to vector<16xi32>
          %parallel_loop3A_329 = arith.muli %parallel_loop3A_326, %parallel_loop3A_328 : vector<16xi32>
          %parallel_loop3A_330 = arith.addi %parallel_loop3A_329, %iota3A : vector<16xi32>
          %parallel_loop3A_331 = tpu.vector_load_idx %arg22[%parallel_loop3A_323, %parallel_loop3A_330] : memref<64x128xf32, #tpu.memory_space<vmem>>[vector<16xi32>, vector<16xi32>], vector<16xf32>,
          %parallel_loop3A_332 = arith.constant 1 : i32
          %parallel_loop3A_333 = arith.addi %parallel_loop3A_210, %parallel_loop3A_332 : i32
          %parallel_loop3A_334 = arith.index_cast %parallel_loop3A_333 : i32 to index
          %parallel_loop3A_335 = arith.constant 64 : index
          %parallel_loop3A_336 = tpu.vector_load %arg17[%parallel_loop3A_334, %parallel_loop3A_335] {strides = array<i32>} : memref<200x80xf32, #tpu.memory_space<vmem>>, vector<16xf32>,
          tpu.vector_store %arg17[%parallel_loop3A_334, %parallel_loop3A_335], %parallel_loop3A_331 {strides = array<i32>} : memref<200x80xf32, #tpu.memory_space<vmem>>, vector<16xf32>,
        } {sc.loop_unroll_factor = 2 : i64, sc.parallel_access}
        %add3A_199 = arith.addi %mul3A_2, %scan3A_165 : i32
        %dma_start3A_200 = arith.constant 0 : i32
        %dma_start3A_201 = arith.constant 0 : i32
        %dma_start3A_202 = tpu.memref_slice %arg8[%add3A_199, %dma_start3A_200, %dma_start3A_201] : memref<1024x200x80xf32, #tpu.memory_space<hbm>> -> memref<1x200x80xf32, #tpu.memory_space<hbm>>
        %dma_start3A_203 = tpu.memref_squeeze %dma_start3A_202 : memref<1x200x80xf32, #tpu.memory_space<hbm>> -> memref<200x80xf32, #tpu.memory_space<hbm>>
        %dma_start3A_204 = arith.constant 0 : i32
        %dma_start3A_205 = arith.constant 0 : i32
        %dma_start3A_206 = tpu.memref_slice %arg8[%add3A_199, %dma_start3A_204, %dma_start3A_205] : memref<1024x200x80xf32, #tpu.memory_space<hbm>> -> memref<1x200x80xf32, #tpu.memory_space<hbm>>
        %dma_start3A_207 = tpu.memref_squeeze %dma_start3A_206 : memref<1x200x80xf32, #tpu.memory_space<hbm>> -> memref<200x80xf32, #tpu.memory_space<hbm>>
        tpu.enqueue_dma source(%arg17 : memref<200x80xf32, #tpu.memory_space<vmem>>) target(%dma_start3A_207 : memref<200x80xf32, #tpu.memory_space<hbm>>) target_semaphore(%arg26 : memref<!tpu.dma_semaphore, #tpu.memory_space<semaphore_mem>>)
      } else {
      }
    }
    %scan3A_156 = arith.constant 32 : i32
    %dma_wait3A_157 = arith.constant 0 : i32
    %dma_wait3A_158 = arith.constant 0 : i32
    %dma_wait3A_159 = tpu.memref_slice %arg8[%mul3A_2, %dma_wait3A_157, %dma_wait3A_158] : memref<1024x200x80xf32, #tpu.memory_space<hbm>> -> memref<1x200x80xf32, #tpu.memory_space<hbm>>
    %dma_wait3A_160 = tpu.memref_squeeze %dma_wait3A_159 : memref<1x200x80xf32, #tpu.memory_space<hbm>> -> memref<200x80xf32, #tpu.memory_space<hbm>>
    %dma_wait3A_161 = arith.constant 0 : i32
    %dma_wait3A_162 = arith.constant 0 : i32
    %dma_wait3A_163 = tpu.memref_slice %arg8[%mul3A_2, %dma_wait3A_161, %dma_wait3A_162] : memref<1024x200x80xf32, #tpu.memory_space<hbm>> -> memref<1x200x80xf32, #tpu.memory_space<hbm>>
    %dma_wait3A_164 = tpu.memref_squeeze %dma_wait3A_163 : memref<1x200x80xf32, #tpu.memory_space<hbm>> -> memref<200x80xf32, #tpu.memory_space<hbm>>
    tpu.wait_dma2 semaphore(%arg26 : memref<!tpu.dma_semaphore, #tpu.memory_space<semaphore_mem>>) src(%arg17 : memref<200x80xf32, #tpu.memory_space<vmem>>) dst(%dma_wait3A_164 : memref<200x80xf32, #tpu.memory_space<hbm>>)
    return
  }
}

</mosaic_0001>

<sc_bundles>
// kernel: kernel.3.cloned.1.call-start
scs
__scs_entry_jumppad:
0x0: {  	(pc) =	sbr.rel $0x88, $3  }
0x1: {  	(tag) =	ssettag $0x0;
	lr =	simm.s32 $0x1  }
0x2: {  	[smem:$0x3F9B] =	sst lr;
	_ =	strace $0xD0000000  }
0x3: {  	_ = 	snop  }
0x4: {  	_ = 	snop  }
0x5: {  	_ = 	snop  }
0x6: {  	_ = 	snop  }
0x7: {  	_ = 	snop  }
__scs_overlays_trampoline_lowered:
0x8: {  	[smem:$0x3FAA] =	sst s0  }
0x9: {  	[smem:$0x3FAB] =	sst s1  }
0xa: {  	[smem:$0x3FAC] =	sst s2  }
0xb: {  	[smem:$0x3FAD] =	sst s3  }
0xc: {  	[smem:$0x3FAE] =	sst s4  }
0xd: {  	[smem:$0x3FAF] =	sst s5  }
0xe: {  	[smem:$0x3FB0] =	sst s6  }
0xf: {  	[smem:$0x3FB1] =	sst s7  }
0x10: {  	[smem:$0x3FB2] =	sst s8  }
0x11: {  	[smem:$0x3FB3] =	sst s9;
	s0 =	simm.s32 @!p0 $0x0  }
0x12: {  	s1 =	sld [smem:$0x3F99];
	s0 =	simm.s32 @p0 $0x1  }
0x13: {  	[smem:$0x3FB4] =	sst s0;
	s0 =	simm.s32 @!p1 $0x0  }
0x14: {  	s2 =	sld [smem:$0x3F98];
	s0 =	simm.s32 @p1 $0x1  }
0x15: {  	[smem:$0x3FB5] =	sst s0;
	s0 =	simm.s32 @!p2 $0x0  }
0x16: {  	s3 =	sld [smem:$0x3FDB];
	s0 =	simm.s32 @p2 $0x1  }
0x17: {  	s4 =	simm.s32 $0x1BF5;
	[smem:$0x3FB7] =	sst s0  }
0x18: {  	s0 =	sld [smem:$0x3F9A];
	_ =	swait.ge [sflag:s4], $0x0  }
0x19: {  	s7 =	sld [smem:$0x3F9B]  }
0x1a: {  	s8 =	sadd.s32 $0xFFFFE003, lr  }
0x1b: {  	s9 =	sadd.s32 $0xFFFFFEF7, lr;
	s5 =	simm.s32 $0xFFFFFFFF;
	p2 =	slt.u32 s8, $0xFFFFF086  }
0x1c: {  	p1 =	slt.u32 s9, $0xF7A;
	s5 =	simm.s32 @!p2 $0x0  }
0x1d: {  	s5 =	simm.s32 @p1 $0x1;
	p0 =	seq.s32 s7, s2  }
0x1e: {  	s7 =	smul.u32 @!p0 $0xF7A, s2;
	p2 =	seq.s32 @!p0 s5, $0x0  }
0x1f: {  	s9 =	smul.u32 $0xF7A, s1;
	s8 =	simm.s32 @!p0 $0x1BF5;
	p2 =	por !p2, p0  }
0x20: {  	[sflag:s8] =	ssyncset.s32 @!p0 $0xFFFFF086;
	s6 =	sadd.s32 @!p0 s3, s7;
	s7 =	simm.s32 @!p0 $0x108  }
0x21: {  	s3 =	sadd.s32 s3, s9;
	s6 =	sadd.s32 @!p0 $0x88, s6;
	s7 =	simm.s32 @p2 $0x1082  }
0x22: {  	[simem:s7], [sflag:s8] =	dma.local @!p0 [hbm:s6], $0xF7A  }
0x23: {  	s9 =	sor.u32 $0xD0000000, s2;
	s6 =	simm.s32 $0x108;
	_ =	swait.ge @!p0 [sflag:s8], $0x0  }
0x24: {  	s3 =	sadd.s32 $0x88, s3;
	s6 =	simm.s32 @!p1 $0x1082;
	[sflag:s4] =	ssyncset.s32 $0xFFFFF086  }
0x25: {  	[simem:s6], [sflag:s4] =	dma.local [hbm:s3], $0xF7A  }
0x26: {  	[smem:$0x3F9B] =	sst s1;
	(tag) =	ssettag s2;
	_ =	strace s9  }
0x27: {  	s1 =	sld [smem:$0x3FAB]  }
0x28: {  	s2 =	sld [smem:$0x3FAC]  }
0x29: {  	s4 =	sld [smem:$0x3FAE]  }
0x2a: {  	p0 =	seq.s32 s5, $0x0;
	s5 =	sld [smem:$0x3FAF]  }
0x2b: {  	s6 =	sld [smem:$0x3FB0]  }
0x2c: {  	s7 =	sld [smem:$0x3FB1]  }
0x2d: {  	s3 =	simm.s32 $0x108;
	s8 =	sld [smem:$0x3FB2]  }
0x2e: {  	s3 =	simm.s32 @!p0 $0x1082;
	s9 =	sld [smem:$0x3FB3]  }
0x2f: {  	lr =	sadd.s32 s0, s3;
	s0 =	sld [smem:$0x3FAA]  }
0x30: {  	s3 =	sld [smem:$0x3FAD]  }
0x31: {  	[smem:$0x3FB6] =	sst s10  }
0x32: {  	s10 =	sld [smem:$0x3FB4];
	_ =	sdelay $0x3  }
0x33: {  	p0 =	seq.s32 s10, $0x1;
	s10 =	sld [smem:$0x3FB6];
	_ =	sdelay $0x3  }
0x34: {  	[smem:$0x3FB6] =	sst s10  }
0x35: {  	s10 =	sld [smem:$0x3FB5];
	_ =	sdelay $0x3  }
0x36: {  	p1 =	seq.s32 s10, $0x1;
	s10 =	sld [smem:$0x3FB6];
	_ =	sdelay $0x3  }
0x37: {  	[smem:$0x3FB6] =	sst s10  }
0x38: {  	s10 =	sld [smem:$0x3FB7]  }
0x39: {  	_ = 	snop;
	(pc) =	sbr.ind lr, $3  }
0x3a: {  	_ = 	snop  }
0x3b: {  	_ = 	snop  }
0x3c: {  	p2 =	seq.s32 s10, $0x1;
	s10 =	sld [smem:$0x3FB6]  }
0x3d: {  	_ =	shalt  }
0x3e: {  	_ =	shalt  }
0x3f: {  	_ =	shalt  }
0x40: {  	_ =	shalt  }
0x41: {  	_ =	shalt  }
0x42: {  	_ =	shalt  }
0x43: {  	_ =	shalt  }
0x44: {  	_ =	shalt  }
0x45: {  	_ =	shalt  }
0x46: {  	_ =	shalt  }
0x47: {  	_ =	shalt  }
0x48: {  	_ =	shalt  }
0x49: {  	_ =	shalt  }
0x4a: {  	_ =	shalt  }
0x4b: {  	_ =	shalt  }
0x4c: {  	_ =	shalt  }
0x4d: {  	_ =	shalt  }
0x4e: {  	_ =	shalt  }
0x4f: {  	_ =	shalt  }
0x50: {  	_ =	shalt  }
0x51: {  	_ =	shalt  }
0x52: {  	_ =	shalt  }
0x53: {  	_ =	shalt  }
0x54: {  	_ =	shalt  }
0x55: {  	_ =	shalt  }
0x56: {  	_ =	shalt  }
0x57: {  	_ =	shalt  }
0x58: {  	_ =	shalt  }
0x59: {  	_ =	shalt  }
0x5a: {  	_ =	shalt  }
0x5b: {  	_ =	shalt  }
0x5c: {  	_ =	shalt  }
0x5d: {  	_ =	shalt  }
0x5e: {  	_ =	shalt  }
0x5f: {  	_ =	shalt  }
0x60: {  	_ =	shalt  }
0x61: {  	_ =	shalt  }
0x62: {  	_ =	shalt  }
0x63: {  	_ =	shalt  }
0x64: {  	_ =	shalt  }
0x65: {  	_ =	shalt  }
0x66: {  	_ =	shalt  }
0x67: {  	_ =	shalt  }
0x68: {  	_ =	shalt  }
0x69: {  	_ =	shalt  }
0x6a: {  	_ =	shalt  }
0x6b: {  	_ =	shalt  }
0x6c: {  	_ =	shalt  }
0x6d: {  	_ =	shalt  }
0x6e: {  	_ =	shalt  }
0x6f: {  	_ =	shalt  }
0x70: {  	_ =	shalt  }
0x71: {  	_ =	shalt  }
0x72: {  	_ =	shalt  }
0x73: {  	_ =	shalt  }
0x74: {  	_ =	shalt  }
0x75: {  	_ =	shalt  }
0x76: {  	_ =	shalt  }
0x77: {  	_ =	shalt  }
0x78: {  	_ =	shalt  }
0x79: {  	_ =	shalt  }
0x7a: {  	_ =	shalt  }
0x7b: {  	_ =	shalt  }
0x7c: {  	_ =	shalt  }
0x7d: {  	_ =	shalt  }
0x7e: {  	_ =	shalt  }
0x7f: {  	_ =	shalt  }
0x80: {  	_ =	shalt  }
0x81: {  	_ =	shalt  }
0x82: {  	_ =	shalt  }
0x83: {  	_ =	shalt  }
0x84: {  	_ =	shalt  }
0x85: {  	_ =	shalt  }
0x86: {  	_ =	shalt  }
0x87: {  	_ =	shalt  }
.Lfunc_end0:
.L_simem_size_0:
called_computation_lowered:
.L_overlay_start_0:
0x88: {  	s2 =	sld [smem:$0x3FD9]  }
0x89: {  	s3 =	sld [smem:$0x3FFE];
	_ =	sdelay $0x1  }
0x8a: {  	s1 =	srdreg.scid  }
0x8b: {  	s0 =	sand.u32 $0x1, s1  }
0x8c: {  	s14 =	sshll.u32 s0, $0xA;
	s2 =	sadd.s32 s3, s2  }
0x8d: {  	s2 =	sadd.s32 s2, s14  }
0x8e: {  	[smem:$0x3FC2] =	sst s2  }
0x8f: {  	_ = 	snop  }
0x90: {  	s2 =	sld [smem:$0x3FD0];
	_ =	sdelay $0x2  }
0x91: {  	s4 =	simm.s32 $0xA;
	s5 =	simm.s32 $0x10;
	s15 =	sld [smem:$0x3FC7]  }
0x92: {  	[smem:s5], [sflag:s4] =	dma.local [hbm:s2], $0x1  }
0x93: {  	_ =	swait.eq [sflag:s4], $0x1  }
0x94: {  	[sflag:s4] =	ssyncset.done $0x0  }
0x95: {  	s16 =	sld [smem:$0x11];
	[sflag:s4] =	ssyncadd.s32 $0xFFFFFFFF  }
0x96: {  	s17 =	sld [smem:$0x12];
	(tm) =	ssettm $0x1  }
0x97: {  	s18 =	sld [smem:$0x3FFB];
	_ =	sdelay $0x3  }
0x98: {  	_ =	strace s18  }
0x99: {  	s5 =	sld [smem:$0x3FFC];
	_ =	sdelay $0x3  }
0x9a: {  	_ =	strace s5  }
0x9b: {  	s5 =	sld [smem:$0x3FFD];
	_ =	sdelay $0x3  }
0x9c: {  	_ =	strace s5  }
0x9d: {  	_ =	strace $0x8FFFFFFF  }
0x9e: {  	s19 =	sld [smem:$0x3FDB];
	_ =	sdelay $0x1  }
0x9f: {  	s6 =	simm.s32 $_scs_section_size  }
0xa0: {  	s7 =	simm.s32 $_size__tile_overlayer_lowered;
	s8 =	simm.s32 $_tile_overlayer_lowered  }
0xa1: {  	s22 =	simm.s32 $0x1BFF;
	s21 =	sshll.u32 s8, $0x1;
	s5 =	sadd.s32 s6, s19  }
0xa2: {  	s9 =	simm.s32 $0x0;
	s20 =	sshll.u32 s7, $0x1;
	s7 =	sadd.s32 s21, s5  }
0xa3: {  	[timem:s9], [sflag:s22] =	dma.local [hbm:s7], s20  }
0xa4: {  	_ =	swait.ge [sflag:s22], s20  }
0xa5: {  	s6 =	ssub.s32 $0x0, s20;
	[sflag:s22] =	ssyncset.done $0x0  }
0xa6: {  	[sflag:s22] =	ssyncadd.s32 s6;
	_ =	sdelay $0x1  }
0xa7: {  	s23 =	simm.s32 $0x1B8B  }
0xa8: {  	_ =	swait.ge [sflag:s23], $0x1  }
0xa9: {  	[sflag:s23] =	ssyncset.done $0x0  }
0xaa: {  	s25 =	simm.s32 $0x1B8E;
	s24 =	sld [smem:$0x3FFE];
	[sflag:s23] =	ssyncadd.s32 $0xFFFFFFFF  }
0xab: {  	s26 =	simm.s32 $execute0_lowered;
	[smem:$0x3FD2] =	sst s25  }
0xac: {  	s7 =	sshll.u32 s26, $0x1;
	_ =	strace $0x80000046;
	[dreg:$0x1] =	wrdreg $0xFFFFFFFF  }
0xad: {  	s28 =	simm.s32 $_size_execute0_lowered;
	s5 =	sadd.s32 s5, s7;
	[dreg:$0x0] =	wrdreg $0x0  }
0xae: {  	s7 =	sshll.u32 s28, $0x1;
	[dreg:$0x2] =	wrdreg s5  }
0xaf: {  	[dreg:$0x3] =	wrdreg s7  }
0xb0: {  	[dreg:$0x4] =	wrdreg $0xC0  }
0xb1: {  	_ =	task [dreg:s9], $0x5FFFF  }
0xb2: {  	[dreg:$0x1] =	wrdreg $0xFFFFFFFF  }
0xb3: {  	[dreg:$0x0] =	wrdreg $0x60  }
0xb4: {  	[dreg:$0x2] =	wrdreg s16  }
0xb5: {  	[dreg:$0x3] =	wrdreg s17  }
0xb6: {  	[dreg:$0x4] =	wrdreg s15  }
0xb7: {  	[dreg:$0x5] =	wrdreg s24  }
0xb8: {  	[dreg:$0x6] =	wrdreg $0x9  }
0xb9: {  	_ =	task.clear_ibuf [dreg:s9], $0x7FFFF;
	_ =	strace $0x90000046  }
0xba: {  	s29 =	simm.s32 $0x9;
	_ =	strace $0x80000048  }
0xbb: {  	_ =	swait.ge [sflag:s29], $0x1  }
0xbc: {  	[sflag:s29] =	ssyncadd.s32 $0xFFFFFFFF  }
0xbd: {  	_ =	strace $0x90000048  }
0xbe: {  	_ =	sfence  }
0xbf: {  	s30 =	sld [smem:$0x0];
	_ =	sdelay $0x2  }
0xc0: {  	s31 =	sshll.u32 s1, $0xD;
	s1 =	sshrl.u32 s1, $0x2  }
0xc1: {  	s3 =	sand.u32 $0x4000, s31;
	s1 =	sadd.s32 s1, s30  }
0xc2: {  	s0 =	sor.u32 s3, s0;
	s1 =	sshll.u32 s1, $0x11  }
0xc3: {  	s0 =	sor.u32 s1, s0  }
0xc4: {  	s0 =	sadd.s32 $0x8F2B, s0  }
0xc5: {  	[sflag:s0] =	ssyncadd.remote.s32 $0x1  }
0xc6: {  	_ =	sfence.sel $0xFFFF  }
0xc7: {  	[dreg:$0x0] =	wrdreg $0xFFFFFFFF;
	(pc) =	sbr.abs _section_cstart, $3  }
0xc8: {  	[dreg:$0x1] =	wrdreg $0xFFFFFFFF  }
0xc9: {  	_ =	task.clear_ibuf [dreg:s9], $0x2FFFF;
	_ =	strace $0x9FFFFFFF  }
0xca: {  	(tm) =	ssettm $0x7FFFFFFF  }
0xcb: {  	_ =	shalt  }
tec
execute0_lowered:
.L_overlay_start_1:
0x0: {  	(tag) =	ssettag $0x1  }
0x1: {  	s0 =	rddreg [dreg:$0x0]  }
0x2: {  	s4 =	rddreg [dreg:$0x1]  }
0x3: {  	s1 =	srdreg.scid;
	s8 =	rddreg [dreg:$0x2]  }
0x4: {  	s3 =	stileid.u32;
	s10 =	rddreg [dreg:$0x3]  }
0x5: {  	s17 =	simm.s32 $0x1900;
	s19 =	simm.s32 $0x3480;
	s20 =	simm.s32 $0x1B900  }
0x6: {  	s29 =	simm.s32 $0x3;
	s16 =	simm.s32 $0x17500;
	s28 =	simm.s32 $0x2  }
0x7: {  	s1 =	sand.u32 $0x1, s1;
	s2 =	sshll.u32 s3, $0x1;
	s6 =	sshrl.u32 s3, $0x2  }
0x8: {  	s23 =	sadd.s32 $0xC00, s10;
	s9 =	sor.u32 s1, s2;
	s5 =	smul.u32 $0xC800, s6  }
0x9: {  	s2 =	simm.s32 $0x0;
	s1 =	ssub.s32 $0x2, s1;
	s13 =	smul.u32 $0x1400, s6  }
0xa: {  	s6 =	sadd.s32 $0x4B1E00, s10;
	s22 =	sshll.u32 s9, $0x7;
	[smem:$0x7FF] =	sst s2  }
0xb: {  	s14 =	sshll.u32 s9, $0x9;
	s15 =	sshrl.u32 s1, $0x1;
	s26 =	sshll.u32 s9, $0x2  }
0xc: {  	s7 =	sand.u32 $0x380, s22;
	_ =	strace $0x80000047;
	[dreg:$0x5] =	wrdreg s23  }
0xd: {  	s14 =	sadd.s32 s14, s10;
	s1 =	ssub.s32 s1, s15;
	s22 =	simm.s32 $0x4  }
0xe: {  	s15 =	simm.s32 $0x28;
	s3 =	sor.u32 s5, s7;
	s5 =	sadd.s32 $0x18DE00, s10  }
0xf: {  	s13 =	sor.u32 s13, s7;
	s7 =	sshll.u32 s9, $0x5;
	s30 =	sadd.s32 $0x4ADE00, s14  }
0x10: {  	s31 =	smax.u32 s1, $0x1;
	s9 =	simm.s32 $0x3200;
	[dreg:$0xa] =	wrdreg s30  }
0x11: {  	s11 =	sshrl.u32 s3, $0x3;
	s3 =	sadd.s32 $0x7400, s10;
	[dreg:$0xb] =	wrdreg s31  }
.Ltmp0:
0x12: {  	s12 =	sadd.s32 s11, s10;
	s0 =	sadd.s32 s0, s11;
	(pc) =	sbr.rel .LBB2_1-.Ltmp0, $4  }
0x13: {  	s24 =	sshrl.u32 s13, $0x3;
	[dreg:$0x6] =	wrdreg s0;
	s25 =	sadd.s32 $0x1000, s12  }
0x14: {  	s0 =	sadd.s32 s4, s24;
	s12 =	sadd.s32 $0x4B1F80, s10;
	[dreg:$0x7] =	wrdreg s25  }
0x15: {  	s4 =	simm.s32 $0x0;
	[dreg:$0x8] =	wrdreg s0;
	s0 =	sadd.s32 s8, s26  }
0x16: {  	v0 =	vimm.f32 $0.0e+00;
	v1 =	vlaneseq.u32;
	s25 =	simm.s32 $0xFD00;
	[dreg:$0x9] =	wrdreg s0;
	s0 =	simm.s32 $0x1  }
.LBB2_23:
0x17: {  	_ =	swait.ge [sflag:s28], $0x6400  }
0x18: {  	s4 =	rddreg [dreg:$0xc]  }
0x19: {  	s1 =	rddreg [dreg:$0xb];
	s4 =	sadd.s32 $0x1, s4  }
0x1a: {  	p0 =	sne.s32 s4, s1  }
.Ltmp1:
0x1b: {  	_ = 	snop;
	(pc) =	sbr.rel @!p0 .LBB2_24-.Ltmp1, $3  }
0x1c: {  	_ =	sdelay $0x1  }
0x1d: {  	s9 =	simm.s32 $0x3200;
	[sflag:s28] =	ssyncset.done $0x0  }
0x1e: {  	s15 =	simm.s32 $0x28;
	s16 =	simm.s32 $0x17500;
	[sflag:s28] =	ssyncadd.s32 $0xFFFF9C00  }
.LBB2_1:
0x1f: {  	s1 =	rddreg [dreg:$0x6];
	s11 =	simm.s32 $0x80;
	s8 =	simm.s32 $0x400  }
0x20: {  	[tilespmem:s2], [sflag:$0x4] =	stream.strided.gather [hbm4b:s1+s11], $0x1900, s8, s11, $0x38;
	[tilespmem:$0x1ED00] =	vst v63  }
0x21: {  	s13 =	rddreg [dreg:$0x7]  }
0x22: {  	[tilespmem:s17], [sflag:$0x4] =	stream.strided.gather [hbm4b:s13+s11], $0x1900, s8, s11, $0x38;
	[tilespmem:$0x1ED00] =	vst v63  }
0x23: {  	s14 =	rddreg [dreg:$0x8]  }
0x24: {  	[tilespmem:s9], [sflag:$0x4] =	stream.strided.gather [hbm4b:s14+s11], $0x280, s8, s11, $0x38;
	[tilespmem:$0x1ED00] =	vst v63  }
0x25: {  	s18 =	rddreg [dreg:$0x9]  }
0x26: {  	[tilespmem:s19], [sflag:$0x4] =	stream.linear.gather [hbm4b:s18+s2], $0x20, $0x38;
	[tilespmem:$0x1ED00] =	vst v63  }
0x27: {  	s21 =	rddreg [dreg:$0x5]  }
0x28: {  	[tilespmem:s20], [sflag:$0x4] =	stream.linear.gather [hbm4b:s21+s2], $0x2000, $0x38;
	[tilespmem:$0x1ED00] =	vst v63  }
0x29: {  	[dreg:$0xc] =	wrdreg s4;
	s23 =	simm.s32 $0x1E900  }
0x2a: {  	[tilespmem:s23], [sflag:$0x4] =	stream.linear.gather [hbm4b:s3+s2], $0x400, $0x38;
	[tilespmem:$0x1ED00] =	vst v63  }
0x2b: {  	_ =	swait.ge [sflag:s22], $0x1900  }
0x2c: {  	[sflag:s22] =	ssyncset.done $0x0  }
0x2d: {  	[sflag:s22] =	ssyncadd.s32 $0xFFFFE700  }
0x2e: {  	_ =	swait.ge [sflag:s22], $0x1900  }
0x2f: {  	[sflag:s22] =	ssyncset.done $0x0  }
0x30: {  	[sflag:s22] =	ssyncadd.s32 $0xFFFFE700  }
0x31: {  	_ =	swait.ge [sflag:s22], $0x280  }
0x32: {  	[sflag:s22] =	ssyncset.done $0x0  }
0x33: {  	[sflag:s22] =	ssyncadd.s32 $0xFFFFFD80  }
0x34: {  	_ =	swait.ge [sflag:s22], $0x20  }
0x35: {  	[sflag:s22] =	ssyncset.done $0x0  }
0x36: {  	[sflag:s22] =	ssyncadd.s32 $0xFFFFFFE0  }
0x37: {  	_ =	swait.ge [sflag:s22], $0x2000  }
0x38: {  	[sflag:s22] =	ssyncset.done $0x0  }
0x39: {  	[sflag:s22] =	ssyncadd.s32 $0xFFFFE000  }
0x3a: {  	_ =	swait.ge [sflag:s22], $0x400  }
0x3b: {  	v2 =	vmov s2;
	[sflag:s22] =	ssyncset.done $0x0  }
0x3c: {  	s24 =	simm.s32 $0x3500;
	[sflag:s22] =	ssyncadd.s32 $0xFFFFFC00  }
0x3d: {  	[tilespmem:s24], [sflag:$0x1] =	stream.indirect.gather [hbm4b:s3+s11], $0x80, s2, s11, $0xb8;
	[tilespmem:$0x1ED00] =	vst v63  }
0x3e: {  	s26 =	simm.s32 $0x48;
	s30 =	simm.s32 $0x7500  }
0x3f: {  	[tilespmem:s30], [sflag:$0x1] =	stream.indirect.gather [hbm4b:s3+s26], $0x80, s11, s26, $0xb8;
	[tilespmem:$0x1ED00] =	vst v63  }
0x40: {  	v2 =	vld.idx.msk [tilespmem:v2+s19+$0x0], $0xffff;
	_ =	sdelay $0x4  }
0x41: {  	v2 =	vadd.s32 $0xFFFFFFFE, v2  }
0x42: {  	v3 =	vld [tilespmem:$0x1E900];
	vm0 =	vgt.s32 v2, $0x0  }
0x43: {  	v2 =	vnsel vm0, $0x0, v2  }
0x44: {  	v2 =	vsub.s32 $0x14, v2  }
0x45: {  	v2 =	vcvt.s32.f32 v2;
	_ =	sdelay $0x1  }
0x46: {  	v3 =	vmul.f32 v2, v3  }
0x47: {  	s1 =	simm.s32 $0x1D920  }
0x48: {  	[tilespmem:s1+$0xFFFFFFE0] =	vst v3  }
0x49: {  	v3 =	vld [tilespmem:$0x1E910];
	_ =	sdelay $0x4  }
0x4a: {  	v3 =	vmul.f32 v2, v3;
	_ =	sdelay $0x1  }
0x4b: {  	[tilespmem:s1+$0xFFFFFFF0] =	vst v3  }
0x4c: {  	v3 =	vld [tilespmem:$0x1E920];
	_ =	sdelay $0x4  }
0x4d: {  	v3 =	vmul.f32 v2, v3;
	_ =	sdelay $0x1  }
0x4e: {  	[tilespmem:s1+$0x0] =	vst v3  }
0x4f: {  	v4 =	vld [tilespmem:$0x1E930];
	_ =	sdelay $0x1  }
0x50: {  	s31 =	simm.s32 $0x1  }
0x51: {  	s4 =	simm.s32 $0x2;
	v3 =	vmov s31  }
.LBB2_2:
0x52: {  	p0 =	sne.s32 s4, $0x1F  }
0x53: {  	v2 =	vmul.f32 v2, v4;
	_ =	sdelay $0x1  }
0x54: {  	[tilespmem:s1+$0x10] =	vst v2  }
0x55: {  	v2 =	vld.idx.msk [tilespmem:v3+s19+$0x0], $0xffff  }
0x56: {  	v3 =	vld [tilespmem:$0x1E900];
	_ =	sdelay $0x4  }
0x57: {  	v2 =	vadd.s32 $0xFFFFFFFE, v2  }
0x58: {  	vm0 =	vgt.s32 v2, $0x0  }
0x59: {  	v2 =	vnsel vm0, $0x0, v2  }
0x5a: {  	v2 =	vsub.s32 $0x14, v2  }
0x5b: {  	v2 =	vcvt.s32.f32 v2;
	_ =	sdelay $0x1  }
0x5c: {  	v3 =	vmul.f32 v2, v3  }
0x5d: {  	s1 =	sadd.s32 $0x80, s1  }
0x5e: {  	[tilespmem:s1+$0xFFFFFFE0] =	vst v3  }
0x5f: {  	v3 =	vld [tilespmem:$0x1E910];
	_ =	sdelay $0x4  }
0x60: {  	v3 =	vmul.f32 v2, v3;
	_ =	sdelay $0x1  }
0x61: {  	[tilespmem:s1+$0xFFFFFFF0] =	vst v3  }
0x62: {  	v3 =	vld [tilespmem:$0x1E920];
	_ =	sdelay $0x4  }
0x63: {  	v3 =	vmul.f32 v2, v3;
	_ =	sdelay $0x1  }
.Ltmp2:
0x64: {  	[tilespmem:s1+$0x0] =	vst v3;
	(pc) =	sbr.rel @p0 .LBB2_2-.Ltmp2, $2  }
0x65: {  	v4 =	vld [tilespmem:$0x1E930];
	_ =	sdelay $0x2  }
0x66: {  	v3 =	vmov s4;
	s4 =	sadd.s32 $0x1, s4  }
0x67: {  	_ = 	snop  }
0x68: {  	v2 =	vmul.f32 v2, v4;
	_ =	sdelay $0x1  }
0x69: {  	[tilespmem:s1+$0x10] =	vst v2  }
0x6a: {  	v2 =	vld.idx.msk [tilespmem:v3+s19+$0x0], $0xffff;
	_ =	sdelay $0x4  }
0x6b: {  	v2 =	vadd.s32 $0xFFFFFFFE, v2  }
0x6c: {  	v3 =	vld [tilespmem:$0x1E900];
	vm0 =	vgt.s32 v2, $0x0  }
0x6d: {  	v2 =	vnsel vm0, $0x0, v2  }
0x6e: {  	v2 =	vsub.s32 $0x14, v2  }
0x6f: {  	v2 =	vcvt.s32.f32 v2;
	_ =	sdelay $0x1  }
0x70: {  	v3 =	vmul.f32 v2, v3  }
0x71: {  	s30 =	sadd.s32 $0x80, s1  }
0x72: {  	[tilespmem:s30+$0xFFFFFFE0] =	vst v3  }
0x73: {  	v3 =	vld [tilespmem:$0x1E910];
	_ =	sdelay $0x4  }
0x74: {  	v3 =	vmul.f32 v2, v3;
	_ =	sdelay $0x1  }
0x75: {  	[tilespmem:s30+$0xFFFFFFF0] =	vst v3  }
0x76: {  	v3 =	vld [tilespmem:$0x1E920];
	_ =	sdelay $0x4  }
0x77: {  	v3 =	vmul.f32 v2, v3;
	_ =	sdelay $0x1  }
0x78: {  	[tilespmem:s30+$0x0] =	vst v3  }
0x79: {  	v3 =	vld [tilespmem:$0x1E930];
	_ =	sdelay $0x3  }
.Ltmp3:
0x7a: {  	_ = 	snop;
	(pc) =	sbr.rel .LBB2_4-.Ltmp3, $3  }
0x7b: {  	v2 =	vmul.f32 v2, v3;
	_ =	sdelay $0x1  }
0x7c: {  	s31 =	simm.s32 $0x16100;
	s4 =	simm.s32 $0x0;
	[tilespmem:s30+$0x10] =	vst v2  }
0x7d: {  	[tilespmem:s31], [sflag:$0x3] =	stream.indirect.gather [hbm4b:s3+s15], $0x80, s9, s15, $0xb8;
	[tilespmem:$0x1ED00] =	vst v63  }
.LBB2_10:
0x7e: {  	s8 =	sor.u32 s7, s1  }
0x7f: {  	s1 =	smul.u32 $0x180, s8  }
0x80: {  	s8 =	smul.u32 $0xC00, s8;
	_ =	sdelay $0x1  }
0x81: {  	[tilespmem:s11+$0x1D930] =	vst.add.f32.msk $0xffff, v4;
	s9 =	sadd.s32 s6, s1;
	s1 =	simm.s32 $0x1A100;
	s8 =	sshrl.u32 s8, $0x3  }
0x82: {  	[hbm4b:s9+s2] =	stream.linear.scatter [tilespmem:s1], [sflag:$0x4], $0xA00, $0x38;
	[tilespmem:$0x1ED00] =	vst v63  }
0x83: {  	s8 =	sadd.s32 s6, s8  }
0x84: {  	s8 =	sadd.s32 $0x180, s8  }
.LBB2_11:
0x85: {  	s4 =	sadd.s32 $0x1, s4  }
0x86: {  	p0 =	sne.s32 s4, $0x10  }
.Ltmp4:
0x87: {  	_ = 	snop;
	(pc) =	sbr.rel @!p0 .LBB2_12-.Ltmp4, $3  }
0x88: {  	_ =	sdelay $0x1  }
0x89: {  	s1 =	sadd.s32 $0xC00, s1  }
0x8a: {  	[hbm4b:s8+s2] =	stream.linear.scatter [tilespmem:s1], [sflag:$0x4], $0xA00, $0x38;
	[tilespmem:$0x1ED00] =	vst v63  }
.LBB2_4:
0x8b: {  	s1 =	sand.u32 $0x1, s4  }
0x8c: {  	p0 =	seq.s32 s1, $0x1  }
.Ltmp5:
0x8d: {  	_ = 	snop;
	(pc) =	sbr.rel @p0 .LBB2_8-.Ltmp5, $4  }
0x8e: {  	_ = 	snop  }
0x8f: {  	_ =	swait.ge [sflag:s29], $0x1400  }
0x90: {  	[sflag:s29] =	ssyncset.done $0x0  }
0x91: {  	[sflag:s29] =	ssyncadd.s32 $0xFFFFEC00  }
0x92: {  	s1 =	smul.u32 $0xA0, s4;
	_ =	sdelay $0x1  }
0x93: {  	s1 =	sshra.s32 s1, $0x2  }
0x94: {  	s1 =	sadd.s32 $0x3228, s1  }
0x95: {  	[tilespmem:s16], [sflag:$0x3] =	stream.indirect.gather [hbm4b:s3+s15], $0x80, s1, s15, $0xb8;
	[tilespmem:$0x1ED00] =	vst v63  }
0x96: {  	s1 =	sshll.u32 s4, $0x1  }
0x97: {  	p0 =	slt.u32 s4, $0x2;
	v2 =	vmov s1  }
0x98: {  	s8 =	simm.s32 @!p0 $0x4;
	v2 =	vand.u32 $0xFFFFFFFC, v2  }
0x99: {  	_ =	swait.ge @!p0 [sflag:s8], $0xA00;
	v2 =	vbroadcast v2, $0x0  }
0x9a: {  	[sflag:s8] =	ssyncset.done @!p0 $0x0  }
0x9b: {  	[sflag:s8] =	ssyncadd.s32 @!p0 $0xFFFFF600  }
0x9c: {  	_ =	swait.ge @!p0 [sflag:s8], $0xA00  }
0x9d: {  	[sflag:s8] =	ssyncset.done @!p0 $0x0  }
0x9e: {  	[sflag:s8] =	ssyncadd.s32 @!p0 $0xFFFFF600  }
0x9f: {  	v2 =	vld.idx.msk [tilespmem:v2+s19+$0x0], $0xffff  }
0xa0: {  	s11 =	sshllo.u32 s4, $0x1  }
0xa1: {  	v3 =	vmov s11  }
0xa2: {  	v3 =	vand.u32 $0xFFFFFFFD, v3;
	s8 =	simm.s32 $0x16B30  }
0xa3: {  	s9 =	simm.s32 $0x0;
	v3 =	vbroadcast v3, $0x0;
	v4 =	vld [tilespmem:s8+$0xFFFFF5D0]  }
0xa4: {  	v5 =	vmov s9;
	v2 =	vadd.s32 $0xFFFFFFFF, v2  }
0xa5: {  	vm0 =	vne.s32 v5, $0x0;
	vm1 =	vlt.s32 v5, v2  }
0xa6: {  	vm1 =	vmand vm0, vm1  }
0xa7: {  	v6 =	vsel vm1, $0x3F800000, v0  }
0xa8: {  	s10 =	sshll.u32 s4, $0x8;
	s9 =	simm.s32 $0x19530;
	v7 =	vmul.f32 v4, v6  }
0xa9: {  	s10 =	sand.u32 $0x3FFFFF00, s10;
	v3 =	vld.idx.msk [tilespmem:v3+s19+$0x0], $0xffff;
	[tilespmem:s9+$0xFFFFF3D0] =	vst v4  }
0xaa: {  	[tilespmem:s10+$0x1D900] =	vst.add.f32.msk $0xffff, v7  }
0xab: {  	v4 =	vld [tilespmem:s8+$0xFFFFF5E0];
	_ =	sdelay $0x4  }
0xac: {  	v7 =	vmul.f32 v4, v6  }
0xad: {  	[tilespmem:s9+$0xFFFFF3E0] =	vst v4  }
0xae: {  	[tilespmem:s10+$0x1D910] =	vst.add.f32.msk $0xffff, v7  }
0xaf: {  	v4 =	vld [tilespmem:s8+$0xFFFFF5F0];
	_ =	sdelay $0x4  }
0xb0: {  	v7 =	vmul.f32 v4, v6  }
0xb1: {  	[tilespmem:s9+$0xFFFFF3F0] =	vst v4  }
0xb2: {  	[tilespmem:s10+$0x1D920] =	vst.add.f32.msk $0xffff, v7  }
0xb3: {  	v4 =	vld [tilespmem:s8+$0xFFFFF600];
	_ =	sdelay $0x4  }
0xb4: {  	v6 =	vmul.f32 v4, v6  }
0xb5: {  	[tilespmem:s9+$0xFFFFF400] =	vst v4  }
0xb6: {  	[tilespmem:s10+$0x1D930] =	vst.add.f32.msk $0xffff, v6  }
0xb7: {  	v4 =	vld [tilespmem:s8+$0xFFFFFFD0]  }
0xb8: {  	v3 =	vadd.s32 $0xFFFFFFFF, v3  }
0xb9: {  	vm15 =	vlt.s32 v5, v3  }
0xba: {  	vm0 =	vmand vm0, vm15  }
0xbb: {  	v5 =	vsel vm0, $0x3F800000, v0  }
0xbc: {  	s11 =	sshll.u32 s11, $0x7;
	v6 =	vmul.f32 v4, v5  }
0xbd: {  	s11 =	sand.u32 $0x3FFFFF80, s11;
	[tilespmem:s9+$0xFFFFFFD0] =	vst v4  }
0xbe: {  	[tilespmem:s11+$0x1D900] =	vst.add.f32.msk $0xffff, v6  }
0xbf: {  	v4 =	vld [tilespmem:s8+$0xFFFFFFE0];
	_ =	sdelay $0x4  }
0xc0: {  	v6 =	vmul.f32 v4, v5  }
0xc1: {  	[tilespmem:s9+$0xFFFFFFE0] =	vst v4  }
0xc2: {  	[tilespmem:s11+$0x1D910] =	vst.add.f32.msk $0xffff, v6  }
0xc3: {  	v4 =	vld [tilespmem:s8+$0xFFFFFFF0];
	_ =	sdelay $0x4  }
0xc4: {  	v6 =	vmul.f32 v4, v5  }
0xc5: {  	[tilespmem:s9+$0xFFFFFFF0] =	vst v4  }
0xc6: {  	[tilespmem:s11+$0x1D920] =	vst.add.f32.msk $0xffff, v6  }
0xc7: {  	v4 =	vld [tilespmem:s8+$0x0];
	_ =	sdelay $0x4  }
0xc8: {  	s13 =	simm.s32 $0x1;
	[tilespmem:s9+$0x0] =	vst v4;
	v4 =	vmul.f32 v4, v5  }
.LBB2_6:
0xc9: {  	_ = 	snop  }
0xca: {  	p0 =	sne.s32 s13, $0x13;
	s9 =	sadd.s32 $0x80, s9;
	s8 =	sadd.s32 $0x80, s8;
	[tilespmem:s11+$0x1D930] =	vst.add.f32.msk $0xffff, v4  }
0xcb: {  	s14 =	smov.u32 s13;
	s13 =	sadd.s32 $0x1, s13;
	v4 =	vld [tilespmem:s8+$0xFFFFF5D0]  }
0xcc: {  	v5 =	vmov s14  }
0xcd: {  	vm0 =	vne.s32 v5, $0x0;
	vm1 =	vlt.s32 v5, v2;
	vm2 =	vlt.s32 v5, v3  }
0xce: {  	vm1 =	vmand vm0, vm1;
	vm0 =	vmand vm0, vm2  }
0xcf: {  	v5 =	vsel vm1, $0x3F800000, v0  }
0xd0: {  	v6 =	vmul.f32 v4, v5  }
0xd1: {  	[tilespmem:s9+$0xFFFFF3D0] =	vst v4  }
0xd2: {  	[tilespmem:s10+$0x1D900] =	vst.add.f32.msk $0xffff, v6  }
0xd3: {  	v4 =	vld [tilespmem:s8+$0xFFFFF5E0];
	_ =	sdelay $0x4  }
0xd4: {  	v6 =	vmul.f32 v4, v5  }
0xd5: {  	[tilespmem:s9+$0xFFFFF3E0] =	vst v4  }
0xd6: {  	[tilespmem:s10+$0x1D910] =	vst.add.f32.msk $0xffff, v6  }
0xd7: {  	v4 =	vld [tilespmem:s8+$0xFFFFF5F0];
	_ =	sdelay $0x4  }
0xd8: {  	v6 =	vmul.f32 v4, v5  }
0xd9: {  	[tilespmem:s9+$0xFFFFF3F0] =	vst v4  }
0xda: {  	[tilespmem:s10+$0x1D920] =	vst.add.f32.msk $0xffff, v6  }
0xdb: {  	v4 =	vld [tilespmem:s8+$0xFFFFF600];
	_ =	sdelay $0x4  }
0xdc: {  	v5 =	vmul.f32 v4, v5  }
0xdd: {  	[tilespmem:s9+$0xFFFFF400] =	vst v4  }
0xde: {  	[tilespmem:s10+$0x1D930] =	vst.add.f32.msk $0xffff, v5  }
0xdf: {  	v4 =	vld [tilespmem:s8+$0xFFFFFFD0];
	_ =	sdelay $0x3  }
0xe0: {  	v5 =	vsel vm0, $0x3F800000, v0  }
0xe1: {  	[tilespmem:s9+$0xFFFFFFD0] =	vst v4;
	v4 =	vmul.f32 v4, v5;
	_ =	sdelay $0x1  }
0xe2: {  	[tilespmem:s11+$0x1D900] =	vst.add.f32.msk $0xffff, v4  }
0xe3: {  	v4 =	vld [tilespmem:s8+$0xFFFFFFE0];
	_ =	sdelay $0x4  }
0xe4: {  	[tilespmem:s9+$0xFFFFFFE0] =	vst v4;
	v4 =	vmul.f32 v4, v5;
	_ =	sdelay $0x1  }
0xe5: {  	[tilespmem:s11+$0x1D910] =	vst.add.f32.msk $0xffff, v4  }
0xe6: {  	v4 =	vld [tilespmem:s8+$0xFFFFFFF0];
	_ =	sdelay $0x4  }
0xe7: {  	[tilespmem:s9+$0xFFFFFFF0] =	vst v4;
	v4 =	vmul.f32 v4, v5;
	_ =	sdelay $0x1  }
0xe8: {  	[tilespmem:s11+$0x1D920] =	vst.add.f32.msk $0xffff, v4  }
0xe9: {  	v4 =	vld [tilespmem:s8+$0x0]  }
.Ltmp6:
0xea: {  	(pc) =	sbr.rel @p0 .LBB2_6-.Ltmp6, $2  }
0xeb: {  	_ =	sdelay $0x2  }
0xec: {  	[tilespmem:s9+$0x0] =	vst v4;
	v4 =	vmul.f32 v4, v5  }
.Ltmp7:
0xed: {  	s1 =	sor.u32 s7, s1;
	(pc) =	sbr.rel .LBB2_11-.Ltmp7, $3  }
0xee: {  	s8 =	smul.u32 $0x180, s1;
	_ =	sdelay $0x1  }
0xef: {  	[tilespmem:s11+$0x1D930] =	vst.add.f32.msk $0xffff, v4;
	s1 =	simm.s32 $0x18900;
	s9 =	sadd.s32 s6, s8;
	s8 =	sadd.s32 s8, s12  }
0xf0: {  	[hbm4b:s9+s2] =	stream.linear.scatter [tilespmem:s1], [sflag:$0x4], $0xA00, $0x38;
	[tilespmem:$0x1ED00] =	vst v63  }
.LBB2_8:
0xf1: {  	p0 =	seq.s32 s4, $0xF  }
0xf2: {  	s1 =	smul.u32 @!p0 $0xA0, s4;
	_ =	sdelay $0x1  }
0xf3: {  	s1 =	sshra.s32 @!p0 s1, $0x2  }
0xf4: {  	s8 =	simm.s32 @!p0 $0x28;
	s9 =	simm.s32 @!p0 $0x16100;
	s1 =	sadd.s32 @!p0 $0x3228, s1  }
0xf5: {  	[tilespmem:s9], [sflag:$0x3] =	stream.indirect.gather @!p0 [hbm4b:s3+s8], $0x80, s1, s8, $0xb8;
	[tilespmem:$0x1ED00] =	vst v63  }
0xf6: {  	p1 =	slt.u32 @!p0 s4, $0x2;
	s1 =	sshll.u32 s4, $0x1  }
0xf7: {  	p0 =	por p0, !p1;
	v2 =	vmov s1  }
0xf8: {  	_ =	swait.ge @p0 [sflag:s22], $0xA00;
	v2 =	vbroadcast v2, $0x0  }
0xf9: {  	[sflag:s22] =	ssyncset.done @p0 $0x0  }
0xfa: {  	[sflag:s22] =	ssyncadd.s32 @p0 $0xFFFFF600  }
0xfb: {  	_ =	swait.ge @p0 [sflag:s22], $0xA00  }
0xfc: {  	[sflag:s22] =	ssyncset.done @p0 $0x0  }
0xfd: {  	[sflag:s22] =	ssyncadd.s32 @p0 $0xFFFFF600  }
0xfe: {  	v2 =	vld.idx.msk [tilespmem:v2+s19+$0x0], $0xffff;
	_ =	sdelay $0x2  }
0xff: {  	s8 =	simm.s32 $0x17F30  }
0x100: {  	s11 =	sshllo.u32 s4, $0x1;
	s31 =	simm.s32 $0x0;
	v4 =	vld [tilespmem:s8+$0xFFFFF5D0]  }
0x101: {  	v3 =	vmov s11;
	v5 =	vmov s31;
	v2 =	vadd.s32 $0xFFFFFFFF, v2  }
0x102: {  	vm0 =	vne.s32 v5, $0x0;
	vm1 =	vlt.s32 v5, v2  }
0x103: {  	vm1 =	vmand vm0, vm1  }
0x104: {  	v6 =	vsel vm1, $0x3F800000, v0  }
0x105: {  	s10 =	sshll.u32 s4, $0x8;
	s9 =	simm.s32 $0x1AD30;
	v7 =	vmul.f32 v4, v6  }
0x106: {  	s10 =	sand.u32 $0x3FFFFF00, s10;
	v3 =	vld.idx.msk [tilespmem:v3+s19+$0x0], $0xffff;
	[tilespmem:s9+$0xFFFFF3D0] =	vst v4  }
0x107: {  	[tilespmem:s10+$0x1D900] =	vst.add.f32.msk $0xffff, v7  }
0x108: {  	v4 =	vld [tilespmem:s8+$0xFFFFF5E0];
	_ =	sdelay $0x4  }
0x109: {  	v7 =	vmul.f32 v4, v6  }
0x10a: {  	[tilespmem:s9+$0xFFFFF3E0] =	vst v4  }
0x10b: {  	[tilespmem:s10+$0x1D910] =	vst.add.f32.msk $0xffff, v7  }
0x10c: {  	v4 =	vld [tilespmem:s8+$0xFFFFF5F0];
	_ =	sdelay $0x4  }
0x10d: {  	v7 =	vmul.f32 v4, v6  }
0x10e: {  	[tilespmem:s9+$0xFFFFF3F0] =	vst v4  }
0x10f: {  	[tilespmem:s10+$0x1D920] =	vst.add.f32.msk $0xffff, v7  }
0x110: {  	v4 =	vld [tilespmem:s8+$0xFFFFF600];
	_ =	sdelay $0x4  }
0x111: {  	v6 =	vmul.f32 v4, v6  }
0x112: {  	[tilespmem:s9+$0xFFFFF400] =	vst v4  }
0x113: {  	[tilespmem:s10+$0x1D930] =	vst.add.f32.msk $0xffff, v6  }
0x114: {  	v4 =	vld [tilespmem:s8+$0xFFFFFFD0]  }
0x115: {  	v3 =	vadd.s32 $0xFFFFFFFF, v3  }
0x116: {  	vm15 =	vlt.s32 v5, v3  }
0x117: {  	vm0 =	vmand vm0, vm15  }
0x118: {  	v5 =	vsel vm0, $0x3F800000, v0  }
0x119: {  	s11 =	sshll.u32 s11, $0x7;
	v6 =	vmul.f32 v4, v5  }
0x11a: {  	s11 =	sand.u32 $0x3FFFFF80, s11;
	[tilespmem:s9+$0xFFFFFFD0] =	vst v4  }
0x11b: {  	[tilespmem:s11+$0x1D900] =	vst.add.f32.msk $0xffff, v6  }
0x11c: {  	v4 =	vld [tilespmem:s8+$0xFFFFFFE0];
	_ =	sdelay $0x4  }
0x11d: {  	v6 =	vmul.f32 v4, v5  }
0x11e: {  	[tilespmem:s9+$0xFFFFFFE0] =	vst v4  }
0x11f: {  	[tilespmem:s11+$0x1D910] =	vst.add.f32.msk $0xffff, v6  }
0x120: {  	v4 =	vld [tilespmem:s8+$0xFFFFFFF0];
	_ =	sdelay $0x4  }
0x121: {  	v6 =	vmul.f32 v4, v5  }
0x122: {  	[tilespmem:s9+$0xFFFFFFF0] =	vst v4  }
0x123: {  	[tilespmem:s11+$0x1D920] =	vst.add.f32.msk $0xffff, v6  }
0x124: {  	v4 =	vld [tilespmem:s8+$0x0];
	_ =	sdelay $0x4  }
0x125: {  	[tilespmem:s9+$0x0] =	vst v4;
	v4 =	vmul.f32 v4, v5  }
0x126: {  	s13 =	simm.s32 $0x1  }
.LBB2_9:
0x127: {  	p0 =	sne.s32 s13, $0x13;
	[tilespmem:s11+$0x1D930] =	vst.add.f32.msk $0xffff, v4;
	s9 =	sadd.s32 $0x80, s9;
	s8 =	sadd.s32 $0x80, s8  }
0x128: {  	s14 =	smov.u32 s13;
	s13 =	sadd.s32 $0x1, s13;
	v4 =	vld [tilespmem:s8+$0xFFFFF5D0]  }
0x129: {  	v5 =	vmov s14  }
0x12a: {  	vm0 =	vne.s32 v5, $0x0;
	vm1 =	vlt.s32 v5, v2;
	vm2 =	vlt.s32 v5, v3  }
0x12b: {  	vm1 =	vmand vm0, vm1;
	vm0 =	vmand vm0, vm2  }
0x12c: {  	v5 =	vsel vm1, $0x3F800000, v0  }
0x12d: {  	v6 =	vmul.f32 v4, v5  }
0x12e: {  	[tilespmem:s9+$0xFFFFF3D0] =	vst v4  }
0x12f: {  	[tilespmem:s10+$0x1D900] =	vst.add.f32.msk $0xffff, v6  }
0x130: {  	v4 =	vld [tilespmem:s8+$0xFFFFF5E0];
	_ =	sdelay $0x4  }
0x131: {  	v6 =	vmul.f32 v4, v5  }
0x132: {  	[tilespmem:s9+$0xFFFFF3E0] =	vst v4  }
0x133: {  	[tilespmem:s10+$0x1D910] =	vst.add.f32.msk $0xffff, v6  }
0x134: {  	v4 =	vld [tilespmem:s8+$0xFFFFF5F0];
	_ =	sdelay $0x4  }
0x135: {  	v6 =	vmul.f32 v4, v5  }
0x136: {  	[tilespmem:s9+$0xFFFFF3F0] =	vst v4  }
0x137: {  	[tilespmem:s10+$0x1D920] =	vst.add.f32.msk $0xffff, v6  }
0x138: {  	v4 =	vld [tilespmem:s8+$0xFFFFF600];
	_ =	sdelay $0x4  }
0x139: {  	v5 =	vmul.f32 v4, v5  }
0x13a: {  	[tilespmem:s9+$0xFFFFF400] =	vst v4  }
0x13b: {  	[tilespmem:s10+$0x1D930] =	vst.add.f32.msk $0xffff, v5  }
0x13c: {  	v4 =	vld [tilespmem:s8+$0xFFFFFFD0];
	_ =	sdelay $0x3  }
0x13d: {  	v5 =	vsel vm0, $0x3F800000, v0  }
0x13e: {  	[tilespmem:s9+$0xFFFFFFD0] =	vst v4;
	v4 =	vmul.f32 v4, v5;
	_ =	sdelay $0x1  }
0x13f: {  	[tilespmem:s11+$0x1D900] =	vst.add.f32.msk $0xffff, v4  }
0x140: {  	v4 =	vld [tilespmem:s8+$0xFFFFFFE0];
	_ =	sdelay $0x4  }
0x141: {  	[tilespmem:s9+$0xFFFFFFE0] =	vst v4;
	v4 =	vmul.f32 v4, v5;
	_ =	sdelay $0x1  }
0x142: {  	[tilespmem:s11+$0x1D910] =	vst.add.f32.msk $0xffff, v4  }
0x143: {  	v4 =	vld [tilespmem:s8+$0xFFFFFFF0];
	_ =	sdelay $0x4  }
0x144: {  	[tilespmem:s9+$0xFFFFFFF0] =	vst v4;
	v4 =	vmul.f32 v4, v5;
	_ =	sdelay $0x1  }
0x145: {  	[tilespmem:s11+$0x1D920] =	vst.add.f32.msk $0xffff, v4  }
0x146: {  	v4 =	vld [tilespmem:s8+$0x0]  }
.Ltmp8:
0x147: {  	(pc) =	sbr.rel @p0 .LBB2_9-.Ltmp8, $2  }
0x148: {  	_ =	sdelay $0x2  }
0x149: {  	[tilespmem:s9+$0x0] =	vst v4;
	v4 =	vmul.f32 v4, v5  }
.Ltmp9:
0x14a: {  	_ = 	snop;
	(pc) =	sbr.rel .LBB2_10-.Ltmp9, $1  }
0x14b: {  	_ =	sdelay $0x3  }
.LBB2_12:
0x14c: {  	_ =	swait.ge [sflag:s22], $0xA00  }
0x14d: {  	[sflag:s22] =	ssyncset.done $0x0  }
0x14e: {  	[sflag:s22] =	ssyncadd.s32 $0xFFFFF600  }
0x14f: {  	_ =	swait.ge [sflag:s22], $0xA00  }
0x150: {  	[sflag:s22] =	ssyncset.done $0x0  }
0x151: {  	[sflag:s22] =	ssyncadd.s32 $0xFFFFF600  }
0x152: {  	s1 =	simm.s32 $0x0;
	_ =	swait.ge [sflag:s22], $0xA00  }
0x153: {  	v2 =	vmov s1;
	[sflag:s22] =	ssyncset.done $0x0  }
0x154: {  	[sflag:s22] =	ssyncadd.s32 $0xFFFFF600  }
0x155: {  	_ =	swait.ge [sflag:s22], $0xA00  }
0x156: {  	[sflag:s22] =	ssyncset.done $0x0  }
0x157: {  	[sflag:s22] =	ssyncadd.s32 $0xFFFFF600  }
0x158: {  	v2 =	vld.idx.msk [tilespmem:v2+s19+$0x0], $0xffff;
	_ =	sdelay $0x4  }
0x159: {  	v2 =	vadd.s32 $0xFFFFFFFE, v2  }
0x15a: {  	vm0 =	vgt.s32 v2, $0x1  }
0x15b: {  	v2 =	vnsel vm0, $0x1, v2  }
0x15c: {  	v2 =	vcvt.s32.f32 v2;
	_ =	sdelay $0x1  }
0x15d: {  	(erf) = vrcp.f32 v2;
	_ =	sdelay $0x1  }
0x15e: {  	s1 =	simm.s32 $0x1D920  }
0x15f: {  	v5 =	vld [tilespmem:s1+$0x10]  }
0x160: {  	v3 =	vld [tilespmem:s1+$0xFFFFFFE0]  }
0x161: {  	v2 =	vld [tilespmem:s1+$0xFFFFFFF0]  }
0x162: {  	v6 =	vld [tilespmem:s1+$0x0];
	_ =	sdelay $0x2  }
0x163: {  	v7 =	vpop (erf)  }
0x164: {  	s4 =	simm.s32 $0x1;
	v4 =	vmul.f32 v7, v3;
	v3 =	vmul.f32 v7, v2  }
0x165: {  	v2 =	vmov s4;
	s4 =	simm.s32 $0x2;
	v6 =	vmul.f32 v6, v7;
	v5 =	vmul.f32 v5, v7  }
.LBB2_13:
0x166: {  	p0 =	sne.s32 s4, $0x1F;
	[tilespmem:s1+$0xFFFFFFE0] =	vst v4  }
0x167: {  	[tilespmem:s1+$0xFFFFFFF0] =	vst v3  }
0x168: {  	[tilespmem:s1+$0x0] =	vst v6  }
0x169: {  	[tilespmem:s1+$0x10] =	vst v5  }
0x16a: {  	v2 =	vld.idx.msk [tilespmem:v2+s19+$0x0], $0xffff;
	_ =	sdelay $0x5  }
0x16b: {  	v2 =	vadd.s32 $0xFFFFFFFE, v2  }
0x16c: {  	vm0 =	vgt.s32 v2, $0x1  }
0x16d: {  	v2 =	vnsel vm0, $0x1, v2  }
0x16e: {  	v2 =	vcvt.s32.f32 v2;
	_ =	sdelay $0x1  }
0x16f: {  	(erf) = vrcp.f32 v2;
	_ =	sdelay $0x1  }
0x170: {  	s1 =	sadd.s32 $0x80, s1  }
0x171: {  	v2 =	vld [tilespmem:s1+$0xFFFFFFF0]  }
0x172: {  	v5 =	vld [tilespmem:s1+$0x10]  }
0x173: {  	v3 =	vld [tilespmem:s1+$0xFFFFFFE0]  }
0x174: {  	v6 =	vld [tilespmem:s1+$0x0]  }
.Ltmp10:
0x175: {  	(pc) =	sbr.rel @p0 .LBB2_13-.Ltmp10, $4  }
0x176: {  	_ = 	snop  }
0x177: {  	v7 =	vpop (erf)  }
0x178: {  	v4 =	vmul.f32 v7, v3;
	v3 =	vmul.f32 v7, v2  }
0x179: {  	v2 =	vmov s4;
	s4 =	sadd.s32 $0x1, s4;
	v5 =	vmul.f32 v5, v7;
	v6 =	vmul.f32 v6, v7  }
0x17a: {  	[tilespmem:s1+$0xFFFFFFE0] =	vst v4  }
0x17b: {  	[tilespmem:s1+$0xFFFFFFF0] =	vst v3  }
0x17c: {  	[tilespmem:s1+$0x0] =	vst v6  }
0x17d: {  	[tilespmem:s1+$0x10] =	vst v5  }
0x17e: {  	v2 =	vld.idx.msk [tilespmem:v2+s19+$0x0], $0xffff;
	_ =	sdelay $0x4  }
0x17f: {  	v2 =	vadd.s32 $0xFFFFFFFE, v2  }
0x180: {  	vm0 =	vgt.s32 v2, $0x1  }
0x181: {  	v2 =	vnsel vm0, $0x1, v2  }
0x182: {  	v2 =	vcvt.s32.f32 v2;
	_ =	sdelay $0x1  }
0x183: {  	(erf) = vrcp.f32 v2;
	_ =	sdelay $0x3  }
0x184: {  	s26 =	sadd.s32 $0x80, s1  }
0x185: {  	v2 =	vld [tilespmem:s26+$0xFFFFFFE0]  }
0x186: {  	v3 =	vld [tilespmem:s26+$0xFFFFFFF0]  }
0x187: {  	v4 =	vld [tilespmem:s26+$0x0]  }
0x188: {  	v5 =	vld [tilespmem:s26+$0x10]  }
0x189: {  	v63 =	vpop (erf)  }
0x18a: {  	v2 =	vmul.f32 v63, v2  }
0x18b: {  	v3 =	vmul.f32 v63, v3  }
0x18c: {  	v4 =	vmul.f32 v4, v63;
	[tilespmem:s26+$0xFFFFFFE0] =	vst v2  }
0x18d: {  	v2 =	vmul.f32 v5, v63;
	[tilespmem:s26+$0xFFFFFFF0] =	vst v3  }
0x18e: {  	s18 =	simm.s32 $0x0;
	s30 =	rddreg [dreg:$0xa];
	[tilespmem:s26+$0x0] =	vst v4  }
.Ltmp11:
0x18f: {  	s4 =	simm.s32 $0x1D900;
	s31 =	simm.s32 $0x5;
	[tilespmem:s26+$0x10] =	vst v2;
	(pc) =	sbr.rel .LBB2_15-.Ltmp11, $4  }
0x190: {  	[hbm4b:s30+s18] =	stream.linear.scatter [tilespmem:s4], [sflag:$0x5], $0x1000, $0x38;
	[tilespmem:$0x1ED00] =	vst v63  }
0x191: {  	_ =	swait.ge [sflag:s31], $0x1000  }
0x192: {  	[sflag:s31] =	ssyncset.done $0x0  }
0x193: {  	s4 =	simm.s32 $0x0;
	[sflag:s31] =	ssyncadd.s32 $0xFFFFF000  }
.LBB2_21:
0x194: {  	_ =	sdelay $0x2  }
0x195: {  	[tilespmem:s14+$0x30] =	vst v11  }
0x196: {  	[tilespmem:s14+$0xFFFFFF30] =	vst v13;
	v11 =	vld.idx.msk [tilespmem:v12+s17+$0x0], $0xffff  }
0x197: {  	v8 =	vld.idx.msk [tilespmem:v8+s17+$0x0], $0xffff;
	_ =	sdelay $0x3  }
0x198: {  	v11 =	vshll.u32 v11, $0x4  }
0x199: {  	v8 =	vshll.u32 v8, $0x4;
	v11 =	vor.u32 v1, v11  }
0x19a: {  	v8 =	vor.u32 v1, v8;
	_ =	sdelay $0x3  }
0x19b: {  	v11 =	vld.idx.msk [tilespmem:v11+s20+$0x0], $0xffff  }
0x19c: {  	v8 =	vld.idx.msk [tilespmem:v8+s20+$0x0], $0xffff;
	_ =	sdelay $0x2  }
0x19d: {  	[tilespmem:s11+$0xFFFFFF40] =	vst v7  }
0x19e: {  	v57 =	vld [tilespmem:s13+$0xFFFFFF80];
	[tilespmem:s14+$0x40] =	vst v11  }
0x19f: {  	[tilespmem:s14+$0xFFFFFF40] =	vst v8;
	v56 =	vld [tilespmem:s1+$0x80]  }
0x1a0: {  	v8 =	vld [tilespmem:s1+$0xFFFFFF80];
	_ =	sdelay $0x1  }
0x1a1: {  	[tilespmem:s11+$0x80] =	vst v10  }
0x1a2: {  	v10 =	vld [tilespmem:s13+$0x90];
	[tilespmem:s11+$0xFFFFFF80] =	vst v57  }
0x1a3: {  	v11 =	vld [tilespmem:s13+$0xFFFFFF90];
	[tilespmem:s14+$0x80] =	vst v56  }
0x1a4: {  	[tilespmem:s14+$0xFFFFFF80] =	vst v8;
	v7 =	vld [tilespmem:s1+$0x90]  }
0x1a5: {  	v8 =	vld [tilespmem:s1+$0xFFFFFF90];
	_ =	sdelay $0x1  }
0x1a6: {  	[tilespmem:s11+$0x90] =	vst v10  }
0x1a7: {  	v10 =	vld [tilespmem:s13+$0xA0];
	[tilespmem:s11+$0xFFFFFF90] =	vst v11  }
0x1a8: {  	v11 =	vld [tilespmem:s13+$0xFFFFFFA0];
	[tilespmem:s14+$0x90] =	vst v7  }
0x1a9: {  	[tilespmem:s14+$0xFFFFFF90] =	vst v8;
	v7 =	vld [tilespmem:s1+$0xA0]  }
0x1aa: {  	v8 =	vld [tilespmem:s1+$0xFFFFFFA0]  }
0x1ab: {  	[tilespmem:s9+$0xFFFFFFA0] =	vst v9  }
0x1ac: {  	v59 =	vld [tilespmem:s10+$0xFFFFFFB0];
	[tilespmem:s11+$0xA0] =	vst v10  }
0x1ad: {  	s15 =	sadd.s32 $0x3, s16;
	v58 =	vld [tilespmem:s13+$0xB0];
	[tilespmem:s11+$0xFFFFFFA0] =	vst v11  }
0x1ae: {  	v60 =	vmov s15;
	v11 =	vld [tilespmem:s13+$0xFFFFFFB0];
	[tilespmem:s14+$0xA0] =	vst v7  }
0x1af: {  	s31 =	sadd.s32 $0x3, s31;
	[tilespmem:s14+$0xFFFFFFA0] =	vst v8;
	v7 =	vld [tilespmem:s1+$0xB0]  }
0x1b0: {  	v61 =	vmov s31;
	v8 =	vld [tilespmem:s1+$0xFFFFFFB0]  }
0x1b1: {  	[tilespmem:s9+$0xFFFFFFB0] =	vst v59  }
0x1b2: {  	v3 =	vld.idx.msk [tilespmem:v3+s17+$0x0], $0xffff;
	[tilespmem:s11+$0xB0] =	vst v58  }
0x1b3: {  	v9 =	vld.idx.msk [tilespmem:v60+s17+$0x0], $0xffff;
	[tilespmem:s11+$0xFFFFFFB0] =	vst v11  }
0x1b4: {  	v2 =	vld.idx.msk [tilespmem:v2+s17+$0x0], $0xffff;
	[tilespmem:s14+$0xB0] =	vst v7  }
0x1b5: {  	[tilespmem:s14+$0xFFFFFFB0] =	vst v8;
	v7 =	vld.idx.msk [tilespmem:v61+s17+$0x0], $0xffff  }
0x1b6: {  	v6 =	vshll.u32 v6, $0x4;
	v5 =	vld.idx.msk [tilespmem:v5+s17+$0x0], $0xffff  }
0x1b7: {  	v6 =	vor.u32 v1, v6;
	v3 =	vshll.u32 v3, $0x4  }
0x1b8: {  	v3 =	vor.u32 v1, v3;
	v62 =	vshll.u32 v9, $0x4  }
0x1b9: {  	v2 =	vshll.u32 v2, $0x4;
	v8 =	vor.u32 v1, v62  }
0x1ba: {  	v2 =	vor.u32 v1, v2;
	v7 =	vshll.u32 v7, $0x4  }
0x1bb: {  	v4 =	vld.idx.msk [tilespmem:v4+s20+$0x0], $0xffff;
	v5 =	vshll.u32 v5, $0x4;
	v7 =	vor.u32 v1, v7  }
0x1bc: {  	v6 =	vld.idx.msk [tilespmem:v6+s20+$0x0], $0xffff;
	v5 =	vor.u32 v1, v5  }
0x1bd: {  	v3 =	vld.idx.msk [tilespmem:v3+s20+$0x0], $0xffff  }
0x1be: {  	v8 =	vld.idx.msk [tilespmem:v8+s20+$0x0], $0xffff  }
0x1bf: {  	v2 =	vld.idx.msk [tilespmem:v2+s20+$0x0], $0xffff  }
0x1c0: {  	[tilespmem:s8+$0xFFFFFFC0] =	vst v4;
	v7 =	vld.idx.msk [tilespmem:v7+s20+$0x0], $0xffff  }
0x1c1: {  	[tilespmem:s9+$0xC0] =	vst v6;
	v63 =	vld.idx.msk [tilespmem:v5+s20+$0x0], $0xffff  }
0x1c2: {  	[tilespmem:s9+$0xFFFFFFC0] =	vst v3  }
0x1c3: {  	[tilespmem:s11+$0xC0] =	vst v8  }
0x1c4: {  	[tilespmem:s11+$0xFFFFFFC0] =	vst v2  }
0x1c5: {  	[tilespmem:s14+$0xC0] =	vst v7  }
0x1c6: {  	[tilespmem:s14+$0xFFFFFFC0] =	vst v63  }
.LBB2_22:
0x1c7: {  	s1 =	sadd.s32 s7, s4;
	s4 =	sadd.s32 $0x1, s4  }
0x1c8: {  	p0 =	sne.s32 s4, $0x20  }
.Ltmp12:
0x1c9: {  	_ = 	snop;
	(pc) =	sbr.rel @!p0 .LBB2_23-.Ltmp12, $3  }
0x1ca: {  	s1 =	smul.u32 $0xC80, s1;
	_ =	sdelay $0x1  }
0x1cb: {  	s18 =	sadd.s32 $0xC8, s18;
	s1 =	sadd.s32 s5, s1  }
0x1cc: {  	[hbm4b:s1+s2] =	stream.linear.scatter [tilespmem:s25], [sflag:$0x2], $0x6400, $0x38;
	[tilespmem:$0x1ED00] =	vst v63  }
.LBB2_15:
0x1cd: {  	s1 =	sand.u32 $0x1, s4  }
0x1ce: {  	p0 =	seq.s32 s1, $0x1  }
.Ltmp13:
0x1cf: {  	_ = 	snop;
	(pc) =	sbr.rel @p0 .LBB2_19-.Ltmp13, $4  }
0x1d0: {  	_ = 	snop  }
0x1d1: {  	_ =	swait.ge [sflag:s0], $0x6400  }
0x1d2: {  	[sflag:s0] =	ssyncset.done $0x0  }
0x1d3: {  	[sflag:s0] =	ssyncadd.s32 $0xFFFF9C00  }
0x1d4: {  	s1 =	smul.u32 $0xC8, s4  }
0x1d5: {  	s9 =	simm.s32 $0x80  }
0x1d6: {  	s10 =	simm.s32 $0x9900;
	s15 =	simm.s32 $0x48;
	s8 =	sadd.s32 $0xC8, s1  }
0x1d7: {  	[tilespmem:s10], [sflag:$0x1] =	stream.indirect.gather [hbm4b:s3+s9], $0x80, s8, s9, $0xb8;
	[tilespmem:$0x1ED00] =	vst v63  }
0x1d8: {  	s16 =	simm.s32 $0xD900;
	p0 =	seq.s32 s4, $0x0;
	s1 =	sadd.s32 $0x148, s1  }
0x1d9: {  	[tilespmem:s16], [sflag:$0x1] =	stream.indirect.gather [hbm4b:s3+s15], $0x80, s1, s15, $0xb8;
	[tilespmem:$0x1ED00] =	vst v63  }
0x1da: {  	s1 =	simm.s32 @!p0 $0x2  }
0x1db: {  	_ =	swait.ge @!p0 [sflag:s1], $0x6400  }
0x1dc: {  	[sflag:s1] =	ssyncset.done @!p0 $0x0  }
0x1dd: {  	s31 =	simm.s32 $0x3600;
	[sflag:s1] =	ssyncadd.s32 @!p0 $0xFFFF9C00  }
0x1de: {  	v2 =	vld [tilespmem:s31+$0x0];
	_ =	sdelay $0x3  }
0x1df: {  	s8 =	simm.s32 $0xFE00  }
0x1e0: {  	[tilespmem:s8+$0x0] =	vst v2  }
0x1e1: {  	v2 =	vld [tilespmem:s31+$0x10];
	_ =	sdelay $0x4  }
0x1e2: {  	[tilespmem:s8+$0x10] =	vst v2  }
0x1e3: {  	v2 =	vld [tilespmem:s31+$0x20]  }
0x1e4: {  	v3 =	vld [tilespmem:s31+$0xFFFFFF00];
	_ =	sdelay $0x1  }
0x1e5: {  	s21 =	sadd.s32 $0x2, s18  }
0x1e6: {  	v4 =	vmov s21  }
0x1e7: {  	[tilespmem:s8+$0x20] =	vst v2;
	v2 =	vand.u32 $0xFFFFFFFE, v4  }
0x1e8: {  	[tilespmem:s8+$0xFFFFFF00] =	vst v3;
	v3 =	vld [tilespmem:s31+$0x30];
	v2 =	vbroadcast v2, $0x0  }
0x1e9: {  	v4 =	vld [tilespmem:s31+$0xFFFFFF10];
	_ =	sdelay $0x1  }
0x1ea: {  	s10 =	simm.s32 $0x3800  }
0x1eb: {  	v5 =	vld [tilespmem:s10+$0x0]  }
0x1ec: {  	[tilespmem:s8+$0x30] =	vst v3  }
0x1ed: {  	[tilespmem:s8+$0xFFFFFF10] =	vst v4;
	v2 =	vld.idx.msk [tilespmem:v2+s17+$0x0], $0xffff  }
0x1ee: {  	v3 =	vld [tilespmem:s31+$0xFFFFFF20]  }
0x1ef: {  	s9 =	simm.s32 $0x10000;
	v4 =	vld [tilespmem:s10+$0xFFFFFF00]  }
0x1f0: {  	[tilespmem:s9+$0x0] =	vst v5  }
0x1f1: {  	v5 =	vld [tilespmem:s10+$0x10]  }
0x1f2: {  	v6 =	vmov s18;
	v2 =	vshll.u32 v2, $0x4  }
0x1f3: {  	v6 =	vand.u32 $0xFFFFFFFC, v6;
	[tilespmem:s8+$0xFFFFFF20] =	vst v3;
	v2 =	vor.u32 v1, v2  }
0x1f4: {  	[tilespmem:s9+$0xFFFFFF00] =	vst v4;
	v3 =	vbroadcast v6, $0x0;
	v6 =	vld [tilespmem:s31+$0xFFFFFF30]  }
0x1f5: {  	v4 =	vld [tilespmem:s10+$0xFFFFFF10]  }
0x1f6: {  	[tilespmem:s9+$0x10] =	vst v5  }
0x1f7: {  	v5 =	vld [tilespmem:s10+$0x20]  }
0x1f8: {  	v2 =	vld.idx.msk [tilespmem:v2+s20+$0x0], $0xffff  }
0x1f9: {  	s30 =	sadd.s32 $0x4, s18;
	[tilespmem:s8+$0xFFFFFF30] =	vst v6  }
0x1fa: {  	s23 =	sadd.s32 $0x2, s30;
	[tilespmem:s9+$0xFFFFFF10] =	vst v4;
	v3 =	vld.idx.msk [tilespmem:v3+s17+$0x0], $0xffff  }
0x1fb: {  	v4 =	vld [tilespmem:s10+$0xFFFFFF20];
	v6 =	vmov s23  }
0x1fc: {  	[tilespmem:s9+$0x20] =	vst v5;
	v5 =	vand.u32 $0xFFFFFFFE, v6  }
0x1fd: {  	v6 =	vld [tilespmem:s10+$0x30];
	v5 =	vbroadcast v5, $0x0;
	[tilespmem:s8+$0x40] =	vst v2  }
0x1fe: {  	v2 =	vld [tilespmem:s31+$0x80]  }
0x1ff: {  	s13 =	simm.s32 $0x3A00;
	v7 =	vmov s30;
	v3 =	vshll.u32 v3, $0x4  }
0x200: {  	v7 =	vand.u32 $0xFFFFFFFC, v7;
	v8 =	vld [tilespmem:s13+$0x0];
	[tilespmem:s9+$0xFFFFFF20] =	vst v4;
	v3 =	vor.u32 v1, v3  }
0x201: {  	v4 =	vbroadcast v7, $0x0;
	v7 =	vld [tilespmem:s10+$0xFFFFFF30]  }
0x202: {  	[tilespmem:s9+$0x30] =	vst v6;
	v6 =	vld [tilespmem:s13+$0xFFFFFF00]  }
0x203: {  	v5 =	vld.idx.msk [tilespmem:v5+s17+$0x0], $0xffff;
	[tilespmem:s8+$0x80] =	vst v2  }
0x204: {  	s11 =	simm.s32 $0x10200;
	v2 =	vld [tilespmem:s31+$0x90]  }
0x205: {  	[tilespmem:s11+$0x0] =	vst v8;
	v3 =	vld.idx.msk [tilespmem:v3+s20+$0x0], $0xffff  }
0x206: {  	[tilespmem:s9+$0xFFFFFF30] =	vst v7;
	v7 =	vld [tilespmem:s13+$0x10];
	_ =	sdelay $0x1  }
0x207: {  	[tilespmem:s11+$0xFFFFFF00] =	vst v6;
	v4 =	vld.idx.msk [tilespmem:v4+s17+$0x0], $0xffff;
	v5 =	vshll.u32 v5, $0x4  }
0x208: {  	v6 =	vld [tilespmem:s13+$0xFFFFFF10];
	[tilespmem:s8+$0x90] =	vst v2;
	v2 =	vor.u32 v1, v5  }
0x209: {  	[tilespmem:s8+$0xFFFFFF40] =	vst v3;
	v3 =	vld [tilespmem:s31+$0xA0]  }
0x20a: {  	[tilespmem:s11+$0x10] =	vst v7;
	v5 =	vld [tilespmem:s31+$0xFFFFFF80]  }
0x20b: {  	v7 =	vld [tilespmem:s13+$0x20];
	_ =	sdelay $0x1  }
0x20c: {  	s16 =	sadd.s32 $0x4, s30;
	[tilespmem:s11+$0xFFFFFF10] =	vst v6;
	v2 =	vld.idx.msk [tilespmem:v2+s20+$0x0], $0xffff  }
0x20d: {  	s14 =	sadd.s32 $0x2, s16;
	v4 =	vshll.u32 v4, $0x4;
	v8 =	vld [tilespmem:s13+$0xFFFFFF20];
	[tilespmem:s8+$0xA0] =	vst v3  }
0x20e: {  	s24 =	sadd.s32 $0x3, s18;
	v9 =	vmov s14;
	v4 =	vor.u32 v1, v4;
	[tilespmem:s8+$0xFFFFFF80] =	vst v5;
	v3 =	vld [tilespmem:s31+$0xB0]  }
0x20f: {  	v6 =	vmov s24;
	[tilespmem:s11+$0x20] =	vst v7;
	v7 =	vand.u32 $0xFFFFFFFE, v9;
	v5 =	vld [tilespmem:s31+$0xFFFFFF90]  }
0x210: {  	s1 =	simm.s32 $0x3C00;
	v9 =	vld [tilespmem:s13+$0x30];
	v7 =	vbroadcast v7, $0x0  }
0x211: {  	v10 =	vld [tilespmem:s1+$0x0];
	[tilespmem:s9+$0x40] =	vst v2  }
0x212: {  	[tilespmem:s11+$0xFFFFFF20] =	vst v8;
	v2 =	vld [tilespmem:s10+$0x80]  }
0x213: {  	v4 =	vld.idx.msk [tilespmem:v4+s20+$0x0], $0xffff;
	[tilespmem:s8+$0xB0] =	vst v3  }
0x214: {  	[tilespmem:s8+$0xFFFFFF90] =	vst v5;
	v5 =	vld.idx.msk [tilespmem:v6+s17+$0x0], $0xffff  }
0x215: {  	v8 =	vld [tilespmem:s13+$0xFFFFFF30];
	[tilespmem:s11+$0x30] =	vst v9;
	v3 =	vmov s16  }
0x216: {  	v7 =	vld.idx.msk [tilespmem:v7+s17+$0x0], $0xffff;
	v3 =	vand.u32 $0xFFFFFFFC, v3  }
0x217: {  	v6 =	vld [tilespmem:s31+$0xFFFFFFA0];
	v3 =	vbroadcast v3, $0x0;
	[tilespmem:s9+$0x80] =	vst v2  }
0x218: {  	s14 =	simm.s32 $0x10400;
	v2 =	vld [tilespmem:s10+$0x90]  }
0x219: {  	[tilespmem:s14+$0x0] =	vst v10;
	v5 =	vshll.u32 v5, $0x4  }
0x21a: {  	[tilespmem:s9+$0xFFFFFF40] =	vst v4;
	v4 =	vld [tilespmem:s1+$0xFFFFFF00];
	v5 =	vor.u32 v1, v5  }
0x21b: {  	[tilespmem:s11+$0xFFFFFF30] =	vst v8;
	v8 =	vld [tilespmem:s10+$0xFFFFFF80]  }
0x21c: {  	v7 =	vshll.u32 v7, $0x4;
	[tilespmem:s8+$0xFFFFFFA0] =	vst v6;
	v6 =	vld [tilespmem:s1+$0x10]  }
0x21d: {  	v7 =	vor.u32 v1, v7;
	v3 =	vld.idx.msk [tilespmem:v3+s17+$0x0], $0xffff;
	[tilespmem:s9+$0x90] =	vst v2  }
0x21e: {  	s21 =	sadd.s32 $0x1, s18;
	v10 =	vld [tilespmem:s10+$0xA0]  }
0x21f: {  	v9 =	vmov s21;
	[tilespmem:s14+$0xFFFFFF00] =	vst v4;
	v4 =	vld.idx.msk [tilespmem:v5+s20+$0x0], $0xffff  }
0x220: {  	v9 =	vand.u32 $0xFFFFFFFD, v9;
	v5 =	vld [tilespmem:s1+$0xFFFFFF10]  }
0x221: {  	v9 =	vbroadcast v9, $0x0;
	[tilespmem:s9+$0xFFFFFF80] =	vst v8;
	v2 =	vld [tilespmem:s31+$0xFFFFFFB0]  }
0x222: {  	v12 =	vld.idx.msk [tilespmem:v7+s20+$0x0], $0xffff;
	[tilespmem:s14+$0x10] =	vst v6  }
0x223: {  	v8 =	vld [tilespmem:s1+$0x20];
	[tilespmem:s9+$0xA0] =	vst v10  }
0x224: {  	s26 =	sadd.s32 $0x3, s30;
	v13 =	vld [tilespmem:s10+$0xB0]  }
0x225: {  	v6 =	vld [tilespmem:s10+$0xFFFFFF90];
	v3 =	vshll.u32 v3, $0x4;
	[tilespmem:s14+$0xFFFFFF10] =	vst v5;
	v5 =	vmov s26  }
0x226: {  	s31 =	sadd.s32 $0x4, s16;
	v3 =	vor.u32 v1, v3;
	[tilespmem:s8+$0xFFFFFFB0] =	vst v2  }
0x227: {  	s15 =	sadd.s32 $0x1, s30;
	s24 =	sadd.s32 $0x1, s31;
	[tilespmem:s11+$0x40] =	vst v12;
	v9 =	vld.idx.msk [tilespmem:v9+s17+$0x0], $0xffff  }
0x228: {  	s23 =	sadd.s32 $0x1, s16;
	v2 =	vmov s15;
	v12 =	vmov s24;
	[tilespmem:s14+$0x20] =	vst v8;
	s26 =	sadd.s32 $0x2, s31;
	v14 =	vld [tilespmem:s1+$0xFFFFFF20]  }
0x229: {  	v10 =	vmov s23;
	v11 =	vld [tilespmem:s1+$0x30];
	[tilespmem:s9+$0xB0] =	vst v13;
	v13 =	vmov s26  }
0x22a: {  	v2 =	vand.u32 $0xFFFFFFFD, v2;
	[tilespmem:s9+$0xFFFFFF90] =	vst v6;
	v6 =	vld.idx.msk [tilespmem:v5+s17+$0x0], $0xffff;
	v5 =	vand.u32 $0xFFFFFFFD, v12;
	v12 =	vand.u32 $0xFFFFFFFE, v13  }
0x22b: {  	v8 =	vand.u32 $0xFFFFFFFD, v10;
	v10 =	vmov s31;
	v7 =	vld.idx.msk [tilespmem:v3+s20+$0x0], $0xffff;
	v12 =	vbroadcast v12, $0x0  }
0x22c: {  	v3 =	vbroadcast v2, $0x0;
	v2 =	vbroadcast v8, $0x0;
	v8 =	vand.u32 $0xFFFFFFFC, v10;
	v10 =	vld [tilespmem:s13+$0x80];
	_ =	sdelay $0x1  }
0x22d: {  	v13 =	vshll.u32 v9, $0x4;
	[tilespmem:s14+$0xFFFFFF20] =	vst v14;
	v9 =	vld [tilespmem:s10+$0xFFFFFFA0]  }
0x22e: {  	s30 =	simm.s32 $0x6;
	s21 =	simm.s32 $0x3E00;
	[tilespmem:s8+$0xC0] =	vst v4;
	v8 =	vbroadcast v8, $0x0;
	v5 =	vbroadcast v5, $0x0;
	v4 =	vor.u32 v1, v13;
	v13 =	vld [tilespmem:s1+$0xFFFFFF30]  }
.LBB2_17:
0x22f: {  	v14 =	vld [tilespmem:s21+$0x0];
	[tilespmem:s14+$0x30] =	vst v11;
	s23 =	smov.u32 s11;
	s11 =	smov.u32 s14  }
0x230: {  	v11 =	vld.idx.msk [tilespmem:v12+s17+$0x0], $0xffff;
	[tilespmem:s23+$0x80] =	vst v10  }
0x231: {  	s30 =	sadd.s32 $0x2, s30;
	[tilespmem:s23+$0xFFFFFF40] =	vst v7;
	v7 =	vld [tilespmem:s13+$0x90]  }
0x232: {  	p0 =	slt.u32 s30, $0x62;
	v6 =	vshll.u32 v6, $0x4;
	v10 =	vld [tilespmem:s21+$0xFFFFFF00];
	[tilespmem:s9+$0xFFFFFFA0] =	vst v9  }
0x233: {  	s14 =	sadd.s32 $0x200, s14;
	v6 =	vor.u32 v1, v6;
	[tilespmem:s11+$0xFFFFFF30] =	vst v13;
	v9 =	vld [tilespmem:s13+$0xFFFFFF80]  }
0x234: {  	[tilespmem:s14+$0x0] =	vst v14;
	v8 =	vld.idx.msk [tilespmem:v8+s17+$0x0], $0xffff  }
0x235: {  	v12 =	vld [tilespmem:s21+$0x10]  }
0x236: {  	v11 =	vshll.u32 v11, $0x4;
	[tilespmem:s23+$0x90] =	vst v7;
	v7 =	vld [tilespmem:s10+$0xFFFFFFB0];
	s10 =	smov.u32 s13;
	s13 =	smov.u32 s1;
	s1 =	smov.u32 s21  }
0x237: {  	[tilespmem:s14+$0xFFFFFF00] =	vst v10;
	v10 =	vor.u32 v1, v11;
	v11 =	vld [tilespmem:s10+$0xA0]  }
0x238: {  	[tilespmem:s23+$0xFFFFFF80] =	vst v9;
	v6 =	vld.idx.msk [tilespmem:v6+s20+$0x0], $0xffff  }
0x239: {  	v9 =	vld [tilespmem:s21+$0xFFFFFF10]  }
0x23a: {  	v8 =	vshll.u32 v8, $0x4;
	[tilespmem:s14+$0x10] =	vst v12;
	v12 =	vld [tilespmem:s10+$0xFFFFFF90]  }
0x23b: {  	v14 =	vor.u32 v1, v8;
	v13 =	vld [tilespmem:s21+$0x20];
	[tilespmem:s9+$0xFFFFFFB0] =	vst v7  }
0x23c: {  	v10 =	vld.idx.msk [tilespmem:v10+s20+$0x0], $0xffff  }
0x23d: {  	[tilespmem:s23+$0xA0] =	vst v11;
	v15 =	vld.idx.msk [tilespmem:v3+s17+$0x0], $0xffff;
	v3 =	vmov v2;
	v2 =	vmov v5  }
0x23e: {  	s24 =	sadd.s32 $0x3, s16;
	s16 =	smov.u32 s31;
	s31 =	sadd.s32 $0x4, s31;
	v16 =	vld [tilespmem:s10+$0xB0];
	[tilespmem:s9+$0xC0] =	vst v6  }
0x23f: {  	s26 =	sadd.s32 $0x1, s31;
	s15 =	sadd.s32 $0x2, s31;
	v5 =	vmov s31;
	v6 =	vmov s24;
	[tilespmem:s14+$0xFFFFFF10] =	vst v9;
	v17 =	vld.idx.msk [tilespmem:v4+s20+$0x0], $0xffff  }
0x240: {  	v7 =	vmov s15;
	v4 =	vand.u32 $0xFFFFFFFC, v5;
	v5 =	vmov s26;
	v9 =	vld [tilespmem:s21+$0xFFFFFF20];
	[tilespmem:s23+$0xFFFFFF90] =	vst v12  }
0x241: {  	v8 =	vbroadcast v4, $0x0;
	v4 =	vand.u32 $0xFFFFFFFD, v5;
	v12 =	vand.u32 $0xFFFFFFFE, v7;
	[tilespmem:s14+$0x20] =	vst v13;
	v7 =	vld.idx.msk [tilespmem:v14+s20+$0x0], $0xffff  }
.Ltmp14:
0x242: {  	v5 =	vbroadcast v4, $0x0;
	v12 =	vbroadcast v12, $0x0;
	v11 =	vld [tilespmem:s21+$0x30];
	[tilespmem:s11+$0x40] =	vst v10;
	(pc) =	sbr.rel @p0 .LBB2_17-.Ltmp14, $4  }
0x243: {  	v4 =	vshll.u32 v15, $0x4;
	v10 =	vld [tilespmem:s13+$0x80];
	[tilespmem:s23+$0xB0] =	vst v16  }
0x244: {  	v4 =	vor.u32 v1, v4;
	v6 =	vld.idx.msk [tilespmem:v6+s17+$0x0], $0xffff  }
0x245: {  	[tilespmem:s14+$0xFFFFFF20] =	vst v9;
	v9 =	vld [tilespmem:s10+$0xFFFFFFA0]  }
0x246: {  	s21 =	sadd.s32 $0x200, s21;
	v13 =	vld [tilespmem:s1+$0xFFFFFF30];
	[tilespmem:s8+$0xFFFFFFC0] =	vst v17;
	s8 =	smov.u32 s9;
	s9 =	smov.u32 s23  }
0x247: {  	_ =	sdelay $0x2  }
0x248: {  	[tilespmem:s14+$0x30] =	vst v11  }
0x249: {  	v11 =	vld.idx.msk [tilespmem:v12+s17+$0x0], $0xffff;
	[tilespmem:s14+$0xFFFFFF30] =	vst v13  }
0x24a: {  	v8 =	vld.idx.msk [tilespmem:v8+s17+$0x0], $0xffff;
	_ =	sdelay $0x3  }
0x24b: {  	v11 =	vshll.u32 v11, $0x4  }
0x24c: {  	v11 =	vor.u32 v1, v11;
	v8 =	vshll.u32 v8, $0x4  }
0x24d: {  	v8 =	vor.u32 v1, v8;
	_ =	sdelay $0x3  }
0x24e: {  	v11 =	vld.idx.msk [tilespmem:v11+s20+$0x0], $0xffff  }
0x24f: {  	v8 =	vld.idx.msk [tilespmem:v8+s20+$0x0], $0xffff;
	_ =	sdelay $0x1  }
0x250: {  	[tilespmem:s11+$0xFFFFFF40] =	vst v7  }
0x251: {  	v57 =	vld [tilespmem:s13+$0xFFFFFF80]  }
0x252: {  	[tilespmem:s14+$0x40] =	vst v11  }
0x253: {  	v56 =	vld [tilespmem:s1+$0x80];
	[tilespmem:s14+$0xFFFFFF40] =	vst v8  }
0x254: {  	v8 =	vld [tilespmem:s1+$0xFFFFFF80];
	_ =	sdelay $0x1  }
0x255: {  	[tilespmem:s11+$0xFFFFFF80] =	vst v57  }
0x256: {  	[tilespmem:s11+$0x80] =	vst v10;
	v11 =	vld [tilespmem:s13+$0xFFFFFF90]  }
0x257: {  	v10 =	vld [tilespmem:s13+$0x90];
	[tilespmem:s14+$0x80] =	vst v56  }
0x258: {  	v7 =	vld [tilespmem:s1+$0x90];
	[tilespmem:s14+$0xFFFFFF80] =	vst v8  }
0x259: {  	v8 =	vld [tilespmem:s1+$0xFFFFFF90];
	_ =	sdelay $0x1  }
0x25a: {  	[tilespmem:s11+$0xFFFFFF90] =	vst v11  }
0x25b: {  	[tilespmem:s11+$0x90] =	vst v10;
	v11 =	vld [tilespmem:s13+$0xFFFFFFA0]  }
0x25c: {  	v10 =	vld [tilespmem:s13+$0xA0];
	[tilespmem:s14+$0x90] =	vst v7  }
0x25d: {  	v7 =	vld [tilespmem:s1+$0xA0];
	[tilespmem:s14+$0xFFFFFF90] =	vst v8  }
0x25e: {  	v8 =	vld [tilespmem:s1+$0xFFFFFFA0]  }
0x25f: {  	[tilespmem:s9+$0xFFFFFFA0] =	vst v9  }
0x260: {  	v59 =	vld [tilespmem:s10+$0xFFFFFFB0];
	[tilespmem:s11+$0xFFFFFFA0] =	vst v11  }
0x261: {  	[tilespmem:s11+$0xA0] =	vst v10;
	v11 =	vld [tilespmem:s13+$0xFFFFFFB0]  }
0x262: {  	s15 =	sadd.s32 $0x3, s16;
	v58 =	vld [tilespmem:s13+$0xB0];
	[tilespmem:s14+$0xA0] =	vst v7  }
0x263: {  	s31 =	sadd.s32 $0x3, s31;
	v60 =	vmov s15;
	v7 =	vld [tilespmem:s1+$0xB0];
	[tilespmem:s14+$0xFFFFFFA0] =	vst v8  }
0x264: {  	v61 =	vmov s31;
	v8 =	vld [tilespmem:s1+$0xFFFFFFB0]  }
0x265: {  	[tilespmem:s9+$0xFFFFFFB0] =	vst v59  }
0x266: {  	v3 =	vld.idx.msk [tilespmem:v3+s17+$0x0], $0xffff;
	[tilespmem:s11+$0xFFFFFFB0] =	vst v11  }
0x267: {  	[tilespmem:s11+$0xB0] =	vst v58;
	v2 =	vld.idx.msk [tilespmem:v2+s17+$0x0], $0xffff  }
0x268: {  	v9 =	vld.idx.msk [tilespmem:v60+s17+$0x0], $0xffff;
	[tilespmem:s14+$0xB0] =	vst v7  }
0x269: {  	v7 =	vld.idx.msk [tilespmem:v61+s17+$0x0], $0xffff;
	[tilespmem:s14+$0xFFFFFFB0] =	vst v8  }
0x26a: {  	v6 =	vshll.u32 v6, $0x4;
	v5 =	vld.idx.msk [tilespmem:v5+s17+$0x0], $0xffff  }
0x26b: {  	v6 =	vor.u32 v1, v6;
	v3 =	vshll.u32 v3, $0x4  }
0x26c: {  	v3 =	vor.u32 v1, v3;
	v2 =	vshll.u32 v2, $0x4  }
0x26d: {  	v62 =	vshll.u32 v9, $0x4;
	v2 =	vor.u32 v1, v2  }
0x26e: {  	v8 =	vor.u32 v1, v62;
	v7 =	vshll.u32 v7, $0x4  }
0x26f: {  	v4 =	vld.idx.msk [tilespmem:v4+s20+$0x0], $0xffff;
	v7 =	vor.u32 v1, v7;
	v5 =	vshll.u32 v5, $0x4  }
0x270: {  	v6 =	vld.idx.msk [tilespmem:v6+s20+$0x0], $0xffff;
	v5 =	vor.u32 v1, v5  }
0x271: {  	v3 =	vld.idx.msk [tilespmem:v3+s20+$0x0], $0xffff  }
0x272: {  	v2 =	vld.idx.msk [tilespmem:v2+s20+$0x0], $0xffff  }
0x273: {  	v8 =	vld.idx.msk [tilespmem:v8+s20+$0x0], $0xffff  }
0x274: {  	[tilespmem:s8+$0xFFFFFFC0] =	vst v4;
	v7 =	vld.idx.msk [tilespmem:v7+s20+$0x0], $0xffff  }
0x275: {  	[tilespmem:s9+$0xC0] =	vst v6;
	v63 =	vld.idx.msk [tilespmem:v5+s20+$0x0], $0xffff  }
.Ltmp15:
0x276: {  	[tilespmem:s9+$0xFFFFFFC0] =	vst v3;
	(pc) =	sbr.rel .LBB2_22-.Ltmp15, $4  }
0x277: {  	[tilespmem:s11+$0xFFFFFFC0] =	vst v2  }
0x278: {  	[tilespmem:s11+$0xC0] =	vst v8  }
0x279: {  	[tilespmem:s14+$0xC0] =	vst v7  }
0x27a: {  	[tilespmem:s14+$0xFFFFFFC0] =	vst v63  }
.LBB2_19:
0x27b: {  	p0 =	seq.s32 s4, $0x1F  }
0x27c: {  	s1 =	smul.u32 @!p0 $0x320, s4;
	_ =	sdelay $0x1  }
0x27d: {  	s1 =	sshra.s32 @!p0 s1, $0x2  }
0x27e: {  	s9 =	simm.s32 @!p0 $0x80;
	s10 =	simm.s32 @!p0 $0x3500;
	s8 =	sadd.s32 @!p0 $0xC8, s1  }
0x27f: {  	[tilespmem:s10], [sflag:$0x1] =	stream.indirect.gather @!p0 [hbm4b:s3+s9], $0x80, s8, s9, $0xb8;
	[tilespmem:$0x1ED00] =	vst v63  }
0x280: {  	s1 =	sadd.s32 @!p0 $0x148, s1;
	s8 =	simm.s32 @!p0 $0x48;
	s9 =	simm.s32 @!p0 $0x7500  }
0x281: {  	[tilespmem:s9], [sflag:$0x1] =	stream.indirect.gather @!p0 [hbm4b:s3+s8], $0x80, s1, s8, $0xb8;
	[tilespmem:$0x1ED00] =	vst v63  }
0x282: {  	_ =	swait.ge [sflag:s28], $0x6400  }
0x283: {  	[sflag:s28] =	ssyncset.done $0x0  }
0x284: {  	s31 =	simm.s32 $0x9A00;
	[sflag:s28] =	ssyncadd.s32 $0xFFFF9C00  }
0x285: {  	v2 =	vld [tilespmem:s31+$0x0];
	_ =	sdelay $0x3  }
0x286: {  	s8 =	simm.s32 $0xFE00  }
0x287: {  	[tilespmem:s8+$0x0] =	vst v2  }
0x288: {  	v2 =	vld [tilespmem:s31+$0x10];
	_ =	sdelay $0x4  }
0x289: {  	[tilespmem:s8+$0x10] =	vst v2  }
0x28a: {  	v2 =	vld [tilespmem:s31+$0x20]  }
0x28b: {  	v3 =	vld [tilespmem:s31+$0xFFFFFF00];
	_ =	sdelay $0x1  }
0x28c: {  	s13 =	sadd.s32 $0x2, s18  }
0x28d: {  	v4 =	vmov s13  }
0x28e: {  	[tilespmem:s8+$0x20] =	vst v2;
	v2 =	vand.u32 $0xFFFFFFFE, v4  }
0x28f: {  	[tilespmem:s8+$0xFFFFFF00] =	vst v3;
	v3 =	vld [tilespmem:s31+$0x30];
	v2 =	vbroadcast v2, $0x0  }
0x290: {  	v4 =	vld [tilespmem:s31+$0xFFFFFF10];
	_ =	sdelay $0x1  }
0x291: {  	s10 =	simm.s32 $0x9C00  }
0x292: {  	v5 =	vld [tilespmem:s10+$0x0]  }
0x293: {  	[tilespmem:s8+$0x30] =	vst v3  }
0x294: {  	[tilespmem:s8+$0xFFFFFF10] =	vst v4;
	v2 =	vld.idx.msk [tilespmem:v2+s17+$0x0], $0xffff  }
0x295: {  	v3 =	vld [tilespmem:s31+$0xFFFFFF20]  }
0x296: {  	s9 =	simm.s32 $0x10000;
	v4 =	vld [tilespmem:s10+$0xFFFFFF00]  }
0x297: {  	[tilespmem:s9+$0x0] =	vst v5  }
0x298: {  	v5 =	vld [tilespmem:s10+$0x10]  }
0x299: {  	v6 =	vmov s18;
	v2 =	vshll.u32 v2, $0x4  }
0x29a: {  	v6 =	vand.u32 $0xFFFFFFFC, v6;
	[tilespmem:s8+$0xFFFFFF20] =	vst v3;
	v2 =	vor.u32 v1, v2  }
0x29b: {  	[tilespmem:s9+$0xFFFFFF00] =	vst v4;
	v3 =	vbroadcast v6, $0x0;
	v6 =	vld [tilespmem:s31+$0xFFFFFF30]  }
0x29c: {  	v4 =	vld [tilespmem:s10+$0xFFFFFF10]  }
0x29d: {  	[tilespmem:s9+$0x10] =	vst v5  }
0x29e: {  	v5 =	vld [tilespmem:s10+$0x20]  }
0x29f: {  	v2 =	vld.idx.msk [tilespmem:v2+s20+$0x0], $0xffff  }
0x2a0: {  	s30 =	sadd.s32 $0x4, s18;
	[tilespmem:s8+$0xFFFFFF30] =	vst v6  }
0x2a1: {  	s14 =	sadd.s32 $0x2, s30;
	[tilespmem:s9+$0xFFFFFF10] =	vst v4;
	v3 =	vld.idx.msk [tilespmem:v3+s17+$0x0], $0xffff  }
0x2a2: {  	v4 =	vld [tilespmem:s10+$0xFFFFFF20];
	v6 =	vmov s14  }
0x2a3: {  	[tilespmem:s9+$0x20] =	vst v5;
	v5 =	vand.u32 $0xFFFFFFFE, v6  }
0x2a4: {  	v6 =	vld [tilespmem:s10+$0x30];
	v5 =	vbroadcast v5, $0x0;
	[tilespmem:s8+$0x40] =	vst v2  }
0x2a5: {  	v2 =	vld [tilespmem:s31+$0x80]  }
0x2a6: {  	v7 =	vmov s30;
	s13 =	simm.s32 $0x9E00;
	v3 =	vshll.u32 v3, $0x4  }
0x2a7: {  	v7 =	vand.u32 $0xFFFFFFFC, v7;
	v8 =	vld [tilespmem:s13+$0x0];
	[tilespmem:s9+$0xFFFFFF20] =	vst v4;
	v3 =	vor.u32 v1, v3  }
0x2a8: {  	v4 =	vbroadcast v7, $0x0;
	v7 =	vld [tilespmem:s10+$0xFFFFFF30]  }
0x2a9: {  	[tilespmem:s9+$0x30] =	vst v6;
	v6 =	vld [tilespmem:s13+$0xFFFFFF00]  }
0x2aa: {  	v5 =	vld.idx.msk [tilespmem:v5+s17+$0x0], $0xffff;
	[tilespmem:s8+$0x80] =	vst v2  }
0x2ab: {  	s11 =	simm.s32 $0x10200;
	v2 =	vld [tilespmem:s31+$0x90]  }
0x2ac: {  	[tilespmem:s11+$0x0] =	vst v8;
	v3 =	vld.idx.msk [tilespmem:v3+s20+$0x0], $0xffff  }
0x2ad: {  	[tilespmem:s9+$0xFFFFFF30] =	vst v7;
	v7 =	vld [tilespmem:s13+$0x10];
	_ =	sdelay $0x1  }
0x2ae: {  	[tilespmem:s11+$0xFFFFFF00] =	vst v6;
	v4 =	vld.idx.msk [tilespmem:v4+s17+$0x0], $0xffff;
	v5 =	vshll.u32 v5, $0x4  }
0x2af: {  	v6 =	vld [tilespmem:s13+$0xFFFFFF10];
	[tilespmem:s8+$0x90] =	vst v2;
	v2 =	vor.u32 v1, v5  }
0x2b0: {  	[tilespmem:s8+$0xFFFFFF40] =	vst v3;
	v3 =	vld [tilespmem:s31+$0xA0]  }
0x2b1: {  	[tilespmem:s11+$0x10] =	vst v7;
	v5 =	vld [tilespmem:s31+$0xFFFFFF80]  }
0x2b2: {  	v7 =	vld [tilespmem:s13+$0x20];
	_ =	sdelay $0x1  }
0x2b3: {  	s16 =	sadd.s32 $0x4, s30;
	[tilespmem:s11+$0xFFFFFF10] =	vst v6;
	v2 =	vld.idx.msk [tilespmem:v2+s20+$0x0], $0xffff  }
0x2b4: {  	s14 =	sadd.s32 $0x2, s16;
	v4 =	vshll.u32 v4, $0x4;
	v8 =	vld [tilespmem:s13+$0xFFFFFF20];
	[tilespmem:s8+$0xA0] =	vst v3  }
0x2b5: {  	s15 =	sadd.s32 $0x3, s18;
	v9 =	vmov s14;
	v4 =	vor.u32 v1, v4;
	[tilespmem:s8+$0xFFFFFF80] =	vst v5;
	v3 =	vld [tilespmem:s31+$0xB0]  }
0x2b6: {  	v6 =	vmov s15;
	[tilespmem:s11+$0x20] =	vst v7;
	v7 =	vand.u32 $0xFFFFFFFE, v9;
	v5 =	vld [tilespmem:s31+$0xFFFFFF90]  }
0x2b7: {  	s1 =	simm.s32 $0xA000;
	v9 =	vld [tilespmem:s13+$0x30];
	v7 =	vbroadcast v7, $0x0  }
0x2b8: {  	v10 =	vld [tilespmem:s1+$0x0];
	[tilespmem:s9+$0x40] =	vst v2  }
0x2b9: {  	[tilespmem:s11+$0xFFFFFF20] =	vst v8;
	v2 =	vld [tilespmem:s10+$0x80]  }
0x2ba: {  	v4 =	vld.idx.msk [tilespmem:v4+s20+$0x0], $0xffff;
	[tilespmem:s8+$0xB0] =	vst v3  }
0x2bb: {  	[tilespmem:s8+$0xFFFFFF90] =	vst v5;
	v5 =	vld.idx.msk [tilespmem:v6+s17+$0x0], $0xffff  }
0x2bc: {  	v8 =	vld [tilespmem:s13+$0xFFFFFF30];
	[tilespmem:s11+$0x30] =	vst v9;
	v3 =	vmov s16  }
0x2bd: {  	v7 =	vld.idx.msk [tilespmem:v7+s17+$0x0], $0xffff;
	v3 =	vand.u32 $0xFFFFFFFC, v3  }
0x2be: {  	v6 =	vld [tilespmem:s31+$0xFFFFFFA0];
	v3 =	vbroadcast v3, $0x0;
	[tilespmem:s9+$0x80] =	vst v2  }
0x2bf: {  	s14 =	simm.s32 $0x10400;
	v2 =	vld [tilespmem:s10+$0x90]  }
0x2c0: {  	[tilespmem:s14+$0x0] =	vst v10;
	v5 =	vshll.u32 v5, $0x4  }
0x2c1: {  	[tilespmem:s9+$0xFFFFFF40] =	vst v4;
	v4 =	vld [tilespmem:s1+$0xFFFFFF00];
	v5 =	vor.u32 v1, v5  }
0x2c2: {  	[tilespmem:s11+$0xFFFFFF30] =	vst v8;
	v8 =	vld [tilespmem:s10+$0xFFFFFF80]  }
0x2c3: {  	v7 =	vshll.u32 v7, $0x4;
	[tilespmem:s8+$0xFFFFFFA0] =	vst v6;
	v6 =	vld [tilespmem:s1+$0x10]  }
0x2c4: {  	v7 =	vor.u32 v1, v7;
	v3 =	vld.idx.msk [tilespmem:v3+s17+$0x0], $0xffff;
	[tilespmem:s9+$0x90] =	vst v2  }
0x2c5: {  	s15 =	sadd.s32 $0x1, s18;
	v10 =	vld [tilespmem:s10+$0xA0]  }
0x2c6: {  	v9 =	vmov s15;
	[tilespmem:s14+$0xFFFFFF00] =	vst v4;
	v4 =	vld.idx.msk [tilespmem:v5+s20+$0x0], $0xffff  }
0x2c7: {  	v9 =	vand.u32 $0xFFFFFFFD, v9;
	v5 =	vld [tilespmem:s1+$0xFFFFFF10]  }
0x2c8: {  	v9 =	vbroadcast v9, $0x0;
	[tilespmem:s9+$0xFFFFFF80] =	vst v8;
	v2 =	vld [tilespmem:s31+$0xFFFFFFB0]  }
0x2c9: {  	v12 =	vld.idx.msk [tilespmem:v7+s20+$0x0], $0xffff;
	[tilespmem:s14+$0x10] =	vst v6  }
0x2ca: {  	v8 =	vld [tilespmem:s1+$0x20];
	[tilespmem:s9+$0xA0] =	vst v10  }
0x2cb: {  	s21 =	sadd.s32 $0x3, s30;
	v13 =	vld [tilespmem:s10+$0xB0]  }
0x2cc: {  	v6 =	vld [tilespmem:s10+$0xFFFFFF90];
	v3 =	vshll.u32 v3, $0x4;
	[tilespmem:s14+$0xFFFFFF10] =	vst v5;
	v5 =	vmov s21  }
0x2cd: {  	v3 =	vor.u32 v1, v3;
	[tilespmem:s8+$0xFFFFFFB0] =	vst v2  }
0x2ce: {  	s23 =	sadd.s32 $0x1, s30;
	s31 =	sadd.s32 $0x4, s16;
	[tilespmem:s11+$0x40] =	vst v12;
	v9 =	vld.idx.msk [tilespmem:v9+s17+$0x0], $0xffff  }
0x2cf: {  	s24 =	sadd.s32 $0x1, s31;
	s26 =	sadd.s32 $0x2, s31;
	v2 =	vmov s23;
	[tilespmem:s14+$0x20] =	vst v8;
	v14 =	vld [tilespmem:s1+$0xFFFFFF20]  }
0x2d0: {  	v12 =	vmov s24;
	v2 =	vand.u32 $0xFFFFFFFD, v2;
	s21 =	sadd.s32 $0x1, s16;
	v11 =	vld [tilespmem:s1+$0x30];
	[tilespmem:s9+$0xB0] =	vst v13;
	v13 =	vmov s26  }
0x2d1: {  	[tilespmem:s9+$0xFFFFFF90] =	vst v6;
	v10 =	vmov s21;
	v6 =	vld.idx.msk [tilespmem:v5+s17+$0x0], $0xffff;
	v5 =	vand.u32 $0xFFFFFFFD, v12;
	v12 =	vand.u32 $0xFFFFFFFE, v13  }
0x2d2: {  	v7 =	vld.idx.msk [tilespmem:v3+s20+$0x0], $0xffff;
	v8 =	vand.u32 $0xFFFFFFFD, v10;
	v10 =	vmov s31;
	v12 =	vbroadcast v12, $0x0  }
0x2d3: {  	v3 =	vbroadcast v2, $0x0;
	v2 =	vbroadcast v8, $0x0;
	v8 =	vand.u32 $0xFFFFFFFC, v10;
	v10 =	vld [tilespmem:s13+$0x80];
	_ =	sdelay $0x1  }
0x2d4: {  	v13 =	vshll.u32 v9, $0x4;
	[tilespmem:s14+$0xFFFFFF20] =	vst v14;
	v9 =	vld [tilespmem:s10+$0xFFFFFFA0]  }
0x2d5: {  	s30 =	simm.s32 $0x6;
	[tilespmem:s8+$0xC0] =	vst v4;
	s21 =	simm.s32 $0xA200;
	v8 =	vbroadcast v8, $0x0;
	v5 =	vbroadcast v5, $0x0;
	v4 =	vor.u32 v1, v13;
	v13 =	vld [tilespmem:s1+$0xFFFFFF30]  }
.LBB2_20:
0x2d6: {  	v14 =	vld [tilespmem:s21+$0x0];
	[tilespmem:s14+$0x30] =	vst v11;
	s23 =	smov.u32 s11;
	s11 =	smov.u32 s14  }
0x2d7: {  	v11 =	vld.idx.msk [tilespmem:v12+s17+$0x0], $0xffff;
	[tilespmem:s23+$0x80] =	vst v10  }
0x2d8: {  	s30 =	sadd.s32 $0x2, s30;
	[tilespmem:s23+$0xFFFFFF40] =	vst v7;
	v7 =	vld [tilespmem:s13+$0x90]  }
0x2d9: {  	v6 =	vshll.u32 v6, $0x4;
	p0 =	slt.u32 s30, $0x62;
	v10 =	vld [tilespmem:s21+$0xFFFFFF00];
	[tilespmem:s9+$0xFFFFFFA0] =	vst v9  }
0x2da: {  	s14 =	sadd.s32 $0x200, s14;
	v6 =	vor.u32 v1, v6;
	[tilespmem:s11+$0xFFFFFF30] =	vst v13;
	v9 =	vld [tilespmem:s13+$0xFFFFFF80]  }
0x2db: {  	[tilespmem:s14+$0x0] =	vst v14;
	v8 =	vld.idx.msk [tilespmem:v8+s17+$0x0], $0xffff  }
0x2dc: {  	v12 =	vld [tilespmem:s21+$0x10]  }
0x2dd: {  	v11 =	vshll.u32 v11, $0x4;
	[tilespmem:s23+$0x90] =	vst v7;
	v7 =	vld [tilespmem:s10+$0xFFFFFFB0];
	s10 =	smov.u32 s13;
	s13 =	smov.u32 s1;
	s1 =	smov.u32 s21  }
0x2de: {  	[tilespmem:s14+$0xFFFFFF00] =	vst v10;
	v10 =	vor.u32 v1, v11;
	v11 =	vld [tilespmem:s10+$0xA0]  }
0x2df: {  	[tilespmem:s23+$0xFFFFFF80] =	vst v9;
	v6 =	vld.idx.msk [tilespmem:v6+s20+$0x0], $0xffff  }
0x2e0: {  	v9 =	vld [tilespmem:s21+$0xFFFFFF10]  }
0x2e1: {  	v8 =	vshll.u32 v8, $0x4;
	[tilespmem:s14+$0x10] =	vst v12;
	v12 =	vld [tilespmem:s10+$0xFFFFFF90]  }
0x2e2: {  	v14 =	vor.u32 v1, v8;
	v13 =	vld [tilespmem:s21+$0x20];
	[tilespmem:s9+$0xFFFFFFB0] =	vst v7  }
0x2e3: {  	v10 =	vld.idx.msk [tilespmem:v10+s20+$0x0], $0xffff  }
0x2e4: {  	[tilespmem:s23+$0xA0] =	vst v11;
	v15 =	vld.idx.msk [tilespmem:v3+s17+$0x0], $0xffff;
	v3 =	vmov v2;
	v2 =	vmov v5  }
0x2e5: {  	s15 =	sadd.s32 $0x3, s16;
	s16 =	smov.u32 s31;
	s31 =	sadd.s32 $0x4, s31;
	v16 =	vld [tilespmem:s10+$0xB0];
	[tilespmem:s9+$0xC0] =	vst v6  }
0x2e6: {  	s24 =	sadd.s32 $0x1, s31;
	s26 =	sadd.s32 $0x2, s31;
	v5 =	vmov s31;
	v6 =	vmov s15;
	[tilespmem:s14+$0xFFFFFF10] =	vst v9;
	v17 =	vld.idx.msk [tilespmem:v4+s20+$0x0], $0xffff  }
0x2e7: {  	v7 =	vmov s26;
	v4 =	vand.u32 $0xFFFFFFFC, v5;
	v5 =	vmov s24;
	v9 =	vld [tilespmem:s21+$0xFFFFFF20];
	[tilespmem:s23+$0xFFFFFF90] =	vst v12  }
0x2e8: {  	v8 =	vbroadcast v4, $0x0;
	v4 =	vand.u32 $0xFFFFFFFD, v5;
	v12 =	vand.u32 $0xFFFFFFFE, v7;
	[tilespmem:s14+$0x20] =	vst v13;
	v7 =	vld.idx.msk [tilespmem:v14+s20+$0x0], $0xffff  }
.Ltmp16:
0x2e9: {  	v5 =	vbroadcast v4, $0x0;
	v12 =	vbroadcast v12, $0x0;
	v11 =	vld [tilespmem:s21+$0x30];
	[tilespmem:s11+$0x40] =	vst v10;
	(pc) =	sbr.rel @p0 .LBB2_20-.Ltmp16, $4  }
0x2ea: {  	v4 =	vshll.u32 v15, $0x4;
	v10 =	vld [tilespmem:s13+$0x80];
	[tilespmem:s23+$0xB0] =	vst v16  }
0x2eb: {  	v4 =	vor.u32 v1, v4;
	v6 =	vld.idx.msk [tilespmem:v6+s17+$0x0], $0xffff  }
0x2ec: {  	[tilespmem:s14+$0xFFFFFF20] =	vst v9;
	v9 =	vld [tilespmem:s10+$0xFFFFFFA0]  }
0x2ed: {  	s21 =	sadd.s32 $0x200, s21;
	v13 =	vld [tilespmem:s1+$0xFFFFFF30];
	[tilespmem:s8+$0xFFFFFFC0] =	vst v17;
	s8 =	smov.u32 s9;
	s9 =	smov.u32 s23  }
.Ltmp17:
0x2ee: {  	_ = 	snop;
	(pc) =	sbr.rel .LBB2_21-.Ltmp17, $1  }
0x2ef: {  	_ =	sdelay $0x3  }
.LBB2_24:
0x2f0: {  	_ =	sfence.sel $0x180000  }
0x2f1: {  	[bflag:$0x0] =	sbarrier.arrive $0xFFFF  }
0x2f2: {  	_ =	strace $0x90000047  }
0x2f3: {  	s0 =	stileid.u32;
	[bflag:$0x2] =	sbarrier.arrive $0xFFFF  }
0x2f4: {  	p0 =	sne.s32 s0, $0x0;
	s0 =	rddreg [dreg:$0x4]  }
0x2f5: {  	s0 =	sadd.s32 @!p0 $0x100000, s0  }
0x2f6: {  	[sflag:s0] =	ssyncadd.tile.s32 @!p0 $0x1;
	_ =	shalt  }
.Lfunc_end2:
_tile_overlayer_lowered:
.L_overlay_start_2:
0x2f7: {  	(tag) =	ssettag $0x2  }
0x2f8: {  	s0 =	rddreg [dreg:$0x0];
	s2 =	stileid.u32  }
0x2f9: {  	s1 =	rddreg [dreg:$0x1];
	p0 =	sne.s32 s2, $0x0  }
0x2fa: {  	s3 =	rddreg [dreg:$0x2];
	[bflag:$0x3] =	sbarrier.arrive $0xFFFF;
	s2 =	simm.s32 @!p0 $0x1C05  }
0x2fb: {  	[timem:s3], [sflag:s2] =	dma.local @!p0 [hbm:s0], s1  }
0x2fc: {  	s0 =	simm.s32 @!p0 $0x5  }
0x2fd: {  	_ =	swait.ge @!p0 [sflag:s0], s1  }
0x2fe: {  	s1 =	ssub.s32 @!p0 $0x0, s1;
	[sflag:s0] =	ssyncset.done @!p0 $0x0  }
0x2ff: {  	[sflag:s0] =	ssyncadd.s32 @!p0 s1  }
0x300: {  	[bflag:$0x3] =	sbarrier.arrive $0xFFFF  }
0x301: {  	_ =	shalt  }

</sc_bundles>
